<compile_context>
chip_gen: v7x
topology: tpu7x:2x2x1
jax: 0.10.2.dev20260603
libtpu: 0.0.44.dev20260713+nightly
codegen_flags: <defaults>
</compile_context>

<pallas_src>
import functools

import jax
import jax.numpy as jnp
from jax import lax
from jax.experimental import pallas as pl
from jax.experimental.pallas import tpu as pltpu
from jax.experimental.pallas import tpu_sc as plsc

_NW = 32
_C = 16
_T_SC = 2816
_BT = 448


def _tc_add(x, emb_table, T_tc):
    B, T, D = x.shape

    def body(x_ref, emb_ref, o_ref):
        o_ref[...] = x_ref[...] + emb_ref[...][None, :, :]

    return pl.pallas_call(
        body,
        grid=(T_tc // _BT,),
        in_specs=[
            pl.BlockSpec((B, _BT, D), lambda i: (0, i, 0)),
            pl.BlockSpec((_BT, D), lambda i: (i, 0)),
        ],
        out_specs=pl.BlockSpec((B, _BT, D), lambda i: (0, i, 0)),
        out_shape=jax.ShapeDtypeStruct((B, T_tc, D), x.dtype),
    )(x, emb_table)


def _sc_add(x, emb_table, t_off, T_sc):
    B, T, D = x.shape
    wpb = _NW // B
    t_per_w = T_sc // wpb
    n_chunks = t_per_w // _C
    mesh = plsc.VectorSubcoreMesh(core_axis_name="c", subcore_axis_name="s")

    @functools.partial(
        pl.kernel, mesh=mesh,
        out_type=jax.ShapeDtypeStruct((B, T_sc, D), jnp.float32),
        scratch_types=[
            pltpu.VMEM((_C, D), jnp.float32),
            pltpu.VMEM((_C, D), jnp.float32),
            pltpu.VMEM((_C, D), jnp.float32),
            pltpu.VMEM((_C, D), jnp.float32),
            pltpu.SemaphoreType.DMA,
            pltpu.SemaphoreType.DMA,
            pltpu.SemaphoreType.DMA,
            pltpu.SemaphoreType.DMA,
        ],
    )
    def k(x_hbm, emb_hbm, out_hbm, x0, x1, e0, e1, si0, si1, so0, so1):
        cid = lax.axis_index("c")
        sid = lax.axis_index("s")
        w = sid * 2 + cid
        b = w // wpb
        t_base = (w % wpb) * t_per_w
        xb = (x0, x1)
        eb = (e0, e1)
        sin = (si0, si1)
        sout = (so0, so1)

        def in_copies(g, p):
            t0 = t_base + g * _C
            return (
                pltpu.make_async_copy(
                    x_hbm.at[b, pl.ds(t_off + t0, _C), :], xb[p], sin[p]),
                pltpu.make_async_copy(
                    emb_hbm.at[pl.ds(t_off + t0, _C), :], eb[p], sin[p]),
            )

        def out_copy(g, p):
            t0 = t_base + g * _C
            return pltpu.make_async_copy(
                xb[p], out_hbm.at[b, pl.ds(t0, _C), :], sout[p])

        def compute(p):
            xv, ev = xb[p], eb[p]

            def row(r, carry):
                for kk in range(D // 16):
                    sl = pl.ds(kk * 16, 16)
                    xv[r, sl] = xv[r, sl] + ev[r, sl]
                return carry

            lax.fori_loop(0, _C, row, 0)

        for cpy in in_copies(0, 0):
            cpy.start()

        def outer(o, carry):
            for p in (0, 1):
                g = 2 * o + p
                for cpy in in_copies(g, p):
                    cpy.wait()

                @pl.when(g + 1 < n_chunks)
                def _():
                    @pl.when(g >= 1)
                    def _():
                        out_copy(g - 1, 1 - p).wait()

                    for cpy in in_copies(g + 1, 1 - p):
                        cpy.start()

                compute(p)
                out_copy(g, p).start()
            return carry

        lax.fori_loop(0, n_chunks // 2, outer, 0)
        out_copy(n_chunks - 2, (n_chunks - 2) % 2).wait()
        out_copy(n_chunks - 1, (n_chunks - 1) % 2).wait()

    return k(x, emb_table)


def kernel(x, emb_table):
    B, T, D = x.shape
    T_tc = T - _T_SC
    tc_out = _tc_add(x, emb_table, T_tc)
    sc_out = _sc_add(x, emb_table, T_tc, _T_SC)
    return jnp.concatenate([tc_out, sc_out], axis=1)

# --- scband reference (transcript-rebuilt; emitter-appended) ---
"""Pipeline reference for scband-learned-positional-emb-81896436400175 (READ-ONLY COPY).

The authoritative reference and input builder live on the scoring server;
editing this copy changes nothing except your own understanding.
"""

import jax, jax.numpy as jnp
import numpy as np

MAX_LEN = 8192
DIM = 1024

def setup_inputs(seed: int = 0) -> dict:
    key = jax.random.key(seed)
    k1, k2 = jax.random.split(key)
    x = jax.random.normal(k1, (4, 8192, 1024), dtype=jnp.float32)
    # nn.Embedding default init: N(0, 1)
    emb_table = jax.random.normal(k2, (MAX_LEN, DIM), dtype=jnp.float32)
    return {"x": x, "emb_table": emb_table}

def reference(x, emb_table):
    T = x.shape[1]
    positions = jnp.arange(T)
    pos_emb = jnp.take(emb_table, positions, axis=0)  # [T, D]
    return x + pos_emb[None, :, :]

if __name__ == "__main__":
    import jax
    _d = setup_inputs()
    print(jax.jit(kernel)(*tuple(_d.values())))

</pallas_src>

<mosaic_0001>
#map = affine_map<(d0, d1) -> (0, 0, 0)>
#map1 = affine_map<(d0, d1) -> (0, 0)>
module attributes {stable_mosaic.version = 14 : i64} {
  func.func @k(%arg0: i32, %arg1: i32, %arg2: memref<4x8192x1024xf32, #tpu.memory_space<hbm>>, %arg3: memref<8192x1024xf32, #tpu.memory_space<hbm>>, %arg4: memref<4x2816x1024xf32, #tpu.memory_space<hbm>>, %arg5: memref<16x1024xf32, #tpu.memory_space<vmem>>, %arg6: memref<16x1024xf32, #tpu.memory_space<vmem>>, %arg7: memref<16x1024xf32, #tpu.memory_space<vmem>>, %arg8: memref<16x1024xf32, #tpu.memory_space<vmem>>, %arg9: memref<!tpu.dma_semaphore, #tpu.memory_space<semaphore_mem>>, %arg10: memref<!tpu.dma_semaphore, #tpu.memory_space<semaphore_mem>>, %arg11: memref<!tpu.dma_semaphore, #tpu.memory_space<semaphore_mem>>, %arg12: memref<!tpu.dma_semaphore, #tpu.memory_space<semaphore_mem>>) attributes {dimension_semantics = [#tpu.dimension_semantics<core_parallel>, #tpu.dimension_semantics<subcore_parallel>], iteration_bounds = array<i64: 2, 16>, scalar_prefetch = 0 : i64, scratch_operands = 8 : i64, tpu.core_type = #tpu.core_type<sc_vector_subcore>, window_params = [{transform_indices = #map}, {transform_indices = #map1}, {transform_indices = #map}]} {
    %mul3A = arith.constant 2 : i32
    %mul3A_0 = arith.muli %arg1, %mul3A : i32
    %add3A = arith.addi %mul3A_0, %arg0 : i32
    %jit3A = arith.constant 8 : i32
    %div3A = arith.divsi %add3A, %jit3A : i32
    %sign3A = arith.constant 0 : i32
    %sign3A_1 = arith.cmpi sgt, %add3A, %sign3A : i32
    %sign3A_2 = arith.extui %sign3A_1 : i1 to i32
    %sign3A_3 = arith.constant 0 : i32
    %sign3A_4 = arith.cmpi slt, %add3A, %sign3A_3 : i32
    %sign3A_5 = arith.extui %sign3A_4 : i1 to i32
    %sign3A_6 = arith.subi %sign3A_2, %sign3A_5 : i32
    %sign3A_7 = arith.constant 0 : i32
    %sign3A_8 = arith.cmpi sgt, %jit3A, %sign3A_7 : i32
    %sign3A_9 = arith.extui %sign3A_8 : i1 to i32
    %sign3A_10 = arith.constant 0 : i32
    %sign3A_11 = arith.cmpi slt, %jit3A, %sign3A_10 : i32
    %sign3A_12 = arith.extui %sign3A_11 : i1 to i32
    %sign3A_13 = arith.subi %sign3A_9, %sign3A_12 : i32
    %ne3A = arith.cmpi ne, %sign3A_6, %sign3A_13 : i32
    %rem3A = arith.remsi %add3A, %jit3A : i32
    %ne3A_14 = arith.constant 0 : i32
    %ne3A_15 = arith.cmpi ne, %rem3A, %ne3A_14 : i32
    %and3A = arith.andi %ne3A, %ne3A_15 : i1
    %sub3A = arith.constant 1 : i32
    %sub3A_16 = arith.subi %div3A, %sub3A : i32
    %select_n3A = arith.select %and3A, %sub3A_16, %div3A : i32
    %jit3A_17 = arith.constant 8 : i32
    %eq3A = arith.constant 0 : i32
    %eq3A_18 = arith.cmpi eq, %jit3A_17, %eq3A : i32
    %jit3A_19 = arith.constant 1 : i32
    %select_n3A_20 = arith.select %eq3A_18, %jit3A_19, %jit3A_17 : i32
    %rem3A_21 = arith.remsi %add3A, %select_n3A_20 : i32
    %ne3A_22 = arith.constant 0 : i32
    %ne3A_23 = arith.cmpi ne, %rem3A_21, %ne3A_22 : i32
    %lt3A = arith.constant 0 : i32
    %lt3A_24 = arith.cmpi slt, %rem3A_21, %lt3A : i32
    %lt3A_25 = arith.constant 0 : i32
    %lt3A_26 = arith.cmpi slt, %select_n3A_20, %lt3A_25 : i32
    %ne3A_27 = arith.xori %lt3A_24, %lt3A_26 : i1
    %and3A_28 = arith.andi %ne3A_27, %ne3A_23 : i1
    %add3A_29 = arith.addi %rem3A_21, %select_n3A_20 : i32
    %select_n3A_30 = arith.select %and3A_28, %add3A_29, %rem3A_21 : i32
    %mul3A_31 = arith.constant 352 : i32
    %mul3A_32 = arith.muli %select_n3A_30, %mul3A_31 : i32
    %add3A_33 = arith.constant 0 : i32
    %add3A_34 = arith.addi %mul3A_32, %add3A_33 : i32
    %add3A_35 = arith.constant 5376 : i32
    %add3A_36 = arith.addi %add3A_35, %add3A_34 : i32
    %add3A_37 = arith.constant 5376 : i32
    %add3A_38 = arith.addi %add3A_37, %add3A_34 : i32
    %dma_start3A = arith.constant 0 : i32
    %dma_start3A_39 = tpu.memref_slice %arg2[%select_n3A, %add3A_36, %dma_start3A] : memref<4x8192x1024xf32, #tpu.memory_space<hbm>> -> memref<1x16x1024xf32, #tpu.memory_space<hbm>>
    %dma_start3A_40 = tpu.memref_squeeze %dma_start3A_39 : memref<1x16x1024xf32, #tpu.memory_space<hbm>> -> memref<16x1024xf32, #tpu.memory_space<hbm>>
    %dma_start3A_41 = arith.constant 0 : i32
    %dma_start3A_42 = tpu.memref_slice %arg2[%select_n3A, %add3A_36, %dma_start3A_41] : memref<4x8192x1024xf32, #tpu.memory_space<hbm>> -> memref<1x16x1024xf32, #tpu.memory_space<hbm>>
    %dma_start3A_43 = tpu.memref_squeeze %dma_start3A_42 : memref<1x16x1024xf32, #tpu.memory_space<hbm>> -> memref<16x1024xf32, #tpu.memory_space<hbm>>
    tpu.enqueue_dma source(%dma_start3A_43 : memref<16x1024xf32, #tpu.memory_space<hbm>>) target(%arg5 : memref<16x1024xf32, #tpu.memory_space<vmem>>) target_semaphore(%arg9 : memref<!tpu.dma_semaphore, #tpu.memory_space<semaphore_mem>>)
    %dma_start3A_44 = arith.constant 0 : i32
    %dma_start3A_45 = tpu.memref_slice %arg3[%add3A_38, %dma_start3A_44] : memref<8192x1024xf32, #tpu.memory_space<hbm>> -> memref<16x1024xf32, #tpu.memory_space<hbm>>
    %dma_start3A_46 = arith.constant 0 : i32
    %dma_start3A_47 = tpu.memref_slice %arg3[%add3A_38, %dma_start3A_46] : memref<8192x1024xf32, #tpu.memory_space<hbm>> -> memref<16x1024xf32, #tpu.memory_space<hbm>>
    tpu.enqueue_dma source(%dma_start3A_47 : memref<16x1024xf32, #tpu.memory_space<hbm>>) target(%arg7 : memref<16x1024xf32, #tpu.memory_space<vmem>>) target_semaphore(%arg9 : memref<!tpu.dma_semaphore, #tpu.memory_space<semaphore_mem>>)
    %scan3A = arith.constant 0 : i32
    %scan3A_48 = arith.constant 0 : i32
    %scan3A_49 = arith.constant 11 : i32
    %scan3A_50 = arith.addi %scan3A_48, %scan3A_49 : i32
    %scan3A_51 = arith.constant 1 : i32
    scf.for %scan3A_68 = %scan3A_48 to %scan3A_50 step %scan3A_51  : i32 {
      %mul3A_69 = arith.constant 2 : i32
      %mul3A_70 = arith.muli %mul3A_69, %scan3A_68 : i32
      %add3A_71 = arith.constant 0 : i32
      %add3A_72 = arith.addi %mul3A_70, %add3A_71 : i32
      %mul3A_73 = arith.constant 16 : i32
      %mul3A_74 = arith.muli %add3A_72, %mul3A_73 : i32
      %add3A_75 = arith.addi %mul3A_32, %mul3A_74 : i32
      %add3A_76 = arith.constant 5376 : i32
      %add3A_77 = arith.addi %add3A_76, %add3A_75 : i32
      %add3A_78 = arith.constant 5376 : i32
      %add3A_79 = arith.addi %add3A_78, %add3A_75 : i32
      %dma_wait3A_80 = arith.constant 0 : i32
      %dma_wait3A_81 = tpu.memref_slice %arg2[%select_n3A, %add3A_77, %dma_wait3A_80] : memref<4x8192x1024xf32, #tpu.memory_space<hbm>> -> memref<1x16x1024xf32, #tpu.memory_space<hbm>>
      %dma_wait3A_82 = tpu.memref_squeeze %dma_wait3A_81 : memref<1x16x1024xf32, #tpu.memory_space<hbm>> -> memref<16x1024xf32, #tpu.memory_space<hbm>>
      %dma_wait3A_83 = arith.constant 0 : i32
      %dma_wait3A_84 = tpu.memref_slice %arg2[%select_n3A, %add3A_77, %dma_wait3A_83] : memref<4x8192x1024xf32, #tpu.memory_space<hbm>> -> memref<1x16x1024xf32, #tpu.memory_space<hbm>>
      %dma_wait3A_85 = tpu.memref_squeeze %dma_wait3A_84 : memref<1x16x1024xf32, #tpu.memory_space<hbm>> -> memref<16x1024xf32, #tpu.memory_space<hbm>>
      tpu.wait_dma2 semaphore(%arg9 : memref<!tpu.dma_semaphore, #tpu.memory_space<semaphore_mem>>) src(%dma_wait3A_85 : memref<16x1024xf32, #tpu.memory_space<hbm>>) dst(%arg5 : memref<16x1024xf32, #tpu.memory_space<vmem>>)
      %dma_wait3A_86 = arith.constant 0 : i32
      %dma_wait3A_87 = tpu.memref_slice %arg3[%add3A_79, %dma_wait3A_86] : memref<8192x1024xf32, #tpu.memory_space<hbm>> -> memref<16x1024xf32, #tpu.memory_space<hbm>>
      %dma_wait3A_88 = arith.constant 0 : i32
      %dma_wait3A_89 = tpu.memref_slice %arg3[%add3A_79, %dma_wait3A_88] : memref<8192x1024xf32, #tpu.memory_space<hbm>> -> memref<16x1024xf32, #tpu.memory_space<hbm>>
      tpu.wait_dma2 semaphore(%arg9 : memref<!tpu.dma_semaphore, #tpu.memory_space<semaphore_mem>>) src(%dma_wait3A_89 : memref<16x1024xf32, #tpu.memory_space<hbm>>) dst(%arg7 : memref<16x1024xf32, #tpu.memory_space<vmem>>)
      %add3A_90 = arith.constant 1 : i32
      %add3A_91 = arith.addi %add3A_72, %add3A_90 : i32
      %lt3A_92 = arith.constant 22 : i32
      %lt3A_93 = arith.cmpi slt, %add3A_91, %lt3A_92 : i32
      %convert_element_type3A = arith.extui %lt3A_93 : i1 to i32
      %cond3A = arith.constant 0 : i32
      %cond3A_94 = arith.cmpi ne, %convert_element_type3A, %cond3A : i32
      scf.if %cond3A_94 {
        %ge3A = arith.constant 1 : i32
        %ge3A_153 = arith.cmpi sge, %add3A_72, %ge3A : i32
        %convert_element_type3A_154 = arith.extui %ge3A_153 : i1 to i32
        %cond3A_155 = arith.constant 0 : i32
        %cond3A_156 = arith.cmpi ne, %convert_element_type3A_154, %cond3A_155 : i32
        scf.if %cond3A_156 {
          %sub3A_176 = arith.constant 1 : i32
          %sub3A_177 = arith.subi %add3A_72, %sub3A_176 : i32
          %mul3A_178 = arith.constant 16 : i32
          %mul3A_179 = arith.muli %sub3A_177, %mul3A_178 : i32
          %add3A_180 = arith.addi %mul3A_32, %mul3A_179 : i32
          %dma_wait3A_181 = arith.constant 0 : i32
          %dma_wait3A_182 = tpu.memref_slice %arg4[%select_n3A, %add3A_180, %dma_wait3A_181] : memref<4x2816x1024xf32, #tpu.memory_space<hbm>> -> memref<1x16x1024xf32, #tpu.memory_space<hbm>>
          %dma_wait3A_183 = tpu.memref_squeeze %dma_wait3A_182 : memref<1x16x1024xf32, #tpu.memory_space<hbm>> -> memref<16x1024xf32, #tpu.memory_space<hbm>>
          %dma_wait3A_184 = arith.constant 0 : i32
          %dma_wait3A_185 = tpu.memref_slice %arg4[%select_n3A, %add3A_180, %dma_wait3A_184] : memref<4x2816x1024xf32, #tpu.memory_space<hbm>> -> memref<1x16x1024xf32, #tpu.memory_space<hbm>>
          %dma_wait3A_186 = tpu.memref_squeeze %dma_wait3A_185 : memref<1x16x1024xf32, #tpu.memory_space<hbm>> -> memref<16x1024xf32, #tpu.memory_space<hbm>>
          tpu.wait_dma2 semaphore(%arg12 : memref<!tpu.dma_semaphore, #tpu.memory_space<semaphore_mem>>) src(%arg6 : memref<16x1024xf32, #tpu.memory_space<vmem>>) dst(%dma_wait3A_186 : memref<16x1024xf32, #tpu.memory_space<hbm>>)
        } else {
        }
        %add3A_157 = arith.constant 1 : i32
        %add3A_158 = arith.addi %add3A_72, %add3A_157 : i32
        %mul3A_159 = arith.constant 16 : i32
        %mul3A_160 = arith.muli %add3A_158, %mul3A_159 : i32
        %add3A_161 = arith.addi %mul3A_32, %mul3A_160 : i32
        %add3A_162 = arith.constant 5376 : i32
        %add3A_163 = arith.addi %add3A_162, %add3A_161 : i32
        %add3A_164 = arith.constant 5376 : i32
        %add3A_165 = arith.addi %add3A_164, %add3A_161 : i32
        %dma_start3A_166 = arith.constant 0 : i32
        %dma_start3A_167 = tpu.memref_slice %arg2[%select_n3A, %add3A_163, %dma_start3A_166] : memref<4x8192x1024xf32, #tpu.memory_space<hbm>> -> memref<1x16x1024xf32, #tpu.memory_space<hbm>>
        %dma_start3A_168 = tpu.memref_squeeze %dma_start3A_167 : memref<1x16x1024xf32, #tpu.memory_space<hbm>> -> memref<16x1024xf32, #tpu.memory_space<hbm>>
        %dma_start3A_169 = arith.constant 0 : i32
        %dma_start3A_170 = tpu.memref_slice %arg2[%select_n3A, %add3A_163, %dma_start3A_169] : memref<4x8192x1024xf32, #tpu.memory_space<hbm>> -> memref<1x16x1024xf32, #tpu.memory_space<hbm>>
        %dma_start3A_171 = tpu.memref_squeeze %dma_start3A_170 : memref<1x16x1024xf32, #tpu.memory_space<hbm>> -> memref<16x1024xf32, #tpu.memory_space<hbm>>
        tpu.enqueue_dma source(%dma_start3A_171 : memref<16x1024xf32, #tpu.memory_space<hbm>>) target(%arg6 : memref<16x1024xf32, #tpu.memory_space<vmem>>) target_semaphore(%arg10 : memref<!tpu.dma_semaphore, #tpu.memory_space<semaphore_mem>>)
        %dma_start3A_172 = arith.constant 0 : i32
        %dma_start3A_173 = tpu.memref_slice %arg3[%add3A_165, %dma_start3A_172] : memref<8192x1024xf32, #tpu.memory_space<hbm>> -> memref<16x1024xf32, #tpu.memory_space<hbm>>
        %dma_start3A_174 = arith.constant 0 : i32
        %dma_start3A_175 = tpu.memref_slice %arg3[%add3A_165, %dma_start3A_174] : memref<8192x1024xf32, #tpu.memory_space<hbm>> -> memref<16x1024xf32, #tpu.memory_space<hbm>>
        tpu.enqueue_dma source(%dma_start3A_175 : memref<16x1024xf32, #tpu.memory_space<hbm>>) target(%arg8 : memref<16x1024xf32, #tpu.memory_space<vmem>>) target_semaphore(%arg10 : memref<!tpu.dma_semaphore, #tpu.memory_space<semaphore_mem>>)
      } else {
      }
      %scan3A_95 = arith.constant 0 : i32
      %scan3A_96 = arith.constant 0 : i32
      %scan3A_97 = arith.constant 16 : i32
      %scan3A_98 = arith.addi %scan3A_96, %scan3A_97 : i32
      %scan3A_99 = arith.constant 1 : i32
      scf.for %scan3A_153 = %scan3A_96 to %scan3A_98 step %scan3A_99  : i32 {
        %get3A = arith.index_cast %scan3A_153 : i32 to index
        %get3A_154 = arith.constant 0 : index
        %get3A_155 = tpu.vector_load %arg5[%get3A, %get3A_154] {strides = array<i32>} : memref<16x1024xf32, #tpu.memory_space<vmem>>, vector<1x16xf32>,
        %get3A_156 = vector.shape_cast %get3A_155 : vector<1x16xf32> to vector<16xf32>
        %get3A_157 = arith.index_cast %scan3A_153 : i32 to index
        %get3A_158 = arith.constant 0 : index
        %get3A_159 = tpu.vector_load %arg7[%get3A_157, %get3A_158] {strides = array<i32>} : memref<16x1024xf32, #tpu.memory_space<vmem>>, vector<1x16xf32>,
        %get3A_160 = vector.shape_cast %get3A_159 : vector<1x16xf32> to vector<16xf32>
        %add3A_161 = arith.addf %get3A_156, %get3A_160 : vector<16xf32>
        %swap3A = arith.index_cast %scan3A_153 : i32 to index
        %swap3A_162 = arith.constant 0 : index
        %swap3A_163 = tpu.vector_load %arg5[%swap3A, %swap3A_162] {strides = array<i32>} : memref<16x1024xf32, #tpu.memory_space<vmem>>, vector<1x16xf32>,
        %swap3A_164 = vector.shape_cast %swap3A_163 : vector<1x16xf32> to vector<16xf32>
        %swap3A_165 = vector.shape_cast %add3A_161 : vector<16xf32> to vector<1x16xf32>
        tpu.vector_store %arg5[%swap3A, %swap3A_162], %swap3A_165 {strides = array<i32>} : memref<16x1024xf32, #tpu.memory_space<vmem>>, vector<1x16xf32>,
        %get3A_166 = arith.index_cast %scan3A_153 : i32 to index
        %get3A_167 = arith.constant 16 : index
        %get3A_168 = tpu.vector_load %arg5[%get3A_166, %get3A_167] {strides = array<i32>} : memref<16x1024xf32, #tpu.memory_space<vmem>>, vector<1x16xf32>,
        %get3A_169 = vector.shape_cast %get3A_168 : vector<1x16xf32> to vector<16xf32>
        %get3A_170 = arith.index_cast %scan3A_153 : i32 to index
        %get3A_171 = arith.constant 16 : index
        %get3A_172 = tpu.vector_load %arg7[%get3A_170, %get3A_171] {strides = array<i32>} : memref<16x1024xf32, #tpu.memory_space<vmem>>, vector<1x16xf32>,
        %get3A_173 = vector.shape_cast %get3A_172 : vector<1x16xf32> to vector<16xf32>
        %add3A_174 = arith.addf %get3A_169, %get3A_173 : vector<16xf32>
        %swap3A_175 = arith.index_cast %scan3A_153 : i32 to index
        %swap3A_176 = arith.constant 16 : index
        %swap3A_177 = tpu.vector_load %arg5[%swap3A_175, %swap3A_176] {strides = array<i32>} : memref<16x1024xf32, #tpu.memory_space<vmem>>, vector<1x16xf32>,
        %swap3A_178 = vector.shape_cast %swap3A_177 : vector<1x16xf32> to vector<16xf32>
        %swap3A_179 = vector.shape_cast %add3A_174 : vector<16xf32> to vector<1x16xf32>
        tpu.vector_store %arg5[%swap3A_175, %swap3A_176], %swap3A_179 {strides = array<i32>} : memref<16x1024xf32, #tpu.memory_space<vmem>>, vector<1x16xf32>,
        %get3A_180 = arith.index_cast %scan3A_153 : i32 to index
        %get3A_181 = arith.constant 32 : index
        %get3A_182 = tpu.vector_load %arg5[%get3A_180, %get3A_181] {strides = array<i32>} : memref<16x1024xf32, #tpu.memory_space<vmem>>, vector<1x16xf32>,
        %get3A_183 = vector.shape_cast %get3A_182 : vector<1x16xf32> to vector<16xf32>
        %get3A_184 = arith.index_cast %scan3A_153 : i32 to index
        %get3A_185 = arith.constant 32 : index
        %get3A_186 = tpu.vector_load %arg7[%get3A_184, %get3A_185] {strides = array<i32>} : memref<16x1024xf32, #tpu.memory_space<vmem>>, vector<1x16xf32>,
        %get3A_187 = vector.shape_cast %get3A_186 : vector<1x16xf32> to vector<16xf32>
        %add3A_188 = arith.addf %get3A_183, %get3A_187 : vector<16xf32>
        %swap3A_189 = arith.index_cast %scan3A_153 : i32 to index
        %swap3A_190 = arith.constant 32 : index
        %swap3A_191 = tpu.vector_load %arg5[%swap3A_189, %swap3A_190] {strides = array<i32>} : memref<16x1024xf32, #tpu.memory_space<vmem>>, vector<1x16xf32>,
        %swap3A_192 = vector.shape_cast %swap3A_191 : vector<1x16xf32> to vector<16xf32>
        %swap3A_193 = vector.shape_cast %add3A_188 : vector<16xf32> to vector<1x16xf32>
        tpu.vector_store %arg5[%swap3A_189, %swap3A_190], %swap3A_193 {strides = array<i32>} : memref<16x1024xf32, #tpu.memory_space<vmem>>, vector<1x16xf32>,
        %get3A_194 = arith.index_cast %scan3A_153 : i32 to index
        %get3A_195 = arith.constant 48 : index
        %get3A_196 = tpu.vector_load %arg5[%get3A_194, %get3A_195] {strides = array<i32>} : memref<16x1024xf32, #tpu.memory_space<vmem>>, vector<1x16xf32>,
        %get3A_197 = vector.shape_cast %get3A_196 : vector<1x16xf32> to vector<16xf32>
        %get3A_198 = arith.index_cast %scan3A_153 : i32 to index
        %get3A_199 = arith.constant 48 : index
        %get3A_200 = tpu.vector_load %arg7[%get3A_198, %get3A_199] {strides = array<i32>} : memref<16x1024xf32, #tpu.memory_space<vmem>>, vector<1x16xf32>,
        %get3A_201 = vector.shape_cast %get3A_200 : vector<1x16xf32> to vector<16xf32>
        %add3A_202 = arith.addf %get3A_197, %get3A_201 : vector<16xf32>
        %swap3A_203 = arith.index_cast %scan3A_153 : i32 to index
        %swap3A_204 = arith.constant 48 : index
        %swap3A_205 = tpu.vector_load %arg5[%swap3A_203, %swap3A_204] {strides = array<i32>} : memref<16x1024xf32, #tpu.memory_space<vmem>>, vector<1x16xf32>,
        %swap3A_206 = vector.shape_cast %swap3A_205 : vector<1x16xf32> to vector<16xf32>
        %swap3A_207 = vector.shape_cast %add3A_202 : vector<16xf32> to vector<1x16xf32>
        tpu.vector_store %arg5[%swap3A_203, %swap3A_204], %swap3A_207 {strides = array<i32>} : memref<16x1024xf32, #tpu.memory_space<vmem>>, vector<1x16xf32>,
        %get3A_208 = arith.index_cast %scan3A_153 : i32 to index
        %get3A_209 = arith.constant 64 : index
        %get3A_210 = tpu.vector_load %arg5[%get3A_208, %get3A_209] {strides = array<i32>} : memref<16x1024xf32, #tpu.memory_space<vmem>>, vector<1x16xf32>,
        %get3A_211 = vector.shape_cast %get3A_210 : vector<1x16xf32> to vector<16xf32>
        %get3A_212 = arith.index_cast %scan3A_153 : i32 to index
        %get3A_213 = arith.constant 64 : index
        %get3A_214 = tpu.vector_load %arg7[%get3A_212, %get3A_213] {strides = array<i32>} : memref<16x1024xf32, #tpu.memory_space<vmem>>, vector<1x16xf32>,
        %get3A_215 = vector.shape_cast %get3A_214 : vector<1x16xf32> to vector<16xf32>
        %add3A_216 = arith.addf %get3A_211, %get3A_215 : vector<16xf32>
        %swap3A_217 = arith.index_cast %scan3A_153 : i32 to index
        %swap3A_218 = arith.constant 64 : index
        %swap3A_219 = tpu.vector_load %arg5[%swap3A_217, %swap3A_218] {strides = array<i32>} : memref<16x1024xf32, #tpu.memory_space<vmem>>, vector<1x16xf32>,
        %swap3A_220 = vector.shape_cast %swap3A_219 : vector<1x16xf32> to vector<16xf32>
        %swap3A_221 = vector.shape_cast %add3A_216 : vector<16xf32> to vector<1x16xf32>
        tpu.vector_store %arg5[%swap3A_217, %swap3A_218], %swap3A_221 {strides = array<i32>} : memref<16x1024xf32, #tpu.memory_space<vmem>>, vector<1x16xf32>,
        %get3A_222 = arith.index_cast %scan3A_153 : i32 to index
        %get3A_223 = arith.constant 80 : index
        %get3A_224 = tpu.vector_load %arg5[%get3A_222, %get3A_223] {strides = array<i32>} : memref<16x1024xf32, #tpu.memory_space<vmem>>, vector<1x16xf32>,
        %get3A_225 = vector.shape_cast %get3A_224 : vector<1x16xf32> to vector<16xf32>
        %get3A_226 = arith.index_cast %scan3A_153 : i32 to index
        %get3A_227 = arith.constant 80 : index
        %get3A_228 = tpu.vector_load %arg7[%get3A_226, %get3A_227] {strides = array<i32>} : memref<16x1024xf32, #tpu.memory_space<vmem>>, vector<1x16xf32>,
        %get3A_229 = vector.shape_cast %get3A_228 : vector<1x16xf32> to vector<16xf32>
        %add3A_230 = arith.addf %get3A_225, %get3A_229 : vector<16xf32>
        %swap3A_231 = arith.index_cast %scan3A_153 : i32 to index
        %swap3A_232 = arith.constant 80 : index
        %swap3A_233 = tpu.vector_load %arg5[%swap3A_231, %swap3A_232] {strides = array<i32>} : memref<16x1024xf32, #tpu.memory_space<vmem>>, vector<1x16xf32>,
        %swap3A_234 = vector.shape_cast %swap3A_233 : vector<1x16xf32> to vector<16xf32>
        %swap3A_235 = vector.shape_cast %add3A_230 : vector<16xf32> to vector<1x16xf32>
        tpu.vector_store %arg5[%swap3A_231, %swap3A_232], %swap3A_235 {strides = array<i32>} : memref<16x1024xf32, #tpu.memory_space<vmem>>, vector<1x16xf32>,
        %get3A_236 = arith.index_cast %scan3A_153 : i32 to index
        %get3A_237 = arith.constant 96 : index
        %get3A_238 = tpu.vector_load %arg5[%get3A_236, %get3A_237] {strides = array<i32>} : memref<16x1024xf32, #tpu.memory_space<vmem>>, vector<1x16xf32>,
        %get3A_239 = vector.shape_cast %get3A_238 : vector<1x16xf32> to vector<16xf32>
        %get3A_240 = arith.index_cast %scan3A_153 : i32 to index
        %get3A_241 = arith.constant 96 : index
        %get3A_242 = tpu.vector_load %arg7[%get3A_240, %get3A_241] {strides = array<i32>} : memref<16x1024xf32, #tpu.memory_space<vmem>>, vector<1x16xf32>,
        %get3A_243 = vector.shape_cast %get3A_242 : vector<1x16xf32> to vector<16xf32>
        %add3A_244 = arith.addf %get3A_239, %get3A_243 : vector<16xf32>
        %swap3A_245 = arith.index_cast %scan3A_153 : i32 to index
        %swap3A_246 = arith.constant 96 : index
        %swap3A_247 = tpu.vector_load %arg5[%swap3A_245, %swap3A_246] {strides = array<i32>} : memref<16x1024xf32, #tpu.memory_space<vmem>>, vector<1x16xf32>,
        %swap3A_248 = vector.shape_cast %swap3A_247 : vector<1x16xf32> to vector<16xf32>
        %swap3A_249 = vector.shape_cast %add3A_244 : vector<16xf32> to vector<1x16xf32>
        tpu.vector_store %arg5[%swap3A_245, %swap3A_246], %swap3A_249 {strides = array<i32>} : memref<16x1024xf32, #tpu.memory_space<vmem>>, vector<1x16xf32>,
        %get3A_250 = arith.index_cast %scan3A_153 : i32 to index
        %get3A_251 = arith.constant 112 : index
        %get3A_252 = tpu.vector_load %arg5[%get3A_250, %get3A_251] {strides = array<i32>} : memref<16x1024xf32, #tpu.memory_space<vmem>>, vector<1x16xf32>,
        %get3A_253 = vector.shape_cast %get3A_252 : vector<1x16xf32> to vector<16xf32>
        %get3A_254 = arith.index_cast %scan3A_153 : i32 to index
        %get3A_255 = arith.constant 112 : index
        %get3A_256 = tpu.vector_load %arg7[%get3A_254, %get3A_255] {strides = array<i32>} : memref<16x1024xf32, #tpu.memory_space<vmem>>, vector<1x16xf32>,
        %get3A_257 = vector.shape_cast %get3A_256 : vector<1x16xf32> to vector<16xf32>
        %add3A_258 = arith.addf %get3A_253, %get3A_257 : vector<16xf32>
        %swap3A_259 = arith.index_cast %scan3A_153 : i32 to index
        %swap3A_260 = arith.constant 112 : index
        %swap3A_261 = tpu.vector_load %arg5[%swap3A_259, %swap3A_260] {strides = array<i32>} : memref<16x1024xf32, #tpu.memory_space<vmem>>, vector<1x16xf32>,
        %swap3A_262 = vector.shape_cast %swap3A_261 : vector<1x16xf32> to vector<16xf32>
        %swap3A_263 = vector.shape_cast %add3A_258 : vector<16xf32> to vector<1x16xf32>
        tpu.vector_store %arg5[%swap3A_259, %swap3A_260], %swap3A_263 {strides = array<i32>} : memref<16x1024xf32, #tpu.memory_space<vmem>>, vector<1x16xf32>,
        %get3A_264 = arith.index_cast %scan3A_153 : i32 to index
        %get3A_265 = arith.constant 128 : index
        %get3A_266 = tpu.vector_load %arg5[%get3A_264, %get3A_265] {strides = array<i32>} : memref<16x1024xf32, #tpu.memory_space<vmem>>, vector<1x16xf32>,
        %get3A_267 = vector.shape_cast %get3A_266 : vector<1x16xf32> to vector<16xf32>
        %get3A_268 = arith.index_cast %scan3A_153 : i32 to index
        %get3A_269 = arith.constant 128 : index
        %get3A_270 = tpu.vector_load %arg7[%get3A_268, %get3A_269] {strides = array<i32>} : memref<16x1024xf32, #tpu.memory_space<vmem>>, vector<1x16xf32>,
        %get3A_271 = vector.shape_cast %get3A_270 : vector<1x16xf32> to vector<16xf32>
        %add3A_272 = arith.addf %get3A_267, %get3A_271 : vector<16xf32>
        %swap3A_273 = arith.index_cast %scan3A_153 : i32 to index
        %swap3A_274 = arith.constant 128 : index
        %swap3A_275 = tpu.vector_load %arg5[%swap3A_273, %swap3A_274] {strides = array<i32>} : memref<16x1024xf32, #tpu.memory_space<vmem>>, vector<1x16xf32>,
        %swap3A_276 = vector.shape_cast %swap3A_275 : vector<1x16xf32> to vector<16xf32>
        %swap3A_277 = vector.shape_cast %add3A_272 : vector<16xf32> to vector<1x16xf32>
        tpu.vector_store %arg5[%swap3A_273, %swap3A_274], %swap3A_277 {strides = array<i32>} : memref<16x1024xf32, #tpu.memory_space<vmem>>, vector<1x16xf32>,
        %get3A_278 = arith.index_cast %scan3A_153 : i32 to index
        %get3A_279 = arith.constant 144 : index
        %get3A_280 = tpu.vector_load %arg5[%get3A_278, %get3A_279] {strides = array<i32>} : memref<16x1024xf32, #tpu.memory_space<vmem>>, vector<1x16xf32>,
        %get3A_281 = vector.shape_cast %get3A_280 : vector<1x16xf32> to vector<16xf32>
        %get3A_282 = arith.index_cast %scan3A_153 : i32 to index
        %get3A_283 = arith.constant 144 : index
        %get3A_284 = tpu.vector_load %arg7[%get3A_282, %get3A_283] {strides = array<i32>} : memref<16x1024xf32, #tpu.memory_space<vmem>>, vector<1x16xf32>,
        %get3A_285 = vector.shape_cast %get3A_284 : vector<1x16xf32> to vector<16xf32>
        %add3A_286 = arith.addf %get3A_281, %get3A_285 : vector<16xf32>
        %swap3A_287 = arith.index_cast %scan3A_153 : i32 to index
        %swap3A_288 = arith.constant 144 : index
        %swap3A_289 = tpu.vector_load %arg5[%swap3A_287, %swap3A_288] {strides = array<i32>} : memref<16x1024xf32, #tpu.memory_space<vmem>>, vector<1x16xf32>,
        %swap3A_290 = vector.shape_cast %swap3A_289 : vector<1x16xf32> to vector<16xf32>
        %swap3A_291 = vector.shape_cast %add3A_286 : vector<16xf32> to vector<1x16xf32>
        tpu.vector_store %arg5[%swap3A_287, %swap3A_288], %swap3A_291 {strides = array<i32>} : memref<16x1024xf32, #tpu.memory_space<vmem>>, vector<1x16xf32>,
        %get3A_292 = arith.index_cast %scan3A_153 : i32 to index
        %get3A_293 = arith.constant 160 : index
        %get3A_294 = tpu.vector_load %arg5[%get3A_292, %get3A_293] {strides = array<i32>} : memref<16x1024xf32, #tpu.memory_space<vmem>>, vector<1x16xf32>,
        %get3A_295 = vector.shape_cast %get3A_294 : vector<1x16xf32> to vector<16xf32>
        %get3A_296 = arith.index_cast %scan3A_153 : i32 to index
        %get3A_297 = arith.constant 160 : index
        %get3A_298 = tpu.vector_load %arg7[%get3A_296, %get3A_297] {strides = array<i32>} : memref<16x1024xf32, #tpu.memory_space<vmem>>, vector<1x16xf32>,
        %get3A_299 = vector.shape_cast %get3A_298 : vector<1x16xf32> to vector<16xf32>
        %add3A_300 = arith.addf %get3A_295, %get3A_299 : vector<16xf32>
        %swap3A_301 = arith.index_cast %scan3A_153 : i32 to index
        %swap3A_302 = arith.constant 160 : index
        %swap3A_303 = tpu.vector_load %arg5[%swap3A_301, %swap3A_302] {strides = array<i32>} : memref<16x1024xf32, #tpu.memory_space<vmem>>, vector<1x16xf32>,
        %swap3A_304 = vector.shape_cast %swap3A_303 : vector<1x16xf32> to vector<16xf32>
        %swap3A_305 = vector.shape_cast %add3A_300 : vector<16xf32> to vector<1x16xf32>
        tpu.vector_store %arg5[%swap3A_301, %swap3A_302], %swap3A_305 {strides = array<i32>} : memref<16x1024xf32, #tpu.memory_space<vmem>>, vector<1x16xf32>,
        %get3A_306 = arith.index_cast %scan3A_153 : i32 to index
        %get3A_307 = arith.constant 176 : index
        %get3A_308 = tpu.vector_load %arg5[%get3A_306, %get3A_307] {strides = array<i32>} : memref<16x1024xf32, #tpu.memory_space<vmem>>, vector<1x16xf32>,
        %get3A_309 = vector.shape_cast %get3A_308 : vector<1x16xf32> to vector<16xf32>
        %get3A_310 = arith.index_cast %scan3A_153 : i32 to index
        %get3A_311 = arith.constant 176 : index
        %get3A_312 = tpu.vector_load %arg7[%get3A_310, %get3A_311] {strides = array<i32>} : memref<16x1024xf32, #tpu.memory_space<vmem>>, vector<1x16xf32>,
        %get3A_313 = vector.shape_cast %get3A_312 : vector<1x16xf32> to vector<16xf32>
        %add3A_314 = arith.addf %get3A_309, %get3A_313 : vector<16xf32>
        %swap3A_315 = arith.index_cast %scan3A_153 : i32 to index
        %swap3A_316 = arith.constant 176 : index
        %swap3A_317 = tpu.vector_load %arg5[%swap3A_315, %swap3A_316] {strides = array<i32>} : memref<16x1024xf32, #tpu.memory_space<vmem>>, vector<1x16xf32>,
        %swap3A_318 = vector.shape_cast %swap3A_317 : vector<1x16xf32> to vector<16xf32>
        %swap3A_319 = vector.shape_cast %add3A_314 : vector<16xf32> to vector<1x16xf32>
        tpu.vector_store %arg5[%swap3A_315, %swap3A_316], %swap3A_319 {strides = array<i32>} : memref<16x1024xf32, #tpu.memory_space<vmem>>, vector<1x16xf32>,
        %get3A_320 = arith.index_cast %scan3A_153 : i32 to index
        %get3A_321 = arith.constant 192 : index
        %get3A_322 = tpu.vector_load %arg5[%get3A_320, %get3A_321] {strides = array<i32>} : memref<16x1024xf32, #tpu.memory_space<vmem>>, vector<1x16xf32>,
        %get3A_323 = vector.shape_cast %get3A_322 : vector<1x16xf32> to vector<16xf32>
        %get3A_324 = arith.index_cast %scan3A_153 : i32 to index
        %get3A_325 = arith.constant 192 : index
        %get3A_326 = tpu.vector_load %arg7[%get3A_324, %get3A_325] {strides = array<i32>} : memref<16x1024xf32, #tpu.memory_space<vmem>>, vector<1x16xf32>,
        %get3A_327 = vector.shape_cast %get3A_326 : vector<1x16xf32> to vector<16xf32>
        %add3A_328 = arith.addf %get3A_323, %get3A_327 : vector<16xf32>
        %swap3A_329 = arith.index_cast %scan3A_153 : i32 to index
        %swap3A_330 = arith.constant 192 : index
        %swap3A_331 = tpu.vector_load %arg5[%swap3A_329, %swap3A_330] {strides = array<i32>} : memref<16x1024xf32, #tpu.memory_space<vmem>>, vector<1x16xf32>,
        %swap3A_332 = vector.shape_cast %swap3A_331 : vector<1x16xf32> to vector<16xf32>
        %swap3A_333 = vector.shape_cast %add3A_328 : vector<16xf32> to vector<1x16xf32>
        tpu.vector_store %arg5[%swap3A_329, %swap3A_330], %swap3A_333 {strides = array<i32>} : memref<16x1024xf32, #tpu.memory_space<vmem>>, vector<1x16xf32>,
        %get3A_334 = arith.index_cast %scan3A_153 : i32 to index
        %get3A_335 = arith.constant 208 : index
        %get3A_336 = tpu.vector_load %arg5[%get3A_334, %get3A_335] {strides = array<i32>} : memref<16x1024xf32, #tpu.memory_space<vmem>>, vector<1x16xf32>,
        %get3A_337 = vector.shape_cast %get3A_336 : vector<1x16xf32> to vector<16xf32>
        %get3A_338 = arith.index_cast %scan3A_153 : i32 to index
        %get3A_339 = arith.constant 208 : index
        %get3A_340 = tpu.vector_load %arg7[%get3A_338, %get3A_339] {strides = array<i32>} : memref<16x1024xf32, #tpu.memory_space<vmem>>, vector<1x16xf32>,
        %get3A_341 = vector.shape_cast %get3A_340 : vector<1x16xf32> to vector<16xf32>
        %add3A_342 = arith.addf %get3A_337, %get3A_341 : vector<16xf32>
        %swap3A_343 = arith.index_cast %scan3A_153 : i32 to index
        %swap3A_344 = arith.constant 208 : index
        %swap3A_345 = tpu.vector_load %arg5[%swap3A_343, %swap3A_344] {strides = array<i32>} : memref<16x1024xf32, #tpu.memory_space<vmem>>, vector<1x16xf32>,
        %swap3A_346 = vector.shape_cast %swap3A_345 : vector<1x16xf32> to vector<16xf32>
        %swap3A_347 = vector.shape_cast %add3A_342 : vector<16xf32> to vector<1x16xf32>
        tpu.vector_store %arg5[%swap3A_343, %swap3A_344], %swap3A_347 {strides = array<i32>} : memref<16x1024xf32, #tpu.memory_space<vmem>>, vector<1x16xf32>,
        %get3A_348 = arith.index_cast %scan3A_153 : i32 to index
        %get3A_349 = arith.constant 224 : index
        %get3A_350 = tpu.vector_load %arg5[%get3A_348, %get3A_349] {strides = array<i32>} : memref<16x1024xf32, #tpu.memory_space<vmem>>, vector<1x16xf32>,
        %get3A_351 = vector.shape_cast %get3A_350 : vector<1x16xf32> to vector<16xf32>
        %get3A_352 = arith.index_cast %scan3A_153 : i32 to index
        %get3A_353 = arith.constant 224 : index
        %get3A_354 = tpu.vector_load %arg7[%get3A_352, %get3A_353] {strides = array<i32>} : memref<16x1024xf32, #tpu.memory_space<vmem>>, vector<1x16xf32>,
        %get3A_355 = vector.shape_cast %get3A_354 : vector<1x16xf32> to vector<16xf32>
        %add3A_356 = arith.addf %get3A_351, %get3A_355 : vector<16xf32>
        %swap3A_357 = arith.index_cast %scan3A_153 : i32 to index
        %swap3A_358 = arith.constant 224 : index
        %swap3A_359 = tpu.vector_load %arg5[%swap3A_357, %swap3A_358] {strides = array<i32>} : memref<16x1024xf32, #tpu.memory_space<vmem>>, vector<1x16xf32>,
        %swap3A_360 = vector.shape_cast %swap3A_359 : vector<1x16xf32> to vector<16xf32>
        %swap3A_361 = vector.shape_cast %add3A_356 : vector<16xf32> to vector<1x16xf32>
        tpu.vector_store %arg5[%swap3A_357, %swap3A_358], %swap3A_361 {strides = array<i32>} : memref<16x1024xf32, #tpu.memory_space<vmem>>, vector<1x16xf32>,
        %get3A_362 = arith.index_cast %scan3A_153 : i32 to index
        %get3A_363 = arith.constant 240 : index
        %get3A_364 = tpu.vector_load %arg5[%get3A_362, %get3A_363] {strides = array<i32>} : memref<16x1024xf32, #tpu.memory_space<vmem>>, vector<1x16xf32>,
        %get3A_365 = vector.shape_cast %get3A_364 : vector<1x16xf32> to vector<16xf32>
        %get3A_366 = arith.index_cast %scan3A_153 : i32 to index
        %get3A_367 = arith.constant 240 : index
        %get3A_368 = tpu.vector_load %arg7[%get3A_366, %get3A_367] {strides = array<i32>} : memref<16x1024xf32, #tpu.memory_space<vmem>>, vector<1x16xf32>,
        %get3A_369 = vector.shape_cast %get3A_368 : vector<1x16xf32> to vector<16xf32>
        %add3A_370 = arith.addf %get3A_365, %get3A_369 : vector<16xf32>
        %swap3A_371 = arith.index_cast %scan3A_153 : i32 to index
        %swap3A_372 = arith.constant 240 : index
        %swap3A_373 = tpu.vector_load %arg5[%swap3A_371, %swap3A_372] {strides = array<i32>} : memref<16x1024xf32, #tpu.memory_space<vmem>>, vector<1x16xf32>,
        %swap3A_374 = vector.shape_cast %swap3A_373 : vector<1x16xf32> to vector<16xf32>
        %swap3A_375 = vector.shape_cast %add3A_370 : vector<16xf32> to vector<1x16xf32>
        tpu.vector_store %arg5[%swap3A_371, %swap3A_372], %swap3A_375 {strides = array<i32>} : memref<16x1024xf32, #tpu.memory_space<vmem>>, vector<1x16xf32>,
        %get3A_376 = arith.index_cast %scan3A_153 : i32 to index
        %get3A_377 = arith.constant 256 : index
        %get3A_378 = tpu.vector_load %arg5[%get3A_376, %get3A_377] {strides = array<i32>} : memref<16x1024xf32, #tpu.memory_space<vmem>>, vector<1x16xf32>,
        %get3A_379 = vector.shape_cast %get3A_378 : vector<1x16xf32> to vector<16xf32>
        %get3A_380 = arith.index_cast %scan3A_153 : i32 to index
        %get3A_381 = arith.constant 256 : index
        %get3A_382 = tpu.vector_load %arg7[%get3A_380, %get3A_381] {strides = array<i32>} : memref<16x1024xf32, #tpu.memory_space<vmem>>, vector<1x16xf32>,
        %get3A_383 = vector.shape_cast %get3A_382 : vector<1x16xf32> to vector<16xf32>
        %add3A_384 = arith.addf %get3A_379, %get3A_383 : vector<16xf32>
        %swap3A_385 = arith.index_cast %scan3A_153 : i32 to index
        %swap3A_386 = arith.constant 256 : index
        %swap3A_387 = tpu.vector_load %arg5[%swap3A_385, %swap3A_386] {strides = array<i32>} : memref<16x1024xf32, #tpu.memory_space<vmem>>, vector<1x16xf32>,
        %swap3A_388 = vector.shape_cast %swap3A_387 : vector<1x16xf32> to vector<16xf32>
        %swap3A_389 = vector.shape_cast %add3A_384 : vector<16xf32> to vector<1x16xf32>
        tpu.vector_store %arg5[%swap3A_385, %swap3A_386], %swap3A_389 {strides = array<i32>} : memref<16x1024xf32, #tpu.memory_space<vmem>>, vector<1x16xf32>,
        %get3A_390 = arith.index_cast %scan3A_153 : i32 to index
        %get3A_391 = arith.constant 272 : index
        %get3A_392 = tpu.vector_load %arg5[%get3A_390, %get3A_391] {strides = array<i32>} : memref<16x1024xf32, #tpu.memory_space<vmem>>, vector<1x16xf32>,
        %get3A_393 = vector.shape_cast %get3A_392 : vector<1x16xf32> to vector<16xf32>
        %get3A_394 = arith.index_cast %scan3A_153 : i32 to index
        %get3A_395 = arith.constant 272 : index
        %get3A_396 = tpu.vector_load %arg7[%get3A_394, %get3A_395] {strides = array<i32>} : memref<16x1024xf32, #tpu.memory_space<vmem>>, vector<1x16xf32>,
        %get3A_397 = vector.shape_cast %get3A_396 : vector<1x16xf32> to vector<16xf32>
        %add3A_398 = arith.addf %get3A_393, %get3A_397 : vector<16xf32>
        %swap3A_399 = arith.index_cast %scan3A_153 : i32 to index
        %swap3A_400 = arith.constant 272 : index
        %swap3A_401 = tpu.vector_load %arg5[%swap3A_399, %swap3A_400] {strides = array<i32>} : memref<16x1024xf32, #tpu.memory_space<vmem>>, vector<1x16xf32>,
        %swap3A_402 = vector.shape_cast %swap3A_401 : vector<1x16xf32> to vector<16xf32>
        %swap3A_403 = vector.shape_cast %add3A_398 : vector<16xf32> to vector<1x16xf32>
        tpu.vector_store %arg5[%swap3A_399, %swap3A_400], %swap3A_403 {strides = array<i32>} : memref<16x1024xf32, #tpu.memory_space<vmem>>, vector<1x16xf32>,
        %get3A_404 = arith.index_cast %scan3A_153 : i32 to index
        %get3A_405 = arith.constant 288 : index
        %get3A_406 = tpu.vector_load %arg5[%get3A_404, %get3A_405] {strides = array<i32>} : memref<16x1024xf32, #tpu.memory_space<vmem>>, vector<1x16xf32>,
        %get3A_407 = vector.shape_cast %get3A_406 : vector<1x16xf32> to vector<16xf32>
        %get3A_408 = arith.index_cast %scan3A_153 : i32 to index
        %get3A_409 = arith.constant 288 : index
        %get3A_410 = tpu.vector_load %arg7[%get3A_408, %get3A_409] {strides = array<i32>} : memref<16x1024xf32, #tpu.memory_space<vmem>>, vector<1x16xf32>,
        %get3A_411 = vector.shape_cast %get3A_410 : vector<1x16xf32> to vector<16xf32>
        %add3A_412 = arith.addf %get3A_407, %get3A_411 : vector<16xf32>
        %swap3A_413 = arith.index_cast %scan3A_153 : i32 to index
        %swap3A_414 = arith.constant 288 : index
        %swap3A_415 = tpu.vector_load %arg5[%swap3A_413, %swap3A_414] {strides = array<i32>} : memref<16x1024xf32, #tpu.memory_space<vmem>>, vector<1x16xf32>,
        %swap3A_416 = vector.shape_cast %swap3A_415 : vector<1x16xf32> to vector<16xf32>
        %swap3A_417 = vector.shape_cast %add3A_412 : vector<16xf32> to vector<1x16xf32>
        tpu.vector_store %arg5[%swap3A_413, %swap3A_414], %swap3A_417 {strides = array<i32>} : memref<16x1024xf32, #tpu.memory_space<vmem>>, vector<1x16xf32>,
        %get3A_418 = arith.index_cast %scan3A_153 : i32 to index
        %get3A_419 = arith.constant 304 : index
        %get3A_420 = tpu.vector_load %arg5[%get3A_418, %get3A_419] {strides = array<i32>} : memref<16x1024xf32, #tpu.memory_space<vmem>>, vector<1x16xf32>,
        %get3A_421 = vector.shape_cast %get3A_420 : vector<1x16xf32> to vector<16xf32>
        %get3A_422 = arith.index_cast %scan3A_153 : i32 to index
        %get3A_423 = arith.constant 304 : index
        %get3A_424 = tpu.vector_load %arg7[%get3A_422, %get3A_423] {strides = array<i32>} : memref<16x1024xf32, #tpu.memory_space<vmem>>, vector<1x16xf32>,
        %get3A_425 = vector.shape_cast %get3A_424 : vector<1x16xf32> to vector<16xf32>
        %add3A_426 = arith.addf %get3A_421, %get3A_425 : vector<16xf32>
        %swap3A_427 = arith.index_cast %scan3A_153 : i32 to index
        %swap3A_428 = arith.constant 304 : index
        %swap3A_429 = tpu.vector_load %arg5[%swap3A_427, %swap3A_428] {strides = array<i32>} : memref<16x1024xf32, #tpu.memory_space<vmem>>, vector<1x16xf32>,
        %swap3A_430 = vector.shape_cast %swap3A_429 : vector<1x16xf32> to vector<16xf32>
        %swap3A_431 = vector.shape_cast %add3A_426 : vector<16xf32> to vector<1x16xf32>
        tpu.vector_store %arg5[%swap3A_427, %swap3A_428], %swap3A_431 {strides = array<i32>} : memref<16x1024xf32, #tpu.memory_space<vmem>>, vector<1x16xf32>,
        %get3A_432 = arith.index_cast %scan3A_153 : i32 to index
        %get3A_433 = arith.constant 320 : index
        %get3A_434 = tpu.vector_load %arg5[%get3A_432, %get3A_433] {strides = array<i32>} : memref<16x1024xf32, #tpu.memory_space<vmem>>, vector<1x16xf32>,
        %get3A_435 = vector.shape_cast %get3A_434 : vector<1x16xf32> to vector<16xf32>
        %get3A_436 = arith.index_cast %scan3A_153 : i32 to index
        %get3A_437 = arith.constant 320 : index
        %get3A_438 = tpu.vector_load %arg7[%get3A_436, %get3A_437] {strides = array<i32>} : memref<16x1024xf32, #tpu.memory_space<vmem>>, vector<1x16xf32>,
        %get3A_439 = vector.shape_cast %get3A_438 : vector<1x16xf32> to vector<16xf32>
        %add3A_440 = arith.addf %get3A_435, %get3A_439 : vector<16xf32>
        %swap3A_441 = arith.index_cast %scan3A_153 : i32 to index
        %swap3A_442 = arith.constant 320 : index
        %swap3A_443 = tpu.vector_load %arg5[%swap3A_441, %swap3A_442] {strides = array<i32>} : memref<16x1024xf32, #tpu.memory_space<vmem>>, vector<1x16xf32>,
        %swap3A_444 = vector.shape_cast %swap3A_443 : vector<1x16xf32> to vector<16xf32>
        %swap3A_445 = vector.shape_cast %add3A_440 : vector<16xf32> to vector<1x16xf32>
        tpu.vector_store %arg5[%swap3A_441, %swap3A_442], %swap3A_445 {strides = array<i32>} : memref<16x1024xf32, #tpu.memory_space<vmem>>, vector<1x16xf32>,
        %get3A_446 = arith.index_cast %scan3A_153 : i32 to index
        %get3A_447 = arith.constant 336 : index
        %get3A_448 = tpu.vector_load %arg5[%get3A_446, %get3A_447] {strides = array<i32>} : memref<16x1024xf32, #tpu.memory_space<vmem>>, vector<1x16xf32>,
        %get3A_449 = vector.shape_cast %get3A_448 : vector<1x16xf32> to vector<16xf32>
        %get3A_450 = arith.index_cast %scan3A_153 : i32 to index
        %get3A_451 = arith.constant 336 : index
        %get3A_452 = tpu.vector_load %arg7[%get3A_450, %get3A_451] {strides = array<i32>} : memref<16x1024xf32, #tpu.memory_space<vmem>>, vector<1x16xf32>,
        %get3A_453 = vector.shape_cast %get3A_452 : vector<1x16xf32> to vector<16xf32>
        %add3A_454 = arith.addf %get3A_449, %get3A_453 : vector<16xf32>
        %swap3A_455 = arith.index_cast %scan3A_153 : i32 to index
        %swap3A_456 = arith.constant 336 : index
        %swap3A_457 = tpu.vector_load %arg5[%swap3A_455, %swap3A_456] {strides = array<i32>} : memref<16x1024xf32, #tpu.memory_space<vmem>>, vector<1x16xf32>,
        %swap3A_458 = vector.shape_cast %swap3A_457 : vector<1x16xf32> to vector<16xf32>
        %swap3A_459 = vector.shape_cast %add3A_454 : vector<16xf32> to vector<1x16xf32>
        tpu.vector_store %arg5[%swap3A_455, %swap3A_456], %swap3A_459 {strides = array<i32>} : memref<16x1024xf32, #tpu.memory_space<vmem>>, vector<1x16xf32>,
        %get3A_460 = arith.index_cast %scan3A_153 : i32 to index
        %get3A_461 = arith.constant 352 : index
        %get3A_462 = tpu.vector_load %arg5[%get3A_460, %get3A_461] {strides = array<i32>} : memref<16x1024xf32, #tpu.memory_space<vmem>>, vector<1x16xf32>,
        %get3A_463 = vector.shape_cast %get3A_462 : vector<1x16xf32> to vector<16xf32>
        %get3A_464 = arith.index_cast %scan3A_153 : i32 to index
        %get3A_465 = arith.constant 352 : index
        %get3A_466 = tpu.vector_load %arg7[%get3A_464, %get3A_465] {strides = array<i32>} : memref<16x1024xf32, #tpu.memory_space<vmem>>, vector<1x16xf32>,
        %get3A_467 = vector.shape_cast %get3A_466 : vector<1x16xf32> to vector<16xf32>
        %add3A_468 = arith.addf %get3A_463, %get3A_467 : vector<16xf32>
        %swap3A_469 = arith.index_cast %scan3A_153 : i32 to index
        %swap3A_470 = arith.constant 352 : index
        %swap3A_471 = tpu.vector_load %arg5[%swap3A_469, %swap3A_470] {strides = array<i32>} : memref<16x1024xf32, #tpu.memory_space<vmem>>, vector<1x16xf32>,
        %swap3A_472 = vector.shape_cast %swap3A_471 : vector<1x16xf32> to vector<16xf32>
        %swap3A_473 = vector.shape_cast %add3A_468 : vector<16xf32> to vector<1x16xf32>
        tpu.vector_store %arg5[%swap3A_469, %swap3A_470], %swap3A_473 {strides = array<i32>} : memref<16x1024xf32, #tpu.memory_space<vmem>>, vector<1x16xf32>,
        %get3A_474 = arith.index_cast %scan3A_153 : i32 to index
        %get3A_475 = arith.constant 368 : index
        %get3A_476 = tpu.vector_load %arg5[%get3A_474, %get3A_475] {strides = array<i32>} : memref<16x1024xf32, #tpu.memory_space<vmem>>, vector<1x16xf32>,
        %get3A_477 = vector.shape_cast %get3A_476 : vector<1x16xf32> to vector<16xf32>
        %get3A_478 = arith.index_cast %scan3A_153 : i32 to index
        %get3A_479 = arith.constant 368 : index
        %get3A_480 = tpu.vector_load %arg7[%get3A_478, %get3A_479] {strides = array<i32>} : memref<16x1024xf32, #tpu.memory_space<vmem>>, vector<1x16xf32>,
        %get3A_481 = vector.shape_cast %get3A_480 : vector<1x16xf32> to vector<16xf32>
        %add3A_482 = arith.addf %get3A_477, %get3A_481 : vector<16xf32>
        %swap3A_483 = arith.index_cast %scan3A_153 : i32 to index
        %swap3A_484 = arith.constant 368 : index
        %swap3A_485 = tpu.vector_load %arg5[%swap3A_483, %swap3A_484] {strides = array<i32>} : memref<16x1024xf32, #tpu.memory_space<vmem>>, vector<1x16xf32>,
        %swap3A_486 = vector.shape_cast %swap3A_485 : vector<1x16xf32> to vector<16xf32>
        %swap3A_487 = vector.shape_cast %add3A_482 : vector<16xf32> to vector<1x16xf32>
        tpu.vector_store %arg5[%swap3A_483, %swap3A_484], %swap3A_487 {strides = array<i32>} : memref<16x1024xf32, #tpu.memory_space<vmem>>, vector<1x16xf32>,
        %get3A_488 = arith.index_cast %scan3A_153 : i32 to index
        %get3A_489 = arith.constant 384 : index
        %get3A_490 = tpu.vector_load %arg5[%get3A_488, %get3A_489] {strides = array<i32>} : memref<16x1024xf32, #tpu.memory_space<vmem>>, vector<1x16xf32>,
        %get3A_491 = vector.shape_cast %get3A_490 : vector<1x16xf32> to vector<16xf32>
        %get3A_492 = arith.index_cast %scan3A_153 : i32 to index
        %get3A_493 = arith.constant 384 : index
        %get3A_494 = tpu.vector_load %arg7[%get3A_492, %get3A_493] {strides = array<i32>} : memref<16x1024xf32, #tpu.memory_space<vmem>>, vector<1x16xf32>,
        %get3A_495 = vector.shape_cast %get3A_494 : vector<1x16xf32> to vector<16xf32>
        %add3A_496 = arith.addf %get3A_491, %get3A_495 : vector<16xf32>
        %swap3A_497 = arith.index_cast %scan3A_153 : i32 to index
        %swap3A_498 = arith.constant 384 : index
        %swap3A_499 = tpu.vector_load %arg5[%swap3A_497, %swap3A_498] {strides = array<i32>} : memref<16x1024xf32, #tpu.memory_space<vmem>>, vector<1x16xf32>,
        %swap3A_500 = vector.shape_cast %swap3A_499 : vector<1x16xf32> to vector<16xf32>
        %swap3A_501 = vector.shape_cast %add3A_496 : vector<16xf32> to vector<1x16xf32>
        tpu.vector_store %arg5[%swap3A_497, %swap3A_498], %swap3A_501 {strides = array<i32>} : memref<16x1024xf32, #tpu.memory_space<vmem>>, vector<1x16xf32>,
        %get3A_502 = arith.index_cast %scan3A_153 : i32 to index
        %get3A_503 = arith.constant 400 : index
        %get3A_504 = tpu.vector_load %arg5[%get3A_502, %get3A_503] {strides = array<i32>} : memref<16x1024xf32, #tpu.memory_space<vmem>>, vector<1x16xf32>,
        %get3A_505 = vector.shape_cast %get3A_504 : vector<1x16xf32> to vector<16xf32>
        %get3A_506 = arith.index_cast %scan3A_153 : i32 to index
        %get3A_507 = arith.constant 400 : index
        %get3A_508 = tpu.vector_load %arg7[%get3A_506, %get3A_507] {strides = array<i32>} : memref<16x1024xf32, #tpu.memory_space<vmem>>, vector<1x16xf32>,
        %get3A_509 = vector.shape_cast %get3A_508 : vector<1x16xf32> to vector<16xf32>
        %add3A_510 = arith.addf %get3A_505, %get3A_509 : vector<16xf32>
        %swap3A_511 = arith.index_cast %scan3A_153 : i32 to index
        %swap3A_512 = arith.constant 400 : index
        %swap3A_513 = tpu.vector_load %arg5[%swap3A_511, %swap3A_512] {strides = array<i32>} : memref<16x1024xf32, #tpu.memory_space<vmem>>, vector<1x16xf32>,
        %swap3A_514 = vector.shape_cast %swap3A_513 : vector<1x16xf32> to vector<16xf32>
        %swap3A_515 = vector.shape_cast %add3A_510 : vector<16xf32> to vector<1x16xf32>
        tpu.vector_store %arg5[%swap3A_511, %swap3A_512], %swap3A_515 {strides = array<i32>} : memref<16x1024xf32, #tpu.memory_space<vmem>>, vector<1x16xf32>,
        %get3A_516 = arith.index_cast %scan3A_153 : i32 to index
        %get3A_517 = arith.constant 416 : index
        %get3A_518 = tpu.vector_load %arg5[%get3A_516, %get3A_517] {strides = array<i32>} : memref<16x1024xf32, #tpu.memory_space<vmem>>, vector<1x16xf32>,
        %get3A_519 = vector.shape_cast %get3A_518 : vector<1x16xf32> to vector<16xf32>
        %get3A_520 = arith.index_cast %scan3A_153 : i32 to index
        %get3A_521 = arith.constant 416 : index
        %get3A_522 = tpu.vector_load %arg7[%get3A_520, %get3A_521] {strides = array<i32>} : memref<16x1024xf32, #tpu.memory_space<vmem>>, vector<1x16xf32>,
        %get3A_523 = vector.shape_cast %get3A_522 : vector<1x16xf32> to vector<16xf32>
        %add3A_524 = arith.addf %get3A_519, %get3A_523 : vector<16xf32>
        %swap3A_525 = arith.index_cast %scan3A_153 : i32 to index
        %swap3A_526 = arith.constant 416 : index
        %swap3A_527 = tpu.vector_load %arg5[%swap3A_525, %swap3A_526] {strides = array<i32>} : memref<16x1024xf32, #tpu.memory_space<vmem>>, vector<1x16xf32>,
        %swap3A_528 = vector.shape_cast %swap3A_527 : vector<1x16xf32> to vector<16xf32>
        %swap3A_529 = vector.shape_cast %add3A_524 : vector<16xf32> to vector<1x16xf32>
        tpu.vector_store %arg5[%swap3A_525, %swap3A_526], %swap3A_529 {strides = array<i32>} : memref<16x1024xf32, #tpu.memory_space<vmem>>, vector<1x16xf32>,
        %get3A_530 = arith.index_cast %scan3A_153 : i32 to index
        %get3A_531 = arith.constant 432 : index
        %get3A_532 = tpu.vector_load %arg5[%get3A_530, %get3A_531] {strides = array<i32>} : memref<16x1024xf32, #tpu.memory_space<vmem>>, vector<1x16xf32>,
        %get3A_533 = vector.shape_cast %get3A_532 : vector<1x16xf32> to vector<16xf32>
        %get3A_534 = arith.index_cast %scan3A_153 : i32 to index
        %get3A_535 = arith.constant 432 : index
        %get3A_536 = tpu.vector_load %arg7[%get3A_534, %get3A_535] {strides = array<i32>} : memref<16x1024xf32, #tpu.memory_space<vmem>>, vector<1x16xf32>,
        %get3A_537 = vector.shape_cast %get3A_536 : vector<1x16xf32> to vector<16xf32>
        %add3A_538 = arith.addf %get3A_533, %get3A_537 : vector<16xf32>
        %swap3A_539 = arith.index_cast %scan3A_153 : i32 to index
        %swap3A_540 = arith.constant 432 : index
        %swap3A_541 = tpu.vector_load %arg5[%swap3A_539, %swap3A_540] {strides = array<i32>} : memref<16x1024xf32, #tpu.memory_space<vmem>>, vector<1x16xf32>,
        %swap3A_542 = vector.shape_cast %swap3A_541 : vector<1x16xf32> to vector<16xf32>
        %swap3A_543 = vector.shape_cast %add3A_538 : vector<16xf32> to vector<1x16xf32>
        tpu.vector_store %arg5[%swap3A_539, %swap3A_540], %swap3A_543 {strides = array<i32>} : memref<16x1024xf32, #tpu.memory_space<vmem>>, vector<1x16xf32>,
        %get3A_544 = arith.index_cast %scan3A_153 : i32 to index
        %get3A_545 = arith.constant 448 : index
        %get3A_546 = tpu.vector_load %arg5[%get3A_544, %get3A_545] {strides = array<i32>} : memref<16x1024xf32, #tpu.memory_space<vmem>>, vector<1x16xf32>,
        %get3A_547 = vector.shape_cast %get3A_546 : vector<1x16xf32> to vector<16xf32>
        %get3A_548 = arith.index_cast %scan3A_153 : i32 to index
        %get3A_549 = arith.constant 448 : index
        %get3A_550 = tpu.vector_load %arg7[%get3A_548, %get3A_549] {strides = array<i32>} : memref<16x1024xf32, #tpu.memory_space<vmem>>, vector<1x16xf32>,
        %get3A_551 = vector.shape_cast %get3A_550 : vector<1x16xf32> to vector<16xf32>
        %add3A_552 = arith.addf %get3A_547, %get3A_551 : vector<16xf32>
        %swap3A_553 = arith.index_cast %scan3A_153 : i32 to index
        %swap3A_554 = arith.constant 448 : index
        %swap3A_555 = tpu.vector_load %arg5[%swap3A_553, %swap3A_554] {strides = array<i32>} : memref<16x1024xf32, #tpu.memory_space<vmem>>, vector<1x16xf32>,
        %swap3A_556 = vector.shape_cast %swap3A_555 : vector<1x16xf32> to vector<16xf32>
        %swap3A_557 = vector.shape_cast %add3A_552 : vector<16xf32> to vector<1x16xf32>
        tpu.vector_store %arg5[%swap3A_553, %swap3A_554], %swap3A_557 {strides = array<i32>} : memref<16x1024xf32, #tpu.memory_space<vmem>>, vector<1x16xf32>,
        %get3A_558 = arith.index_cast %scan3A_153 : i32 to index
        %get3A_559 = arith.constant 464 : index
        %get3A_560 = tpu.vector_load %arg5[%get3A_558, %get3A_559] {strides = array<i32>} : memref<16x1024xf32, #tpu.memory_space<vmem>>, vector<1x16xf32>,
        %get3A_561 = vector.shape_cast %get3A_560 : vector<1x16xf32> to vector<16xf32>
        %get3A_562 = arith.index_cast %scan3A_153 : i32 to index
        %get3A_563 = arith.constant 464 : index
        %get3A_564 = tpu.vector_load %arg7[%get3A_562, %get3A_563] {strides = array<i32>} : memref<16x1024xf32, #tpu.memory_space<vmem>>, vector<1x16xf32>,
        %get3A_565 = vector.shape_cast %get3A_564 : vector<1x16xf32> to vector<16xf32>
        %add3A_566 = arith.addf %get3A_561, %get3A_565 : vector<16xf32>
        %swap3A_567 = arith.index_cast %scan3A_153 : i32 to index
        %swap3A_568 = arith.constant 464 : index
        %swap3A_569 = tpu.vector_load %arg5[%swap3A_567, %swap3A_568] {strides = array<i32>} : memref<16x1024xf32, #tpu.memory_space<vmem>>, vector<1x16xf32>,
        %swap3A_570 = vector.shape_cast %swap3A_569 : vector<1x16xf32> to vector<16xf32>
        %swap3A_571 = vector.shape_cast %add3A_566 : vector<16xf32> to vector<1x16xf32>
        tpu.vector_store %arg5[%swap3A_567, %swap3A_568], %swap3A_571 {strides = array<i32>} : memref<16x1024xf32, #tpu.memory_space<vmem>>, vector<1x16xf32>,
        %get3A_572 = arith.index_cast %scan3A_153 : i32 to index
        %get3A_573 = arith.constant 480 : index
        %get3A_574 = tpu.vector_load %arg5[%get3A_572, %get3A_573] {strides = array<i32>} : memref<16x1024xf32, #tpu.memory_space<vmem>>, vector<1x16xf32>,
        %get3A_575 = vector.shape_cast %get3A_574 : vector<1x16xf32> to vector<16xf32>
        %get3A_576 = arith.index_cast %scan3A_153 : i32 to index
        %get3A_577 = arith.constant 480 : index
        %get3A_578 = tpu.vector_load %arg7[%get3A_576, %get3A_577] {strides = array<i32>} : memref<16x1024xf32, #tpu.memory_space<vmem>>, vector<1x16xf32>,
        %get3A_579 = vector.shape_cast %get3A_578 : vector<1x16xf32> to vector<16xf32>
        %add3A_580 = arith.addf %get3A_575, %get3A_579 : vector<16xf32>
        %swap3A_581 = arith.index_cast %scan3A_153 : i32 to index
        %swap3A_582 = arith.constant 480 : index
        %swap3A_583 = tpu.vector_load %arg5[%swap3A_581, %swap3A_582] {strides = array<i32>} : memref<16x1024xf32, #tpu.memory_space<vmem>>, vector<1x16xf32>,
        %swap3A_584 = vector.shape_cast %swap3A_583 : vector<1x16xf32> to vector<16xf32>
        %swap3A_585 = vector.shape_cast %add3A_580 : vector<16xf32> to vector<1x16xf32>
        tpu.vector_store %arg5[%swap3A_581, %swap3A_582], %swap3A_585 {strides = array<i32>} : memref<16x1024xf32, #tpu.memory_space<vmem>>, vector<1x16xf32>,
        %get3A_586 = arith.index_cast %scan3A_153 : i32 to index
        %get3A_587 = arith.constant 496 : index
        %get3A_588 = tpu.vector_load %arg5[%get3A_586, %get3A_587] {strides = array<i32>} : memref<16x1024xf32, #tpu.memory_space<vmem>>, vector<1x16xf32>,
        %get3A_589 = vector.shape_cast %get3A_588 : vector<1x16xf32> to vector<16xf32>
        %get3A_590 = arith.index_cast %scan3A_153 : i32 to index
        %get3A_591 = arith.constant 496 : index
        %get3A_592 = tpu.vector_load %arg7[%get3A_590, %get3A_591] {strides = array<i32>} : memref<16x1024xf32, #tpu.memory_space<vmem>>, vector<1x16xf32>,
        %get3A_593 = vector.shape_cast %get3A_592 : vector<1x16xf32> to vector<16xf32>
        %add3A_594 = arith.addf %get3A_589, %get3A_593 : vector<16xf32>
        %swap3A_595 = arith.index_cast %scan3A_153 : i32 to index
        %swap3A_596 = arith.constant 496 : index
        %swap3A_597 = tpu.vector_load %arg5[%swap3A_595, %swap3A_596] {strides = array<i32>} : memref<16x1024xf32, #tpu.memory_space<vmem>>, vector<1x16xf32>,
        %swap3A_598 = vector.shape_cast %swap3A_597 : vector<1x16xf32> to vector<16xf32>
        %swap3A_599 = vector.shape_cast %add3A_594 : vector<16xf32> to vector<1x16xf32>
        tpu.vector_store %arg5[%swap3A_595, %swap3A_596], %swap3A_599 {strides = array<i32>} : memref<16x1024xf32, #tpu.memory_space<vmem>>, vector<1x16xf32>,
        %get3A_600 = arith.index_cast %scan3A_153 : i32 to index
        %get3A_601 = arith.constant 512 : index
        %get3A_602 = tpu.vector_load %arg5[%get3A_600, %get3A_601] {strides = array<i32>} : memref<16x1024xf32, #tpu.memory_space<vmem>>, vector<1x16xf32>,
        %get3A_603 = vector.shape_cast %get3A_602 : vector<1x16xf32> to vector<16xf32>
        %get3A_604 = arith.index_cast %scan3A_153 : i32 to index
        %get3A_605 = arith.constant 512 : index
        %get3A_606 = tpu.vector_load %arg7[%get3A_604, %get3A_605] {strides = array<i32>} : memref<16x1024xf32, #tpu.memory_space<vmem>>, vector<1x16xf32>,
        %get3A_607 = vector.shape_cast %get3A_606 : vector<1x16xf32> to vector<16xf32>
        %add3A_608 = arith.addf %get3A_603, %get3A_607 : vector<16xf32>
        %swap3A_609 = arith.index_cast %scan3A_153 : i32 to index
        %swap3A_610 = arith.constant 512 : index
        %swap3A_611 = tpu.vector_load %arg5[%swap3A_609, %swap3A_610] {strides = array<i32>} : memref<16x1024xf32, #tpu.memory_space<vmem>>, vector<1x16xf32>,
        %swap3A_612 = vector.shape_cast %swap3A_611 : vector<1x16xf32> to vector<16xf32>
        %swap3A_613 = vector.shape_cast %add3A_608 : vector<16xf32> to vector<1x16xf32>
        tpu.vector_store %arg5[%swap3A_609, %swap3A_610], %swap3A_613 {strides = array<i32>} : memref<16x1024xf32, #tpu.memory_space<vmem>>, vector<1x16xf32>,
        %get3A_614 = arith.index_cast %scan3A_153 : i32 to index
        %get3A_615 = arith.constant 528 : index
        %get3A_616 = tpu.vector_load %arg5[%get3A_614, %get3A_615] {strides = array<i32>} : memref<16x1024xf32, #tpu.memory_space<vmem>>, vector<1x16xf32>,
        %get3A_617 = vector.shape_cast %get3A_616 : vector<1x16xf32> to vector<16xf32>
        %get3A_618 = arith.index_cast %scan3A_153 : i32 to index
        %get3A_619 = arith.constant 528 : index
        %get3A_620 = tpu.vector_load %arg7[%get3A_618, %get3A_619] {strides = array<i32>} : memref<16x1024xf32, #tpu.memory_space<vmem>>, vector<1x16xf32>,
        %get3A_621 = vector.shape_cast %get3A_620 : vector<1x16xf32> to vector<16xf32>
        %add3A_622 = arith.addf %get3A_617, %get3A_621 : vector<16xf32>
        %swap3A_623 = arith.index_cast %scan3A_153 : i32 to index
        %swap3A_624 = arith.constant 528 : index
        %swap3A_625 = tpu.vector_load %arg5[%swap3A_623, %swap3A_624] {strides = array<i32>} : memref<16x1024xf32, #tpu.memory_space<vmem>>, vector<1x16xf32>,
        %swap3A_626 = vector.shape_cast %swap3A_625 : vector<1x16xf32> to vector<16xf32>
        %swap3A_627 = vector.shape_cast %add3A_622 : vector<16xf32> to vector<1x16xf32>
        tpu.vector_store %arg5[%swap3A_623, %swap3A_624], %swap3A_627 {strides = array<i32>} : memref<16x1024xf32, #tpu.memory_space<vmem>>, vector<1x16xf32>,
        %get3A_628 = arith.index_cast %scan3A_153 : i32 to index
        %get3A_629 = arith.constant 544 : index
        %get3A_630 = tpu.vector_load %arg5[%get3A_628, %get3A_629] {strides = array<i32>} : memref<16x1024xf32, #tpu.memory_space<vmem>>, vector<1x16xf32>,
        %get3A_631 = vector.shape_cast %get3A_630 : vector<1x16xf32> to vector<16xf32>
        %get3A_632 = arith.index_cast %scan3A_153 : i32 to index
        %get3A_633 = arith.constant 544 : index
        %get3A_634 = tpu.vector_load %arg7[%get3A_632, %get3A_633] {strides = array<i32>} : memref<16x1024xf32, #tpu.memory_space<vmem>>, vector<1x16xf32>,
        %get3A_635 = vector.shape_cast %get3A_634 : vector<1x16xf32> to vector<16xf32>
        %add3A_636 = arith.addf %get3A_631, %get3A_635 : vector<16xf32>
        %swap3A_637 = arith.index_cast %scan3A_153 : i32 to index
        %swap3A_638 = arith.constant 544 : index
        %swap3A_639 = tpu.vector_load %arg5[%swap3A_637, %swap3A_638] {strides = array<i32>} : memref<16x1024xf32, #tpu.memory_space<vmem>>, vector<1x16xf32>,
        %swap3A_640 = vector.shape_cast %swap3A_639 : vector<1x16xf32> to vector<16xf32>
        %swap3A_641 = vector.shape_cast %add3A_636 : vector<16xf32> to vector<1x16xf32>
        tpu.vector_store %arg5[%swap3A_637, %swap3A_638], %swap3A_641 {strides = array<i32>} : memref<16x1024xf32, #tpu.memory_space<vmem>>, vector<1x16xf32>,
        %get3A_642 = arith.index_cast %scan3A_153 : i32 to index
        %get3A_643 = arith.constant 560 : index
        %get3A_644 = tpu.vector_load %arg5[%get3A_642, %get3A_643] {strides = array<i32>} : memref<16x1024xf32, #tpu.memory_space<vmem>>, vector<1x16xf32>,
        %get3A_645 = vector.shape_cast %get3A_644 : vector<1x16xf32> to vector<16xf32>
        %get3A_646 = arith.index_cast %scan3A_153 : i32 to index
        %get3A_647 = arith.constant 560 : index
        %get3A_648 = tpu.vector_load %arg7[%get3A_646, %get3A_647] {strides = array<i32>} : memref<16x1024xf32, #tpu.memory_space<vmem>>, vector<1x16xf32>,
        %get3A_649 = vector.shape_cast %get3A_648 : vector<1x16xf32> to vector<16xf32>
        %add3A_650 = arith.addf %get3A_645, %get3A_649 : vector<16xf32>
        %swap3A_651 = arith.index_cast %scan3A_153 : i32 to index
        %swap3A_652 = arith.constant 560 : index
        %swap3A_653 = tpu.vector_load %arg5[%swap3A_651, %swap3A_652] {strides = array<i32>} : memref<16x1024xf32, #tpu.memory_space<vmem>>, vector<1x16xf32>,
        %swap3A_654 = vector.shape_cast %swap3A_653 : vector<1x16xf32> to vector<16xf32>
        %swap3A_655 = vector.shape_cast %add3A_650 : vector<16xf32> to vector<1x16xf32>
        tpu.vector_store %arg5[%swap3A_651, %swap3A_652], %swap3A_655 {strides = array<i32>} : memref<16x1024xf32, #tpu.memory_space<vmem>>, vector<1x16xf32>,
        %get3A_656 = arith.index_cast %scan3A_153 : i32 to index
        %get3A_657 = arith.constant 576 : index
        %get3A_658 = tpu.vector_load %arg5[%get3A_656, %get3A_657] {strides = array<i32>} : memref<16x1024xf32, #tpu.memory_space<vmem>>, vector<1x16xf32>,
        %get3A_659 = vector.shape_cast %get3A_658 : vector<1x16xf32> to vector<16xf32>
        %get3A_660 = arith.index_cast %scan3A_153 : i32 to index
        %get3A_661 = arith.constant 576 : index
        %get3A_662 = tpu.vector_load %arg7[%get3A_660, %get3A_661] {strides = array<i32>} : memref<16x1024xf32, #tpu.memory_space<vmem>>, vector<1x16xf32>,
        %get3A_663 = vector.shape_cast %get3A_662 : vector<1x16xf32> to vector<16xf32>
        %add3A_664 = arith.addf %get3A_659, %get3A_663 : vector<16xf32>
        %swap3A_665 = arith.index_cast %scan3A_153 : i32 to index
        %swap3A_666 = arith.constant 576 : index
        %swap3A_667 = tpu.vector_load %arg5[%swap3A_665, %swap3A_666] {strides = array<i32>} : memref<16x1024xf32, #tpu.memory_space<vmem>>, vector<1x16xf32>,
        %swap3A_668 = vector.shape_cast %swap3A_667 : vector<1x16xf32> to vector<16xf32>
        %swap3A_669 = vector.shape_cast %add3A_664 : vector<16xf32> to vector<1x16xf32>
        tpu.vector_store %arg5[%swap3A_665, %swap3A_666], %swap3A_669 {strides = array<i32>} : memref<16x1024xf32, #tpu.memory_space<vmem>>, vector<1x16xf32>,
        %get3A_670 = arith.index_cast %scan3A_153 : i32 to index
        %get3A_671 = arith.constant 592 : index
        %get3A_672 = tpu.vector_load %arg5[%get3A_670, %get3A_671] {strides = array<i32>} : memref<16x1024xf32, #tpu.memory_space<vmem>>, vector<1x16xf32>,
        %get3A_673 = vector.shape_cast %get3A_672 : vector<1x16xf32> to vector<16xf32>
        %get3A_674 = arith.index_cast %scan3A_153 : i32 to index
        %get3A_675 = arith.constant 592 : index
        %get3A_676 = tpu.vector_load %arg7[%get3A_674, %get3A_675] {strides = array<i32>} : memref<16x1024xf32, #tpu.memory_space<vmem>>, vector<1x16xf32>,
        %get3A_677 = vector.shape_cast %get3A_676 : vector<1x16xf32> to vector<16xf32>
        %add3A_678 = arith.addf %get3A_673, %get3A_677 : vector<16xf32>
        %swap3A_679 = arith.index_cast %scan3A_153 : i32 to index
        %swap3A_680 = arith.constant 592 : index
        %swap3A_681 = tpu.vector_load %arg5[%swap3A_679, %swap3A_680] {strides = array<i32>} : memref<16x1024xf32, #tpu.memory_space<vmem>>, vector<1x16xf32>,
        %swap3A_682 = vector.shape_cast %swap3A_681 : vector<1x16xf32> to vector<16xf32>
        %swap3A_683 = vector.shape_cast %add3A_678 : vector<16xf32> to vector<1x16xf32>
        tpu.vector_store %arg5[%swap3A_679, %swap3A_680], %swap3A_683 {strides = array<i32>} : memref<16x1024xf32, #tpu.memory_space<vmem>>, vector<1x16xf32>,
        %get3A_684 = arith.index_cast %scan3A_153 : i32 to index
        %get3A_685 = arith.constant 608 : index
        %get3A_686 = tpu.vector_load %arg5[%get3A_684, %get3A_685] {strides = array<i32>} : memref<16x1024xf32, #tpu.memory_space<vmem>>, vector<1x16xf32>,
        %get3A_687 = vector.shape_cast %get3A_686 : vector<1x16xf32> to vector<16xf32>
        %get3A_688 = arith.index_cast %scan3A_153 : i32 to index
        %get3A_689 = arith.constant 608 : index
        %get3A_690 = tpu.vector_load %arg7[%get3A_688, %get3A_689] {strides = array<i32>} : memref<16x1024xf32, #tpu.memory_space<vmem>>, vector<1x16xf32>,
        %get3A_691 = vector.shape_cast %get3A_690 : vector<1x16xf32> to vector<16xf32>
        %add3A_692 = arith.addf %get3A_687, %get3A_691 : vector<16xf32>
        %swap3A_693 = arith.index_cast %scan3A_153 : i32 to index
        %swap3A_694 = arith.constant 608 : index
        %swap3A_695 = tpu.vector_load %arg5[%swap3A_693, %swap3A_694] {strides = array<i32>} : memref<16x1024xf32, #tpu.memory_space<vmem>>, vector<1x16xf32>,
        %swap3A_696 = vector.shape_cast %swap3A_695 : vector<1x16xf32> to vector<16xf32>
        %swap3A_697 = vector.shape_cast %add3A_692 : vector<16xf32> to vector<1x16xf32>
        tpu.vector_store %arg5[%swap3A_693, %swap3A_694], %swap3A_697 {strides = array<i32>} : memref<16x1024xf32, #tpu.memory_space<vmem>>, vector<1x16xf32>,
        %get3A_698 = arith.index_cast %scan3A_153 : i32 to index
        %get3A_699 = arith.constant 624 : index
        %get3A_700 = tpu.vector_load %arg5[%get3A_698, %get3A_699] {strides = array<i32>} : memref<16x1024xf32, #tpu.memory_space<vmem>>, vector<1x16xf32>,
        %get3A_701 = vector.shape_cast %get3A_700 : vector<1x16xf32> to vector<16xf32>
        %get3A_702 = arith.index_cast %scan3A_153 : i32 to index
        %get3A_703 = arith.constant 624 : index
        %get3A_704 = tpu.vector_load %arg7[%get3A_702, %get3A_703] {strides = array<i32>} : memref<16x1024xf32, #tpu.memory_space<vmem>>, vector<1x16xf32>,
        %get3A_705 = vector.shape_cast %get3A_704 : vector<1x16xf32> to vector<16xf32>
        %add3A_706 = arith.addf %get3A_701, %get3A_705 : vector<16xf32>
        %swap3A_707 = arith.index_cast %scan3A_153 : i32 to index
        %swap3A_708 = arith.constant 624 : index
        %swap3A_709 = tpu.vector_load %arg5[%swap3A_707, %swap3A_708] {strides = array<i32>} : memref<16x1024xf32, #tpu.memory_space<vmem>>, vector<1x16xf32>,
        %swap3A_710 = vector.shape_cast %swap3A_709 : vector<1x16xf32> to vector<16xf32>
        %swap3A_711 = vector.shape_cast %add3A_706 : vector<16xf32> to vector<1x16xf32>
        tpu.vector_store %arg5[%swap3A_707, %swap3A_708], %swap3A_711 {strides = array<i32>} : memref<16x1024xf32, #tpu.memory_space<vmem>>, vector<1x16xf32>,
        %get3A_712 = arith.index_cast %scan3A_153 : i32 to index
        %get3A_713 = arith.constant 640 : index
        %get3A_714 = tpu.vector_load %arg5[%get3A_712, %get3A_713] {strides = array<i32>} : memref<16x1024xf32, #tpu.memory_space<vmem>>, vector<1x16xf32>,
        %get3A_715 = vector.shape_cast %get3A_714 : vector<1x16xf32> to vector<16xf32>
        %get3A_716 = arith.index_cast %scan3A_153 : i32 to index
        %get3A_717 = arith.constant 640 : index
        %get3A_718 = tpu.vector_load %arg7[%get3A_716, %get3A_717] {strides = array<i32>} : memref<16x1024xf32, #tpu.memory_space<vmem>>, vector<1x16xf32>,
        %get3A_719 = vector.shape_cast %get3A_718 : vector<1x16xf32> to vector<16xf32>
        %add3A_720 = arith.addf %get3A_715, %get3A_719 : vector<16xf32>
        %swap3A_721 = arith.index_cast %scan3A_153 : i32 to index
        %swap3A_722 = arith.constant 640 : index
        %swap3A_723 = tpu.vector_load %arg5[%swap3A_721, %swap3A_722] {strides = array<i32>} : memref<16x1024xf32, #tpu.memory_space<vmem>>, vector<1x16xf32>,
        %swap3A_724 = vector.shape_cast %swap3A_723 : vector<1x16xf32> to vector<16xf32>
        %swap3A_725 = vector.shape_cast %add3A_720 : vector<16xf32> to vector<1x16xf32>
        tpu.vector_store %arg5[%swap3A_721, %swap3A_722], %swap3A_725 {strides = array<i32>} : memref<16x1024xf32, #tpu.memory_space<vmem>>, vector<1x16xf32>,
        %get3A_726 = arith.index_cast %scan3A_153 : i32 to index
        %get3A_727 = arith.constant 656 : index
        %get3A_728 = tpu.vector_load %arg5[%get3A_726, %get3A_727] {strides = array<i32>} : memref<16x1024xf32, #tpu.memory_space<vmem>>, vector<1x16xf32>,
        %get3A_729 = vector.shape_cast %get3A_728 : vector<1x16xf32> to vector<16xf32>
        %get3A_730 = arith.index_cast %scan3A_153 : i32 to index
        %get3A_731 = arith.constant 656 : index
        %get3A_732 = tpu.vector_load %arg7[%get3A_730, %get3A_731] {strides = array<i32>} : memref<16x1024xf32, #tpu.memory_space<vmem>>, vector<1x16xf32>,
        %get3A_733 = vector.shape_cast %get3A_732 : vector<1x16xf32> to vector<16xf32>
        %add3A_734 = arith.addf %get3A_729, %get3A_733 : vector<16xf32>
        %swap3A_735 = arith.index_cast %scan3A_153 : i32 to index
        %swap3A_736 = arith.constant 656 : index
        %swap3A_737 = tpu.vector_load %arg5[%swap3A_735, %swap3A_736] {strides = array<i32>} : memref<16x1024xf32, #tpu.memory_space<vmem>>, vector<1x16xf32>,
        %swap3A_738 = vector.shape_cast %swap3A_737 : vector<1x16xf32> to vector<16xf32>
        %swap3A_739 = vector.shape_cast %add3A_734 : vector<16xf32> to vector<1x16xf32>
        tpu.vector_store %arg5[%swap3A_735, %swap3A_736], %swap3A_739 {strides = array<i32>} : memref<16x1024xf32, #tpu.memory_space<vmem>>, vector<1x16xf32>,
        %get3A_740 = arith.index_cast %scan3A_153 : i32 to index
        %get3A_741 = arith.constant 672 : index
        %get3A_742 = tpu.vector_load %arg5[%get3A_740, %get3A_741] {strides = array<i32>} : memref<16x1024xf32, #tpu.memory_space<vmem>>, vector<1x16xf32>,
        %get3A_743 = vector.shape_cast %get3A_742 : vector<1x16xf32> to vector<16xf32>
        %get3A_744 = arith.index_cast %scan3A_153 : i32 to index
        %get3A_745 = arith.constant 672 : index
        %get3A_746 = tpu.vector_load %arg7[%get3A_744, %get3A_745] {strides = array<i32>} : memref<16x1024xf32, #tpu.memory_space<vmem>>, vector<1x16xf32>,
        %get3A_747 = vector.shape_cast %get3A_746 : vector<1x16xf32> to vector<16xf32>
        %add3A_748 = arith.addf %get3A_743, %get3A_747 : vector<16xf32>
        %swap3A_749 = arith.index_cast %scan3A_153 : i32 to index
        %swap3A_750 = arith.constant 672 : index
        %swap3A_751 = tpu.vector_load %arg5[%swap3A_749, %swap3A_750] {strides = array<i32>} : memref<16x1024xf32, #tpu.memory_space<vmem>>, vector<1x16xf32>,
        %swap3A_752 = vector.shape_cast %swap3A_751 : vector<1x16xf32> to vector<16xf32>
        %swap3A_753 = vector.shape_cast %add3A_748 : vector<16xf32> to vector<1x16xf32>
        tpu.vector_store %arg5[%swap3A_749, %swap3A_750], %swap3A_753 {strides = array<i32>} : memref<16x1024xf32, #tpu.memory_space<vmem>>, vector<1x16xf32>,
        %get3A_754 = arith.index_cast %scan3A_153 : i32 to index
        %get3A_755 = arith.constant 688 : index
        %get3A_756 = tpu.vector_load %arg5[%get3A_754, %get3A_755] {strides = array<i32>} : memref<16x1024xf32, #tpu.memory_space<vmem>>, vector<1x16xf32>,
        %get3A_757 = vector.shape_cast %get3A_756 : vector<1x16xf32> to vector<16xf32>
        %get3A_758 = arith.index_cast %scan3A_153 : i32 to index
        %get3A_759 = arith.constant 688 : index
        %get3A_760 = tpu.vector_load %arg7[%get3A_758, %get3A_759] {strides = array<i32>} : memref<16x1024xf32, #tpu.memory_space<vmem>>, vector<1x16xf32>,
        %get3A_761 = vector.shape_cast %get3A_760 : vector<1x16xf32> to vector<16xf32>
        %add3A_762 = arith.addf %get3A_757, %get3A_761 : vector<16xf32>
        %swap3A_763 = arith.index_cast %scan3A_153 : i32 to index
        %swap3A_764 = arith.constant 688 : index
        %swap3A_765 = tpu.vector_load %arg5[%swap3A_763, %swap3A_764] {strides = array<i32>} : memref<16x1024xf32, #tpu.memory_space<vmem>>, vector<1x16xf32>,
        %swap3A_766 = vector.shape_cast %swap3A_765 : vector<1x16xf32> to vector<16xf32>
        %swap3A_767 = vector.shape_cast %add3A_762 : vector<16xf32> to vector<1x16xf32>
        tpu.vector_store %arg5[%swap3A_763, %swap3A_764], %swap3A_767 {strides = array<i32>} : memref<16x1024xf32, #tpu.memory_space<vmem>>, vector<1x16xf32>,
        %get3A_768 = arith.index_cast %scan3A_153 : i32 to index
        %get3A_769 = arith.constant 704 : index
        %get3A_770 = tpu.vector_load %arg5[%get3A_768, %get3A_769] {strides = array<i32>} : memref<16x1024xf32, #tpu.memory_space<vmem>>, vector<1x16xf32>,
        %get3A_771 = vector.shape_cast %get3A_770 : vector<1x16xf32> to vector<16xf32>
        %get3A_772 = arith.index_cast %scan3A_153 : i32 to index
        %get3A_773 = arith.constant 704 : index
        %get3A_774 = tpu.vector_load %arg7[%get3A_772, %get3A_773] {strides = array<i32>} : memref<16x1024xf32, #tpu.memory_space<vmem>>, vector<1x16xf32>,
        %get3A_775 = vector.shape_cast %get3A_774 : vector<1x16xf32> to vector<16xf32>
        %add3A_776 = arith.addf %get3A_771, %get3A_775 : vector<16xf32>
        %swap3A_777 = arith.index_cast %scan3A_153 : i32 to index
        %swap3A_778 = arith.constant 704 : index
        %swap3A_779 = tpu.vector_load %arg5[%swap3A_777, %swap3A_778] {strides = array<i32>} : memref<16x1024xf32, #tpu.memory_space<vmem>>, vector<1x16xf32>,
        %swap3A_780 = vector.shape_cast %swap3A_779 : vector<1x16xf32> to vector<16xf32>
        %swap3A_781 = vector.shape_cast %add3A_776 : vector<16xf32> to vector<1x16xf32>
        tpu.vector_store %arg5[%swap3A_777, %swap3A_778], %swap3A_781 {strides = array<i32>} : memref<16x1024xf32, #tpu.memory_space<vmem>>, vector<1x16xf32>,
        %get3A_782 = arith.index_cast %scan3A_153 : i32 to index
        %get3A_783 = arith.constant 720 : index
        %get3A_784 = tpu.vector_load %arg5[%get3A_782, %get3A_783] {strides = array<i32>} : memref<16x1024xf32, #tpu.memory_space<vmem>>, vector<1x16xf32>,
        %get3A_785 = vector.shape_cast %get3A_784 : vector<1x16xf32> to vector<16xf32>
        %get3A_786 = arith.index_cast %scan3A_153 : i32 to index
        %get3A_787 = arith.constant 720 : index
        %get3A_788 = tpu.vector_load %arg7[%get3A_786, %get3A_787] {strides = array<i32>} : memref<16x1024xf32, #tpu.memory_space<vmem>>, vector<1x16xf32>,
        %get3A_789 = vector.shape_cast %get3A_788 : vector<1x16xf32> to vector<16xf32>
        %add3A_790 = arith.addf %get3A_785, %get3A_789 : vector<16xf32>
        %swap3A_791 = arith.index_cast %scan3A_153 : i32 to index
        %swap3A_792 = arith.constant 720 : index
        %swap3A_793 = tpu.vector_load %arg5[%swap3A_791, %swap3A_792] {strides = array<i32>} : memref<16x1024xf32, #tpu.memory_space<vmem>>, vector<1x16xf32>,
        %swap3A_794 = vector.shape_cast %swap3A_793 : vector<1x16xf32> to vector<16xf32>
        %swap3A_795 = vector.shape_cast %add3A_790 : vector<16xf32> to vector<1x16xf32>
        tpu.vector_store %arg5[%swap3A_791, %swap3A_792], %swap3A_795 {strides = array<i32>} : memref<16x1024xf32, #tpu.memory_space<vmem>>, vector<1x16xf32>,
        %get3A_796 = arith.index_cast %scan3A_153 : i32 to index
        %get3A_797 = arith.constant 736 : index
        %get3A_798 = tpu.vector_load %arg5[%get3A_796, %get3A_797] {strides = array<i32>} : memref<16x1024xf32, #tpu.memory_space<vmem>>, vector<1x16xf32>,
        %get3A_799 = vector.shape_cast %get3A_798 : vector<1x16xf32> to vector<16xf32>
        %get3A_800 = arith.index_cast %scan3A_153 : i32 to index
        %get3A_801 = arith.constant 736 : index
        %get3A_802 = tpu.vector_load %arg7[%get3A_800, %get3A_801] {strides = array<i32>} : memref<16x1024xf32, #tpu.memory_space<vmem>>, vector<1x16xf32>,
        %get3A_803 = vector.shape_cast %get3A_802 : vector<1x16xf32> to vector<16xf32>
        %add3A_804 = arith.addf %get3A_799, %get3A_803 : vector<16xf32>
        %swap3A_805 = arith.index_cast %scan3A_153 : i32 to index
        %swap3A_806 = arith.constant 736 : index
        %swap3A_807 = tpu.vector_load %arg5[%swap3A_805, %swap3A_806] {strides = array<i32>} : memref<16x1024xf32, #tpu.memory_space<vmem>>, vector<1x16xf32>,
        %swap3A_808 = vector.shape_cast %swap3A_807 : vector<1x16xf32> to vector<16xf32>
        %swap3A_809 = vector.shape_cast %add3A_804 : vector<16xf32> to vector<1x16xf32>
        tpu.vector_store %arg5[%swap3A_805, %swap3A_806], %swap3A_809 {strides = array<i32>} : memref<16x1024xf32, #tpu.memory_space<vmem>>, vector<1x16xf32>,
        %get3A_810 = arith.index_cast %scan3A_153 : i32 to index
        %get3A_811 = arith.constant 752 : index
        %get3A_812 = tpu.vector_load %arg5[%get3A_810, %get3A_811] {strides = array<i32>} : memref<16x1024xf32, #tpu.memory_space<vmem>>, vector<1x16xf32>,
        %get3A_813 = vector.shape_cast %get3A_812 : vector<1x16xf32> to vector<16xf32>
        %get3A_814 = arith.index_cast %scan3A_153 : i32 to index
        %get3A_815 = arith.constant 752 : index
        %get3A_816 = tpu.vector_load %arg7[%get3A_814, %get3A_815] {strides = array<i32>} : memref<16x1024xf32, #tpu.memory_space<vmem>>, vector<1x16xf32>,
        %get3A_817 = vector.shape_cast %get3A_816 : vector<1x16xf32> to vector<16xf32>
        %add3A_818 = arith.addf %get3A_813, %get3A_817 : vector<16xf32>
        %swap3A_819 = arith.index_cast %scan3A_153 : i32 to index
        %swap3A_820 = arith.constant 752 : index
        %swap3A_821 = tpu.vector_load %arg5[%swap3A_819, %swap3A_820] {strides = array<i32>} : memref<16x1024xf32, #tpu.memory_space<vmem>>, vector<1x16xf32>,
        %swap3A_822 = vector.shape_cast %swap3A_821 : vector<1x16xf32> to vector<16xf32>
        %swap3A_823 = vector.shape_cast %add3A_818 : vector<16xf32> to vector<1x16xf32>
        tpu.vector_store %arg5[%swap3A_819, %swap3A_820], %swap3A_823 {strides = array<i32>} : memref<16x1024xf32, #tpu.memory_space<vmem>>, vector<1x16xf32>,
        %get3A_824 = arith.index_cast %scan3A_153 : i32 to index
        %get3A_825 = arith.constant 768 : index
        %get3A_826 = tpu.vector_load %arg5[%get3A_824, %get3A_825] {strides = array<i32>} : memref<16x1024xf32, #tpu.memory_space<vmem>>, vector<1x16xf32>,
        %get3A_827 = vector.shape_cast %get3A_826 : vector<1x16xf32> to vector<16xf32>
        %get3A_828 = arith.index_cast %scan3A_153 : i32 to index
        %get3A_829 = arith.constant 768 : index
        %get3A_830 = tpu.vector_load %arg7[%get3A_828, %get3A_829] {strides = array<i32>} : memref<16x1024xf32, #tpu.memory_space<vmem>>, vector<1x16xf32>,
        %get3A_831 = vector.shape_cast %get3A_830 : vector<1x16xf32> to vector<16xf32>
        %add3A_832 = arith.addf %get3A_827, %get3A_831 : vector<16xf32>
        %swap3A_833 = arith.index_cast %scan3A_153 : i32 to index
        %swap3A_834 = arith.constant 768 : index
        %swap3A_835 = tpu.vector_load %arg5[%swap3A_833, %swap3A_834] {strides = array<i32>} : memref<16x1024xf32, #tpu.memory_space<vmem>>, vector<1x16xf32>,
        %swap3A_836 = vector.shape_cast %swap3A_835 : vector<1x16xf32> to vector<16xf32>
        %swap3A_837 = vector.shape_cast %add3A_832 : vector<16xf32> to vector<1x16xf32>
        tpu.vector_store %arg5[%swap3A_833, %swap3A_834], %swap3A_837 {strides = array<i32>} : memref<16x1024xf32, #tpu.memory_space<vmem>>, vector<1x16xf32>,
        %get3A_838 = arith.index_cast %scan3A_153 : i32 to index
        %get3A_839 = arith.constant 784 : index
        %get3A_840 = tpu.vector_load %arg5[%get3A_838, %get3A_839] {strides = array<i32>} : memref<16x1024xf32, #tpu.memory_space<vmem>>, vector<1x16xf32>,
        %get3A_841 = vector.shape_cast %get3A_840 : vector<1x16xf32> to vector<16xf32>
        %get3A_842 = arith.index_cast %scan3A_153 : i32 to index
        %get3A_843 = arith.constant 784 : index
        %get3A_844 = tpu.vector_load %arg7[%get3A_842, %get3A_843] {strides = array<i32>} : memref<16x1024xf32, #tpu.memory_space<vmem>>, vector<1x16xf32>,
        %get3A_845 = vector.shape_cast %get3A_844 : vector<1x16xf32> to vector<16xf32>
        %add3A_846 = arith.addf %get3A_841, %get3A_845 : vector<16xf32>
        %swap3A_847 = arith.index_cast %scan3A_153 : i32 to index
        %swap3A_848 = arith.constant 784 : index
        %swap3A_849 = tpu.vector_load %arg5[%swap3A_847, %swap3A_848] {strides = array<i32>} : memref<16x1024xf32, #tpu.memory_space<vmem>>, vector<1x16xf32>,
        %swap3A_850 = vector.shape_cast %swap3A_849 : vector<1x16xf32> to vector<16xf32>
        %swap3A_851 = vector.shape_cast %add3A_846 : vector<16xf32> to vector<1x16xf32>
        tpu.vector_store %arg5[%swap3A_847, %swap3A_848], %swap3A_851 {strides = array<i32>} : memref<16x1024xf32, #tpu.memory_space<vmem>>, vector<1x16xf32>,
        %get3A_852 = arith.index_cast %scan3A_153 : i32 to index
        %get3A_853 = arith.constant 800 : index
        %get3A_854 = tpu.vector_load %arg5[%get3A_852, %get3A_853] {strides = array<i32>} : memref<16x1024xf32, #tpu.memory_space<vmem>>, vector<1x16xf32>,
        %get3A_855 = vector.shape_cast %get3A_854 : vector<1x16xf32> to vector<16xf32>
        %get3A_856 = arith.index_cast %scan3A_153 : i32 to index
        %get3A_857 = arith.constant 800 : index
        %get3A_858 = tpu.vector_load %arg7[%get3A_856, %get3A_857] {strides = array<i32>} : memref<16x1024xf32, #tpu.memory_space<vmem>>, vector<1x16xf32>,
        %get3A_859 = vector.shape_cast %get3A_858 : vector<1x16xf32> to vector<16xf32>
        %add3A_860 = arith.addf %get3A_855, %get3A_859 : vector<16xf32>
        %swap3A_861 = arith.index_cast %scan3A_153 : i32 to index
        %swap3A_862 = arith.constant 800 : index
        %swap3A_863 = tpu.vector_load %arg5[%swap3A_861, %swap3A_862] {strides = array<i32>} : memref<16x1024xf32, #tpu.memory_space<vmem>>, vector<1x16xf32>,
        %swap3A_864 = vector.shape_cast %swap3A_863 : vector<1x16xf32> to vector<16xf32>
        %swap3A_865 = vector.shape_cast %add3A_860 : vector<16xf32> to vector<1x16xf32>
        tpu.vector_store %arg5[%swap3A_861, %swap3A_862], %swap3A_865 {strides = array<i32>} : memref<16x1024xf32, #tpu.memory_space<vmem>>, vector<1x16xf32>,
        %get3A_866 = arith.index_cast %scan3A_153 : i32 to index
        %get3A_867 = arith.constant 816 : index
        %get3A_868 = tpu.vector_load %arg5[%get3A_866, %get3A_867] {strides = array<i32>} : memref<16x1024xf32, #tpu.memory_space<vmem>>, vector<1x16xf32>,
        %get3A_869 = vector.shape_cast %get3A_868 : vector<1x16xf32> to vector<16xf32>
        %get3A_870 = arith.index_cast %scan3A_153 : i32 to index
        %get3A_871 = arith.constant 816 : index
        %get3A_872 = tpu.vector_load %arg7[%get3A_870, %get3A_871] {strides = array<i32>} : memref<16x1024xf32, #tpu.memory_space<vmem>>, vector<1x16xf32>,
        %get3A_873 = vector.shape_cast %get3A_872 : vector<1x16xf32> to vector<16xf32>
        %add3A_874 = arith.addf %get3A_869, %get3A_873 : vector<16xf32>
        %swap3A_875 = arith.index_cast %scan3A_153 : i32 to index
        %swap3A_876 = arith.constant 816 : index
        %swap3A_877 = tpu.vector_load %arg5[%swap3A_875, %swap3A_876] {strides = array<i32>} : memref<16x1024xf32, #tpu.memory_space<vmem>>, vector<1x16xf32>,
        %swap3A_878 = vector.shape_cast %swap3A_877 : vector<1x16xf32> to vector<16xf32>
        %swap3A_879 = vector.shape_cast %add3A_874 : vector<16xf32> to vector<1x16xf32>
        tpu.vector_store %arg5[%swap3A_875, %swap3A_876], %swap3A_879 {strides = array<i32>} : memref<16x1024xf32, #tpu.memory_space<vmem>>, vector<1x16xf32>,
        %get3A_880 = arith.index_cast %scan3A_153 : i32 to index
        %get3A_881 = arith.constant 832 : index
        %get3A_882 = tpu.vector_load %arg5[%get3A_880, %get3A_881] {strides = array<i32>} : memref<16x1024xf32, #tpu.memory_space<vmem>>, vector<1x16xf32>,
        %get3A_883 = vector.shape_cast %get3A_882 : vector<1x16xf32> to vector<16xf32>
        %get3A_884 = arith.index_cast %scan3A_153 : i32 to index
        %get3A_885 = arith.constant 832 : index
        %get3A_886 = tpu.vector_load %arg7[%get3A_884, %get3A_885] {strides = array<i32>} : memref<16x1024xf32, #tpu.memory_space<vmem>>, vector<1x16xf32>,
        %get3A_887 = vector.shape_cast %get3A_886 : vector<1x16xf32> to vector<16xf32>
        %add3A_888 = arith.addf %get3A_883, %get3A_887 : vector<16xf32>
        %swap3A_889 = arith.index_cast %scan3A_153 : i32 to index
        %swap3A_890 = arith.constant 832 : index
        %swap3A_891 = tpu.vector_load %arg5[%swap3A_889, %swap3A_890] {strides = array<i32>} : memref<16x1024xf32, #tpu.memory_space<vmem>>, vector<1x16xf32>,
        %swap3A_892 = vector.shape_cast %swap3A_891 : vector<1x16xf32> to vector<16xf32>
        %swap3A_893 = vector.shape_cast %add3A_888 : vector<16xf32> to vector<1x16xf32>
        tpu.vector_store %arg5[%swap3A_889, %swap3A_890], %swap3A_893 {strides = array<i32>} : memref<16x1024xf32, #tpu.memory_space<vmem>>, vector<1x16xf32>,
        %get3A_894 = arith.index_cast %scan3A_153 : i32 to index
        %get3A_895 = arith.constant 848 : index
        %get3A_896 = tpu.vector_load %arg5[%get3A_894, %get3A_895] {strides = array<i32>} : memref<16x1024xf32, #tpu.memory_space<vmem>>, vector<1x16xf32>,
        %get3A_897 = vector.shape_cast %get3A_896 : vector<1x16xf32> to vector<16xf32>
        %get3A_898 = arith.index_cast %scan3A_153 : i32 to index
        %get3A_899 = arith.constant 848 : index
        %get3A_900 = tpu.vector_load %arg7[%get3A_898, %get3A_899] {strides = array<i32>} : memref<16x1024xf32, #tpu.memory_space<vmem>>, vector<1x16xf32>,
        %get3A_901 = vector.shape_cast %get3A_900 : vector<1x16xf32> to vector<16xf32>
        %add3A_902 = arith.addf %get3A_897, %get3A_901 : vector<16xf32>
        %swap3A_903 = arith.index_cast %scan3A_153 : i32 to index
        %swap3A_904 = arith.constant 848 : index
        %swap3A_905 = tpu.vector_load %arg5[%swap3A_903, %swap3A_904] {strides = array<i32>} : memref<16x1024xf32, #tpu.memory_space<vmem>>, vector<1x16xf32>,
        %swap3A_906 = vector.shape_cast %swap3A_905 : vector<1x16xf32> to vector<16xf32>
        %swap3A_907 = vector.shape_cast %add3A_902 : vector<16xf32> to vector<1x16xf32>
        tpu.vector_store %arg5[%swap3A_903, %swap3A_904], %swap3A_907 {strides = array<i32>} : memref<16x1024xf32, #tpu.memory_space<vmem>>, vector<1x16xf32>,
        %get3A_908 = arith.index_cast %scan3A_153 : i32 to index
        %get3A_909 = arith.constant 864 : index
        %get3A_910 = tpu.vector_load %arg5[%get3A_908, %get3A_909] {strides = array<i32>} : memref<16x1024xf32, #tpu.memory_space<vmem>>, vector<1x16xf32>,
        %get3A_911 = vector.shape_cast %get3A_910 : vector<1x16xf32> to vector<16xf32>
        %get3A_912 = arith.index_cast %scan3A_153 : i32 to index
        %get3A_913 = arith.constant 864 : index
        %get3A_914 = tpu.vector_load %arg7[%get3A_912, %get3A_913] {strides = array<i32>} : memref<16x1024xf32, #tpu.memory_space<vmem>>, vector<1x16xf32>,
        %get3A_915 = vector.shape_cast %get3A_914 : vector<1x16xf32> to vector<16xf32>
        %add3A_916 = arith.addf %get3A_911, %get3A_915 : vector<16xf32>
        %swap3A_917 = arith.index_cast %scan3A_153 : i32 to index
        %swap3A_918 = arith.constant 864 : index
        %swap3A_919 = tpu.vector_load %arg5[%swap3A_917, %swap3A_918] {strides = array<i32>} : memref<16x1024xf32, #tpu.memory_space<vmem>>, vector<1x16xf32>,
        %swap3A_920 = vector.shape_cast %swap3A_919 : vector<1x16xf32> to vector<16xf32>
        %swap3A_921 = vector.shape_cast %add3A_916 : vector<16xf32> to vector<1x16xf32>
        tpu.vector_store %arg5[%swap3A_917, %swap3A_918], %swap3A_921 {strides = array<i32>} : memref<16x1024xf32, #tpu.memory_space<vmem>>, vector<1x16xf32>,
        %get3A_922 = arith.index_cast %scan3A_153 : i32 to index
        %get3A_923 = arith.constant 880 : index
        %get3A_924 = tpu.vector_load %arg5[%get3A_922, %get3A_923] {strides = array<i32>} : memref<16x1024xf32, #tpu.memory_space<vmem>>, vector<1x16xf32>,
        %get3A_925 = vector.shape_cast %get3A_924 : vector<1x16xf32> to vector<16xf32>
        %get3A_926 = arith.index_cast %scan3A_153 : i32 to index
        %get3A_927 = arith.constant 880 : index
        %get3A_928 = tpu.vector_load %arg7[%get3A_926, %get3A_927] {strides = array<i32>} : memref<16x1024xf32, #tpu.memory_space<vmem>>, vector<1x16xf32>,
        %get3A_929 = vector.shape_cast %get3A_928 : vector<1x16xf32> to vector<16xf32>
        %add3A_930 = arith.addf %get3A_925, %get3A_929 : vector<16xf32>
        %swap3A_931 = arith.index_cast %scan3A_153 : i32 to index
        %swap3A_932 = arith.constant 880 : index
        %swap3A_933 = tpu.vector_load %arg5[%swap3A_931, %swap3A_932] {strides = array<i32>} : memref<16x1024xf32, #tpu.memory_space<vmem>>, vector<1x16xf32>,
        %swap3A_934 = vector.shape_cast %swap3A_933 : vector<1x16xf32> to vector<16xf32>
        %swap3A_935 = vector.shape_cast %add3A_930 : vector<16xf32> to vector<1x16xf32>
        tpu.vector_store %arg5[%swap3A_931, %swap3A_932], %swap3A_935 {strides = array<i32>} : memref<16x1024xf32, #tpu.memory_space<vmem>>, vector<1x16xf32>,
        %get3A_936 = arith.index_cast %scan3A_153 : i32 to index
        %get3A_937 = arith.constant 896 : index
        %get3A_938 = tpu.vector_load %arg5[%get3A_936, %get3A_937] {strides = array<i32>} : memref<16x1024xf32, #tpu.memory_space<vmem>>, vector<1x16xf32>,
        %get3A_939 = vector.shape_cast %get3A_938 : vector<1x16xf32> to vector<16xf32>
        %get3A_940 = arith.index_cast %scan3A_153 : i32 to index
        %get3A_941 = arith.constant 896 : index
        %get3A_942 = tpu.vector_load %arg7[%get3A_940, %get3A_941] {strides = array<i32>} : memref<16x1024xf32, #tpu.memory_space<vmem>>, vector<1x16xf32>,
        %get3A_943 = vector.shape_cast %get3A_942 : vector<1x16xf32> to vector<16xf32>
        %add3A_944 = arith.addf %get3A_939, %get3A_943 : vector<16xf32>
        %swap3A_945 = arith.index_cast %scan3A_153 : i32 to index
        %swap3A_946 = arith.constant 896 : index
        %swap3A_947 = tpu.vector_load %arg5[%swap3A_945, %swap3A_946] {strides = array<i32>} : memref<16x1024xf32, #tpu.memory_space<vmem>>, vector<1x16xf32>,
        %swap3A_948 = vector.shape_cast %swap3A_947 : vector<1x16xf32> to vector<16xf32>
        %swap3A_949 = vector.shape_cast %add3A_944 : vector<16xf32> to vector<1x16xf32>
        tpu.vector_store %arg5[%swap3A_945, %swap3A_946], %swap3A_949 {strides = array<i32>} : memref<16x1024xf32, #tpu.memory_space<vmem>>, vector<1x16xf32>,
        %get3A_950 = arith.index_cast %scan3A_153 : i32 to index
        %get3A_951 = arith.constant 912 : index
        %get3A_952 = tpu.vector_load %arg5[%get3A_950, %get3A_951] {strides = array<i32>} : memref<16x1024xf32, #tpu.memory_space<vmem>>, vector<1x16xf32>,
        %get3A_953 = vector.shape_cast %get3A_952 : vector<1x16xf32> to vector<16xf32>
        %get3A_954 = arith.index_cast %scan3A_153 : i32 to index
        %get3A_955 = arith.constant 912 : index
        %get3A_956 = tpu.vector_load %arg7[%get3A_954, %get3A_955] {strides = array<i32>} : memref<16x1024xf32, #tpu.memory_space<vmem>>, vector<1x16xf32>,
        %get3A_957 = vector.shape_cast %get3A_956 : vector<1x16xf32> to vector<16xf32>
        %add3A_958 = arith.addf %get3A_953, %get3A_957 : vector<16xf32>
        %swap3A_959 = arith.index_cast %scan3A_153 : i32 to index
        %swap3A_960 = arith.constant 912 : index
        %swap3A_961 = tpu.vector_load %arg5[%swap3A_959, %swap3A_960] {strides = array<i32>} : memref<16x1024xf32, #tpu.memory_space<vmem>>, vector<1x16xf32>,
        %swap3A_962 = vector.shape_cast %swap3A_961 : vector<1x16xf32> to vector<16xf32>
        %swap3A_963 = vector.shape_cast %add3A_958 : vector<16xf32> to vector<1x16xf32>
        tpu.vector_store %arg5[%swap3A_959, %swap3A_960], %swap3A_963 {strides = array<i32>} : memref<16x1024xf32, #tpu.memory_space<vmem>>, vector<1x16xf32>,
        %get3A_964 = arith.index_cast %scan3A_153 : i32 to index
        %get3A_965 = arith.constant 928 : index
        %get3A_966 = tpu.vector_load %arg5[%get3A_964, %get3A_965] {strides = array<i32>} : memref<16x1024xf32, #tpu.memory_space<vmem>>, vector<1x16xf32>,
        %get3A_967 = vector.shape_cast %get3A_966 : vector<1x16xf32> to vector<16xf32>
        %get3A_968 = arith.index_cast %scan3A_153 : i32 to index
        %get3A_969 = arith.constant 928 : index
        %get3A_970 = tpu.vector_load %arg7[%get3A_968, %get3A_969] {strides = array<i32>} : memref<16x1024xf32, #tpu.memory_space<vmem>>, vector<1x16xf32>,
        %get3A_971 = vector.shape_cast %get3A_970 : vector<1x16xf32> to vector<16xf32>
        %add3A_972 = arith.addf %get3A_967, %get3A_971 : vector<16xf32>
        %swap3A_973 = arith.index_cast %scan3A_153 : i32 to index
        %swap3A_974 = arith.constant 928 : index
        %swap3A_975 = tpu.vector_load %arg5[%swap3A_973, %swap3A_974] {strides = array<i32>} : memref<16x1024xf32, #tpu.memory_space<vmem>>, vector<1x16xf32>,
        %swap3A_976 = vector.shape_cast %swap3A_975 : vector<1x16xf32> to vector<16xf32>
        %swap3A_977 = vector.shape_cast %add3A_972 : vector<16xf32> to vector<1x16xf32>
        tpu.vector_store %arg5[%swap3A_973, %swap3A_974], %swap3A_977 {strides = array<i32>} : memref<16x1024xf32, #tpu.memory_space<vmem>>, vector<1x16xf32>,
        %get3A_978 = arith.index_cast %scan3A_153 : i32 to index
        %get3A_979 = arith.constant 944 : index
        %get3A_980 = tpu.vector_load %arg5[%get3A_978, %get3A_979] {strides = array<i32>} : memref<16x1024xf32, #tpu.memory_space<vmem>>, vector<1x16xf32>,
        %get3A_981 = vector.shape_cast %get3A_980 : vector<1x16xf32> to vector<16xf32>
        %get3A_982 = arith.index_cast %scan3A_153 : i32 to index
        %get3A_983 = arith.constant 944 : index
        %get3A_984 = tpu.vector_load %arg7[%get3A_982, %get3A_983] {strides = array<i32>} : memref<16x1024xf32, #tpu.memory_space<vmem>>, vector<1x16xf32>,
        %get3A_985 = vector.shape_cast %get3A_984 : vector<1x16xf32> to vector<16xf32>
        %add3A_986 = arith.addf %get3A_981, %get3A_985 : vector<16xf32>
        %swap3A_987 = arith.index_cast %scan3A_153 : i32 to index
        %swap3A_988 = arith.constant 944 : index
        %swap3A_989 = tpu.vector_load %arg5[%swap3A_987, %swap3A_988] {strides = array<i32>} : memref<16x1024xf32, #tpu.memory_space<vmem>>, vector<1x16xf32>,
        %swap3A_990 = vector.shape_cast %swap3A_989 : vector<1x16xf32> to vector<16xf32>
        %swap3A_991 = vector.shape_cast %add3A_986 : vector<16xf32> to vector<1x16xf32>
        tpu.vector_store %arg5[%swap3A_987, %swap3A_988], %swap3A_991 {strides = array<i32>} : memref<16x1024xf32, #tpu.memory_space<vmem>>, vector<1x16xf32>,
        %get3A_992 = arith.index_cast %scan3A_153 : i32 to index
        %get3A_993 = arith.constant 960 : index
        %get3A_994 = tpu.vector_load %arg5[%get3A_992, %get3A_993] {strides = array<i32>} : memref<16x1024xf32, #tpu.memory_space<vmem>>, vector<1x16xf32>,
        %get3A_995 = vector.shape_cast %get3A_994 : vector<1x16xf32> to vector<16xf32>
        %get3A_996 = arith.index_cast %scan3A_153 : i32 to index
        %get3A_997 = arith.constant 960 : index
        %get3A_998 = tpu.vector_load %arg7[%get3A_996, %get3A_997] {strides = array<i32>} : memref<16x1024xf32, #tpu.memory_space<vmem>>, vector<1x16xf32>,
        %get3A_999 = vector.shape_cast %get3A_998 : vector<1x16xf32> to vector<16xf32>
        %add3A_1000 = arith.addf %get3A_995, %get3A_999 : vector<16xf32>
        %swap3A_1001 = arith.index_cast %scan3A_153 : i32 to index
        %swap3A_1002 = arith.constant 960 : index
        %swap3A_1003 = tpu.vector_load %arg5[%swap3A_1001, %swap3A_1002] {strides = array<i32>} : memref<16x1024xf32, #tpu.memory_space<vmem>>, vector<1x16xf32>,
        %swap3A_1004 = vector.shape_cast %swap3A_1003 : vector<1x16xf32> to vector<16xf32>
        %swap3A_1005 = vector.shape_cast %add3A_1000 : vector<16xf32> to vector<1x16xf32>
        tpu.vector_store %arg5[%swap3A_1001, %swap3A_1002], %swap3A_1005 {strides = array<i32>} : memref<16x1024xf32, #tpu.memory_space<vmem>>, vector<1x16xf32>,
        %get3A_1006 = arith.index_cast %scan3A_153 : i32 to index
        %get3A_1007 = arith.constant 976 : index
        %get3A_1008 = tpu.vector_load %arg5[%get3A_1006, %get3A_1007] {strides = array<i32>} : memref<16x1024xf32, #tpu.memory_space<vmem>>, vector<1x16xf32>,
        %get3A_1009 = vector.shape_cast %get3A_1008 : vector<1x16xf32> to vector<16xf32>
        %get3A_1010 = arith.index_cast %scan3A_153 : i32 to index
        %get3A_1011 = arith.constant 976 : index
        %get3A_1012 = tpu.vector_load %arg7[%get3A_1010, %get3A_1011] {strides = array<i32>} : memref<16x1024xf32, #tpu.memory_space<vmem>>, vector<1x16xf32>,
        %get3A_1013 = vector.shape_cast %get3A_1012 : vector<1x16xf32> to vector<16xf32>
        %add3A_1014 = arith.addf %get3A_1009, %get3A_1013 : vector<16xf32>
        %swap3A_1015 = arith.index_cast %scan3A_153 : i32 to index
        %swap3A_1016 = arith.constant 976 : index
        %swap3A_1017 = tpu.vector_load %arg5[%swap3A_1015, %swap3A_1016] {strides = array<i32>} : memref<16x1024xf32, #tpu.memory_space<vmem>>, vector<1x16xf32>,
        %swap3A_1018 = vector.shape_cast %swap3A_1017 : vector<1x16xf32> to vector<16xf32>
        %swap3A_1019 = vector.shape_cast %add3A_1014 : vector<16xf32> to vector<1x16xf32>
        tpu.vector_store %arg5[%swap3A_1015, %swap3A_1016], %swap3A_1019 {strides = array<i32>} : memref<16x1024xf32, #tpu.memory_space<vmem>>, vector<1x16xf32>,
        %get3A_1020 = arith.index_cast %scan3A_153 : i32 to index
        %get3A_1021 = arith.constant 992 : index
        %get3A_1022 = tpu.vector_load %arg5[%get3A_1020, %get3A_1021] {strides = array<i32>} : memref<16x1024xf32, #tpu.memory_space<vmem>>, vector<1x16xf32>,
        %get3A_1023 = vector.shape_cast %get3A_1022 : vector<1x16xf32> to vector<16xf32>
        %get3A_1024 = arith.index_cast %scan3A_153 : i32 to index
        %get3A_1025 = arith.constant 992 : index
        %get3A_1026 = tpu.vector_load %arg7[%get3A_1024, %get3A_1025] {strides = array<i32>} : memref<16x1024xf32, #tpu.memory_space<vmem>>, vector<1x16xf32>,
        %get3A_1027 = vector.shape_cast %get3A_1026 : vector<1x16xf32> to vector<16xf32>
        %add3A_1028 = arith.addf %get3A_1023, %get3A_1027 : vector<16xf32>
        %swap3A_1029 = arith.index_cast %scan3A_153 : i32 to index
        %swap3A_1030 = arith.constant 992 : index
        %swap3A_1031 = tpu.vector_load %arg5[%swap3A_1029, %swap3A_1030] {strides = array<i32>} : memref<16x1024xf32, #tpu.memory_space<vmem>>, vector<1x16xf32>,
        %swap3A_1032 = vector.shape_cast %swap3A_1031 : vector<1x16xf32> to vector<16xf32>
        %swap3A_1033 = vector.shape_cast %add3A_1028 : vector<16xf32> to vector<1x16xf32>
        tpu.vector_store %arg5[%swap3A_1029, %swap3A_1030], %swap3A_1033 {strides = array<i32>} : memref<16x1024xf32, #tpu.memory_space<vmem>>, vector<1x16xf32>,
        %get3A_1034 = arith.index_cast %scan3A_153 : i32 to index
        %get3A_1035 = arith.constant 1008 : index
        %get3A_1036 = tpu.vector_load %arg5[%get3A_1034, %get3A_1035] {strides = array<i32>} : memref<16x1024xf32, #tpu.memory_space<vmem>>, vector<1x16xf32>,
        %get3A_1037 = vector.shape_cast %get3A_1036 : vector<1x16xf32> to vector<16xf32>
        %get3A_1038 = arith.index_cast %scan3A_153 : i32 to index
        %get3A_1039 = arith.constant 1008 : index
        %get3A_1040 = tpu.vector_load %arg7[%get3A_1038, %get3A_1039] {strides = array<i32>} : memref<16x1024xf32, #tpu.memory_space<vmem>>, vector<1x16xf32>,
        %get3A_1041 = vector.shape_cast %get3A_1040 : vector<1x16xf32> to vector<16xf32>
        %add3A_1042 = arith.addf %get3A_1037, %get3A_1041 : vector<16xf32>
        %swap3A_1043 = arith.index_cast %scan3A_153 : i32 to index
        %swap3A_1044 = arith.constant 1008 : index
        %swap3A_1045 = tpu.vector_load %arg5[%swap3A_1043, %swap3A_1044] {strides = array<i32>} : memref<16x1024xf32, #tpu.memory_space<vmem>>, vector<1x16xf32>,
        %swap3A_1046 = vector.shape_cast %swap3A_1045 : vector<1x16xf32> to vector<16xf32>
        %swap3A_1047 = vector.shape_cast %add3A_1042 : vector<16xf32> to vector<1x16xf32>
        tpu.vector_store %arg5[%swap3A_1043, %swap3A_1044], %swap3A_1047 {strides = array<i32>} : memref<16x1024xf32, #tpu.memory_space<vmem>>, vector<1x16xf32>,
      }
      %scan3A_100 = arith.constant 16 : i32
      %mul3A_101 = arith.constant 16 : i32
      %mul3A_102 = arith.muli %add3A_72, %mul3A_101 : i32
      %add3A_103 = arith.addi %mul3A_32, %mul3A_102 : i32
      %dma_start3A_104 = arith.constant 0 : i32
      %dma_start3A_105 = tpu.memref_slice %arg4[%select_n3A, %add3A_103, %dma_start3A_104] : memref<4x2816x1024xf32, #tpu.memory_space<hbm>> -> memref<1x16x1024xf32, #tpu.memory_space<hbm>>
      %dma_start3A_106 = tpu.memref_squeeze %dma_start3A_105 : memref<1x16x1024xf32, #tpu.memory_space<hbm>> -> memref<16x1024xf32, #tpu.memory_space<hbm>>
      %dma_start3A_107 = arith.constant 0 : i32
      %dma_start3A_108 = tpu.memref_slice %arg4[%select_n3A, %add3A_103, %dma_start3A_107] : memref<4x2816x1024xf32, #tpu.memory_space<hbm>> -> memref<1x16x1024xf32, #tpu.memory_space<hbm>>
      %dma_start3A_109 = tpu.memref_squeeze %dma_start3A_108 : memref<1x16x1024xf32, #tpu.memory_space<hbm>> -> memref<16x1024xf32, #tpu.memory_space<hbm>>
      tpu.enqueue_dma source(%arg5 : memref<16x1024xf32, #tpu.memory_space<vmem>>) target(%dma_start3A_109 : memref<16x1024xf32, #tpu.memory_space<hbm>>) target_semaphore(%arg11 : memref<!tpu.dma_semaphore, #tpu.memory_space<semaphore_mem>>)
      %mul3A_110 = arith.constant 2 : i32
      %mul3A_111 = arith.muli %mul3A_110, %scan3A_68 : i32
      %add3A_112 = arith.constant 1 : i32
      %add3A_113 = arith.addi %mul3A_111, %add3A_112 : i32
      %mul3A_114 = arith.constant 16 : i32
      %mul3A_115 = arith.muli %add3A_113, %mul3A_114 : i32
      %add3A_116 = arith.addi %mul3A_32, %mul3A_115 : i32
      %add3A_117 = arith.constant 5376 : i32
      %add3A_118 = arith.addi %add3A_117, %add3A_116 : i32
      %add3A_119 = arith.constant 5376 : i32
      %add3A_120 = arith.addi %add3A_119, %add3A_116 : i32
      %dma_wait3A_121 = arith.constant 0 : i32
      %dma_wait3A_122 = tpu.memref_slice %arg2[%select_n3A, %add3A_118, %dma_wait3A_121] : memref<4x8192x1024xf32, #tpu.memory_space<hbm>> -> memref<1x16x1024xf32, #tpu.memory_space<hbm>>
      %dma_wait3A_123 = tpu.memref_squeeze %dma_wait3A_122 : memref<1x16x1024xf32, #tpu.memory_space<hbm>> -> memref<16x1024xf32, #tpu.memory_space<hbm>>
      %dma_wait3A_124 = arith.constant 0 : i32
      %dma_wait3A_125 = tpu.memref_slice %arg2[%select_n3A, %add3A_118, %dma_wait3A_124] : memref<4x8192x1024xf32, #tpu.memory_space<hbm>> -> memref<1x16x1024xf32, #tpu.memory_space<hbm>>
      %dma_wait3A_126 = tpu.memref_squeeze %dma_wait3A_125 : memref<1x16x1024xf32, #tpu.memory_space<hbm>> -> memref<16x1024xf32, #tpu.memory_space<hbm>>
      tpu.wait_dma2 semaphore(%arg10 : memref<!tpu.dma_semaphore, #tpu.memory_space<semaphore_mem>>) src(%dma_wait3A_126 : memref<16x1024xf32, #tpu.memory_space<hbm>>) dst(%arg6 : memref<16x1024xf32, #tpu.memory_space<vmem>>)
      %dma_wait3A_127 = arith.constant 0 : i32
      %dma_wait3A_128 = tpu.memref_slice %arg3[%add3A_120, %dma_wait3A_127] : memref<8192x1024xf32, #tpu.memory_space<hbm>> -> memref<16x1024xf32, #tpu.memory_space<hbm>>
      %dma_wait3A_129 = arith.constant 0 : i32
      %dma_wait3A_130 = tpu.memref_slice %arg3[%add3A_120, %dma_wait3A_129] : memref<8192x1024xf32, #tpu.memory_space<hbm>> -> memref<16x1024xf32, #tpu.memory_space<hbm>>
      tpu.wait_dma2 semaphore(%arg10 : memref<!tpu.dma_semaphore, #tpu.memory_space<semaphore_mem>>) src(%dma_wait3A_130 : memref<16x1024xf32, #tpu.memory_space<hbm>>) dst(%arg8 : memref<16x1024xf32, #tpu.memory_space<vmem>>)
      %add3A_131 = arith.constant 1 : i32
      %add3A_132 = arith.addi %add3A_113, %add3A_131 : i32
      %lt3A_133 = arith.constant 22 : i32
      %lt3A_134 = arith.cmpi slt, %add3A_132, %lt3A_133 : i32
      %convert_element_type3A_135 = arith.extui %lt3A_134 : i1 to i32
      %cond3A_136 = arith.constant 0 : i32
      %cond3A_137 = arith.cmpi ne, %convert_element_type3A_135, %cond3A_136 : i32
      scf.if %cond3A_137 {
        %ge3A = arith.constant 1 : i32
        %ge3A_153 = arith.cmpi sge, %add3A_113, %ge3A : i32
        %convert_element_type3A_154 = arith.extui %ge3A_153 : i1 to i32
        %cond3A_155 = arith.constant 0 : i32
        %cond3A_156 = arith.cmpi ne, %convert_element_type3A_154, %cond3A_155 : i32
        scf.if %cond3A_156 {
          %sub3A_176 = arith.constant 1 : i32
          %sub3A_177 = arith.subi %add3A_113, %sub3A_176 : i32
          %mul3A_178 = arith.constant 16 : i32
          %mul3A_179 = arith.muli %sub3A_177, %mul3A_178 : i32
          %add3A_180 = arith.addi %mul3A_32, %mul3A_179 : i32
          %dma_wait3A_181 = arith.constant 0 : i32
          %dma_wait3A_182 = tpu.memref_slice %arg4[%select_n3A, %add3A_180, %dma_wait3A_181] : memref<4x2816x1024xf32, #tpu.memory_space<hbm>> -> memref<1x16x1024xf32, #tpu.memory_space<hbm>>
          %dma_wait3A_183 = tpu.memref_squeeze %dma_wait3A_182 : memref<1x16x1024xf32, #tpu.memory_space<hbm>> -> memref<16x1024xf32, #tpu.memory_space<hbm>>
          %dma_wait3A_184 = arith.constant 0 : i32
          %dma_wait3A_185 = tpu.memref_slice %arg4[%select_n3A, %add3A_180, %dma_wait3A_184] : memref<4x2816x1024xf32, #tpu.memory_space<hbm>> -> memref<1x16x1024xf32, #tpu.memory_space<hbm>>
          %dma_wait3A_186 = tpu.memref_squeeze %dma_wait3A_185 : memref<1x16x1024xf32, #tpu.memory_space<hbm>> -> memref<16x1024xf32, #tpu.memory_space<hbm>>
          tpu.wait_dma2 semaphore(%arg11 : memref<!tpu.dma_semaphore, #tpu.memory_space<semaphore_mem>>) src(%arg5 : memref<16x1024xf32, #tpu.memory_space<vmem>>) dst(%dma_wait3A_186 : memref<16x1024xf32, #tpu.memory_space<hbm>>)
        } else {
        }
        %add3A_157 = arith.constant 1 : i32
        %add3A_158 = arith.addi %add3A_113, %add3A_157 : i32
        %mul3A_159 = arith.constant 16 : i32
        %mul3A_160 = arith.muli %add3A_158, %mul3A_159 : i32
        %add3A_161 = arith.addi %mul3A_32, %mul3A_160 : i32
        %add3A_162 = arith.constant 5376 : i32
        %add3A_163 = arith.addi %add3A_162, %add3A_161 : i32
        %add3A_164 = arith.constant 5376 : i32
        %add3A_165 = arith.addi %add3A_164, %add3A_161 : i32
        %dma_start3A_166 = arith.constant 0 : i32
        %dma_start3A_167 = tpu.memref_slice %arg2[%select_n3A, %add3A_163, %dma_start3A_166] : memref<4x8192x1024xf32, #tpu.memory_space<hbm>> -> memref<1x16x1024xf32, #tpu.memory_space<hbm>>
        %dma_start3A_168 = tpu.memref_squeeze %dma_start3A_167 : memref<1x16x1024xf32, #tpu.memory_space<hbm>> -> memref<16x1024xf32, #tpu.memory_space<hbm>>
        %dma_start3A_169 = arith.constant 0 : i32
        %dma_start3A_170 = tpu.memref_slice %arg2[%select_n3A, %add3A_163, %dma_start3A_169] : memref<4x8192x1024xf32, #tpu.memory_space<hbm>> -> memref<1x16x1024xf32, #tpu.memory_space<hbm>>
        %dma_start3A_171 = tpu.memref_squeeze %dma_start3A_170 : memref<1x16x1024xf32, #tpu.memory_space<hbm>> -> memref<16x1024xf32, #tpu.memory_space<hbm>>
        tpu.enqueue_dma source(%dma_start3A_171 : memref<16x1024xf32, #tpu.memory_space<hbm>>) target(%arg5 : memref<16x1024xf32, #tpu.memory_space<vmem>>) target_semaphore(%arg9 : memref<!tpu.dma_semaphore, #tpu.memory_space<semaphore_mem>>)
        %dma_start3A_172 = arith.constant 0 : i32
        %dma_start3A_173 = tpu.memref_slice %arg3[%add3A_165, %dma_start3A_172] : memref<8192x1024xf32, #tpu.memory_space<hbm>> -> memref<16x1024xf32, #tpu.memory_space<hbm>>
        %dma_start3A_174 = arith.constant 0 : i32
        %dma_start3A_175 = tpu.memref_slice %arg3[%add3A_165, %dma_start3A_174] : memref<8192x1024xf32, #tpu.memory_space<hbm>> -> memref<16x1024xf32, #tpu.memory_space<hbm>>
        tpu.enqueue_dma source(%dma_start3A_175 : memref<16x1024xf32, #tpu.memory_space<hbm>>) target(%arg7 : memref<16x1024xf32, #tpu.memory_space<vmem>>) target_semaphore(%arg9 : memref<!tpu.dma_semaphore, #tpu.memory_space<semaphore_mem>>)
      } else {
      }
      %scan3A_138 = arith.constant 0 : i32
      %scan3A_139 = arith.constant 0 : i32
      %scan3A_140 = arith.constant 16 : i32
      %scan3A_141 = arith.addi %scan3A_139, %scan3A_140 : i32
      %scan3A_142 = arith.constant 1 : i32
      scf.for %scan3A_153 = %scan3A_139 to %scan3A_141 step %scan3A_142  : i32 {
        %get3A = arith.index_cast %scan3A_153 : i32 to index
        %get3A_154 = arith.constant 0 : index
        %get3A_155 = tpu.vector_load %arg6[%get3A, %get3A_154] {strides = array<i32>} : memref<16x1024xf32, #tpu.memory_space<vmem>>, vector<1x16xf32>,
        %get3A_156 = vector.shape_cast %get3A_155 : vector<1x16xf32> to vector<16xf32>
        %get3A_157 = arith.index_cast %scan3A_153 : i32 to index
        %get3A_158 = arith.constant 0 : index
        %get3A_159 = tpu.vector_load %arg8[%get3A_157, %get3A_158] {strides = array<i32>} : memref<16x1024xf32, #tpu.memory_space<vmem>>, vector<1x16xf32>,
        %get3A_160 = vector.shape_cast %get3A_159 : vector<1x16xf32> to vector<16xf32>
        %add3A_161 = arith.addf %get3A_156, %get3A_160 : vector<16xf32>
        %swap3A = arith.index_cast %scan3A_153 : i32 to index
        %swap3A_162 = arith.constant 0 : index
        %swap3A_163 = tpu.vector_load %arg6[%swap3A, %swap3A_162] {strides = array<i32>} : memref<16x1024xf32, #tpu.memory_space<vmem>>, vector<1x16xf32>,
        %swap3A_164 = vector.shape_cast %swap3A_163 : vector<1x16xf32> to vector<16xf32>
        %swap3A_165 = vector.shape_cast %add3A_161 : vector<16xf32> to vector<1x16xf32>
        tpu.vector_store %arg6[%swap3A, %swap3A_162], %swap3A_165 {strides = array<i32>} : memref<16x1024xf32, #tpu.memory_space<vmem>>, vector<1x16xf32>,
        %get3A_166 = arith.index_cast %scan3A_153 : i32 to index
        %get3A_167 = arith.constant 16 : index
        %get3A_168 = tpu.vector_load %arg6[%get3A_166, %get3A_167] {strides = array<i32>} : memref<16x1024xf32, #tpu.memory_space<vmem>>, vector<1x16xf32>,
        %get3A_169 = vector.shape_cast %get3A_168 : vector<1x16xf32> to vector<16xf32>
        %get3A_170 = arith.index_cast %scan3A_153 : i32 to index
        %get3A_171 = arith.constant 16 : index
        %get3A_172 = tpu.vector_load %arg8[%get3A_170, %get3A_171] {strides = array<i32>} : memref<16x1024xf32, #tpu.memory_space<vmem>>, vector<1x16xf32>,
        %get3A_173 = vector.shape_cast %get3A_172 : vector<1x16xf32> to vector<16xf32>
        %add3A_174 = arith.addf %get3A_169, %get3A_173 : vector<16xf32>
        %swap3A_175 = arith.index_cast %scan3A_153 : i32 to index
        %swap3A_176 = arith.constant 16 : index
        %swap3A_177 = tpu.vector_load %arg6[%swap3A_175, %swap3A_176] {strides = array<i32>} : memref<16x1024xf32, #tpu.memory_space<vmem>>, vector<1x16xf32>,
        %swap3A_178 = vector.shape_cast %swap3A_177 : vector<1x16xf32> to vector<16xf32>
        %swap3A_179 = vector.shape_cast %add3A_174 : vector<16xf32> to vector<1x16xf32>
        tpu.vector_store %arg6[%swap3A_175, %swap3A_176], %swap3A_179 {strides = array<i32>} : memref<16x1024xf32, #tpu.memory_space<vmem>>, vector<1x16xf32>,
        %get3A_180 = arith.index_cast %scan3A_153 : i32 to index
        %get3A_181 = arith.constant 32 : index
        %get3A_182 = tpu.vector_load %arg6[%get3A_180, %get3A_181] {strides = array<i32>} : memref<16x1024xf32, #tpu.memory_space<vmem>>, vector<1x16xf32>,
        %get3A_183 = vector.shape_cast %get3A_182 : vector<1x16xf32> to vector<16xf32>
        %get3A_184 = arith.index_cast %scan3A_153 : i32 to index
        %get3A_185 = arith.constant 32 : index
        %get3A_186 = tpu.vector_load %arg8[%get3A_184, %get3A_185] {strides = array<i32>} : memref<16x1024xf32, #tpu.memory_space<vmem>>, vector<1x16xf32>,
        %get3A_187 = vector.shape_cast %get3A_186 : vector<1x16xf32> to vector<16xf32>
        %add3A_188 = arith.addf %get3A_183, %get3A_187 : vector<16xf32>
        %swap3A_189 = arith.index_cast %scan3A_153 : i32 to index
        %swap3A_190 = arith.constant 32 : index
        %swap3A_191 = tpu.vector_load %arg6[%swap3A_189, %swap3A_190] {strides = array<i32>} : memref<16x1024xf32, #tpu.memory_space<vmem>>, vector<1x16xf32>,
        %swap3A_192 = vector.shape_cast %swap3A_191 : vector<1x16xf32> to vector<16xf32>
        %swap3A_193 = vector.shape_cast %add3A_188 : vector<16xf32> to vector<1x16xf32>
        tpu.vector_store %arg6[%swap3A_189, %swap3A_190], %swap3A_193 {strides = array<i32>} : memref<16x1024xf32, #tpu.memory_space<vmem>>, vector<1x16xf32>,
        %get3A_194 = arith.index_cast %scan3A_153 : i32 to index
        %get3A_195 = arith.constant 48 : index
        %get3A_196 = tpu.vector_load %arg6[%get3A_194, %get3A_195] {strides = array<i32>} : memref<16x1024xf32, #tpu.memory_space<vmem>>, vector<1x16xf32>,
        %get3A_197 = vector.shape_cast %get3A_196 : vector<1x16xf32> to vector<16xf32>
        %get3A_198 = arith.index_cast %scan3A_153 : i32 to index
        %get3A_199 = arith.constant 48 : index
        %get3A_200 = tpu.vector_load %arg8[%get3A_198, %get3A_199] {strides = array<i32>} : memref<16x1024xf32, #tpu.memory_space<vmem>>, vector<1x16xf32>,
        %get3A_201 = vector.shape_cast %get3A_200 : vector<1x16xf32> to vector<16xf32>
        %add3A_202 = arith.addf %get3A_197, %get3A_201 : vector<16xf32>
        %swap3A_203 = arith.index_cast %scan3A_153 : i32 to index
        %swap3A_204 = arith.constant 48 : index
        %swap3A_205 = tpu.vector_load %arg6[%swap3A_203, %swap3A_204] {strides = array<i32>} : memref<16x1024xf32, #tpu.memory_space<vmem>>, vector<1x16xf32>,
        %swap3A_206 = vector.shape_cast %swap3A_205 : vector<1x16xf32> to vector<16xf32>
        %swap3A_207 = vector.shape_cast %add3A_202 : vector<16xf32> to vector<1x16xf32>
        tpu.vector_store %arg6[%swap3A_203, %swap3A_204], %swap3A_207 {strides = array<i32>} : memref<16x1024xf32, #tpu.memory_space<vmem>>, vector<1x16xf32>,
        %get3A_208 = arith.index_cast %scan3A_153 : i32 to index
        %get3A_209 = arith.constant 64 : index
        %get3A_210 = tpu.vector_load %arg6[%get3A_208, %get3A_209] {strides = array<i32>} : memref<16x1024xf32, #tpu.memory_space<vmem>>, vector<1x16xf32>,
        %get3A_211 = vector.shape_cast %get3A_210 : vector<1x16xf32> to vector<16xf32>
        %get3A_212 = arith.index_cast %scan3A_153 : i32 to index
        %get3A_213 = arith.constant 64 : index
        %get3A_214 = tpu.vector_load %arg8[%get3A_212, %get3A_213] {strides = array<i32>} : memref<16x1024xf32, #tpu.memory_space<vmem>>, vector<1x16xf32>,
        %get3A_215 = vector.shape_cast %get3A_214 : vector<1x16xf32> to vector<16xf32>
        %add3A_216 = arith.addf %get3A_211, %get3A_215 : vector<16xf32>
        %swap3A_217 = arith.index_cast %scan3A_153 : i32 to index
        %swap3A_218 = arith.constant 64 : index
        %swap3A_219 = tpu.vector_load %arg6[%swap3A_217, %swap3A_218] {strides = array<i32>} : memref<16x1024xf32, #tpu.memory_space<vmem>>, vector<1x16xf32>,
        %swap3A_220 = vector.shape_cast %swap3A_219 : vector<1x16xf32> to vector<16xf32>
        %swap3A_221 = vector.shape_cast %add3A_216 : vector<16xf32> to vector<1x16xf32>
        tpu.vector_store %arg6[%swap3A_217, %swap3A_218], %swap3A_221 {strides = array<i32>} : memref<16x1024xf32, #tpu.memory_space<vmem>>, vector<1x16xf32>,
        %get3A_222 = arith.index_cast %scan3A_153 : i32 to index
        %get3A_223 = arith.constant 80 : index
        %get3A_224 = tpu.vector_load %arg6[%get3A_222, %get3A_223] {strides = array<i32>} : memref<16x1024xf32, #tpu.memory_space<vmem>>, vector<1x16xf32>,
        %get3A_225 = vector.shape_cast %get3A_224 : vector<1x16xf32> to vector<16xf32>
        %get3A_226 = arith.index_cast %scan3A_153 : i32 to index
        %get3A_227 = arith.constant 80 : index
        %get3A_228 = tpu.vector_load %arg8[%get3A_226, %get3A_227] {strides = array<i32>} : memref<16x1024xf32, #tpu.memory_space<vmem>>, vector<1x16xf32>,
        %get3A_229 = vector.shape_cast %get3A_228 : vector<1x16xf32> to vector<16xf32>
        %add3A_230 = arith.addf %get3A_225, %get3A_229 : vector<16xf32>
        %swap3A_231 = arith.index_cast %scan3A_153 : i32 to index
        %swap3A_232 = arith.constant 80 : index
        %swap3A_233 = tpu.vector_load %arg6[%swap3A_231, %swap3A_232] {strides = array<i32>} : memref<16x1024xf32, #tpu.memory_space<vmem>>, vector<1x16xf32>,
        %swap3A_234 = vector.shape_cast %swap3A_233 : vector<1x16xf32> to vector<16xf32>
        %swap3A_235 = vector.shape_cast %add3A_230 : vector<16xf32> to vector<1x16xf32>
        tpu.vector_store %arg6[%swap3A_231, %swap3A_232], %swap3A_235 {strides = array<i32>} : memref<16x1024xf32, #tpu.memory_space<vmem>>, vector<1x16xf32>,
        %get3A_236 = arith.index_cast %scan3A_153 : i32 to index
        %get3A_237 = arith.constant 96 : index
        %get3A_238 = tpu.vector_load %arg6[%get3A_236, %get3A_237] {strides = array<i32>} : memref<16x1024xf32, #tpu.memory_space<vmem>>, vector<1x16xf32>,
        %get3A_239 = vector.shape_cast %get3A_238 : vector<1x16xf32> to vector<16xf32>
        %get3A_240 = arith.index_cast %scan3A_153 : i32 to index
        %get3A_241 = arith.constant 96 : index
        %get3A_242 = tpu.vector_load %arg8[%get3A_240, %get3A_241] {strides = array<i32>} : memref<16x1024xf32, #tpu.memory_space<vmem>>, vector<1x16xf32>,
        %get3A_243 = vector.shape_cast %get3A_242 : vector<1x16xf32> to vector<16xf32>
        %add3A_244 = arith.addf %get3A_239, %get3A_243 : vector<16xf32>
        %swap3A_245 = arith.index_cast %scan3A_153 : i32 to index
        %swap3A_246 = arith.constant 96 : index
        %swap3A_247 = tpu.vector_load %arg6[%swap3A_245, %swap3A_246] {strides = array<i32>} : memref<16x1024xf32, #tpu.memory_space<vmem>>, vector<1x16xf32>,
        %swap3A_248 = vector.shape_cast %swap3A_247 : vector<1x16xf32> to vector<16xf32>
        %swap3A_249 = vector.shape_cast %add3A_244 : vector<16xf32> to vector<1x16xf32>
        tpu.vector_store %arg6[%swap3A_245, %swap3A_246], %swap3A_249 {strides = array<i32>} : memref<16x1024xf32, #tpu.memory_space<vmem>>, vector<1x16xf32>,
        %get3A_250 = arith.index_cast %scan3A_153 : i32 to index
        %get3A_251 = arith.constant 112 : index
        %get3A_252 = tpu.vector_load %arg6[%get3A_250, %get3A_251] {strides = array<i32>} : memref<16x1024xf32, #tpu.memory_space<vmem>>, vector<1x16xf32>,
        %get3A_253 = vector.shape_cast %get3A_252 : vector<1x16xf32> to vector<16xf32>
        %get3A_254 = arith.index_cast %scan3A_153 : i32 to index
        %get3A_255 = arith.constant 112 : index
        %get3A_256 = tpu.vector_load %arg8[%get3A_254, %get3A_255] {strides = array<i32>} : memref<16x1024xf32, #tpu.memory_space<vmem>>, vector<1x16xf32>,
        %get3A_257 = vector.shape_cast %get3A_256 : vector<1x16xf32> to vector<16xf32>
        %add3A_258 = arith.addf %get3A_253, %get3A_257 : vector<16xf32>
        %swap3A_259 = arith.index_cast %scan3A_153 : i32 to index
        %swap3A_260 = arith.constant 112 : index
        %swap3A_261 = tpu.vector_load %arg6[%swap3A_259, %swap3A_260] {strides = array<i32>} : memref<16x1024xf32, #tpu.memory_space<vmem>>, vector<1x16xf32>,
        %swap3A_262 = vector.shape_cast %swap3A_261 : vector<1x16xf32> to vector<16xf32>
        %swap3A_263 = vector.shape_cast %add3A_258 : vector<16xf32> to vector<1x16xf32>
        tpu.vector_store %arg6[%swap3A_259, %swap3A_260], %swap3A_263 {strides = array<i32>} : memref<16x1024xf32, #tpu.memory_space<vmem>>, vector<1x16xf32>,
        %get3A_264 = arith.index_cast %scan3A_153 : i32 to index
        %get3A_265 = arith.constant 128 : index
        %get3A_266 = tpu.vector_load %arg6[%get3A_264, %get3A_265] {strides = array<i32>} : memref<16x1024xf32, #tpu.memory_space<vmem>>, vector<1x16xf32>,
        %get3A_267 = vector.shape_cast %get3A_266 : vector<1x16xf32> to vector<16xf32>
        %get3A_268 = arith.index_cast %scan3A_153 : i32 to index
        %get3A_269 = arith.constant 128 : index
        %get3A_270 = tpu.vector_load %arg8[%get3A_268, %get3A_269] {strides = array<i32>} : memref<16x1024xf32, #tpu.memory_space<vmem>>, vector<1x16xf32>,
        %get3A_271 = vector.shape_cast %get3A_270 : vector<1x16xf32> to vector<16xf32>
        %add3A_272 = arith.addf %get3A_267, %get3A_271 : vector<16xf32>
        %swap3A_273 = arith.index_cast %scan3A_153 : i32 to index
        %swap3A_274 = arith.constant 128 : index
        %swap3A_275 = tpu.vector_load %arg6[%swap3A_273, %swap3A_274] {strides = array<i32>} : memref<16x1024xf32, #tpu.memory_space<vmem>>, vector<1x16xf32>,
        %swap3A_276 = vector.shape_cast %swap3A_275 : vector<1x16xf32> to vector<16xf32>
        %swap3A_277 = vector.shape_cast %add3A_272 : vector<16xf32> to vector<1x16xf32>
        tpu.vector_store %arg6[%swap3A_273, %swap3A_274], %swap3A_277 {strides = array<i32>} : memref<16x1024xf32, #tpu.memory_space<vmem>>, vector<1x16xf32>,
        %get3A_278 = arith.index_cast %scan3A_153 : i32 to index
        %get3A_279 = arith.constant 144 : index
        %get3A_280 = tpu.vector_load %arg6[%get3A_278, %get3A_279] {strides = array<i32>} : memref<16x1024xf32, #tpu.memory_space<vmem>>, vector<1x16xf32>,
        %get3A_281 = vector.shape_cast %get3A_280 : vector<1x16xf32> to vector<16xf32>
        %get3A_282 = arith.index_cast %scan3A_153 : i32 to index
        %get3A_283 = arith.constant 144 : index
        %get3A_284 = tpu.vector_load %arg8[%get3A_282, %get3A_283] {strides = array<i32>} : memref<16x1024xf32, #tpu.memory_space<vmem>>, vector<1x16xf32>,
        %get3A_285 = vector.shape_cast %get3A_284 : vector<1x16xf32> to vector<16xf32>
        %add3A_286 = arith.addf %get3A_281, %get3A_285 : vector<16xf32>
        %swap3A_287 = arith.index_cast %scan3A_153 : i32 to index
        %swap3A_288 = arith.constant 144 : index
        %swap3A_289 = tpu.vector_load %arg6[%swap3A_287, %swap3A_288] {strides = array<i32>} : memref<16x1024xf32, #tpu.memory_space<vmem>>, vector<1x16xf32>,
        %swap3A_290 = vector.shape_cast %swap3A_289 : vector<1x16xf32> to vector<16xf32>
        %swap3A_291 = vector.shape_cast %add3A_286 : vector<16xf32> to vector<1x16xf32>
        tpu.vector_store %arg6[%swap3A_287, %swap3A_288], %swap3A_291 {strides = array<i32>} : memref<16x1024xf32, #tpu.memory_space<vmem>>, vector<1x16xf32>,
        %get3A_292 = arith.index_cast %scan3A_153 : i32 to index
        %get3A_293 = arith.constant 160 : index
        %get3A_294 = tpu.vector_load %arg6[%get3A_292, %get3A_293] {strides = array<i32>} : memref<16x1024xf32, #tpu.memory_space<vmem>>, vector<1x16xf32>,
        %get3A_295 = vector.shape_cast %get3A_294 : vector<1x16xf32> to vector<16xf32>
        %get3A_296 = arith.index_cast %scan3A_153 : i32 to index
        %get3A_297 = arith.constant 160 : index
        %get3A_298 = tpu.vector_load %arg8[%get3A_296, %get3A_297] {strides = array<i32>} : memref<16x1024xf32, #tpu.memory_space<vmem>>, vector<1x16xf32>,
        %get3A_299 = vector.shape_cast %get3A_298 : vector<1x16xf32> to vector<16xf32>
        %add3A_300 = arith.addf %get3A_295, %get3A_299 : vector<16xf32>
        %swap3A_301 = arith.index_cast %scan3A_153 : i32 to index
        %swap3A_302 = arith.constant 160 : index
        %swap3A_303 = tpu.vector_load %arg6[%swap3A_301, %swap3A_302] {strides = array<i32>} : memref<16x1024xf32, #tpu.memory_space<vmem>>, vector<1x16xf32>,
        %swap3A_304 = vector.shape_cast %swap3A_303 : vector<1x16xf32> to vector<16xf32>
        %swap3A_305 = vector.shape_cast %add3A_300 : vector<16xf32> to vector<1x16xf32>
        tpu.vector_store %arg6[%swap3A_301, %swap3A_302], %swap3A_305 {strides = array<i32>} : memref<16x1024xf32, #tpu.memory_space<vmem>>, vector<1x16xf32>,
        %get3A_306 = arith.index_cast %scan3A_153 : i32 to index
        %get3A_307 = arith.constant 176 : index
        %get3A_308 = tpu.vector_load %arg6[%get3A_306, %get3A_307] {strides = array<i32>} : memref<16x1024xf32, #tpu.memory_space<vmem>>, vector<1x16xf32>,
        %get3A_309 = vector.shape_cast %get3A_308 : vector<1x16xf32> to vector<16xf32>
        %get3A_310 = arith.index_cast %scan3A_153 : i32 to index
        %get3A_311 = arith.constant 176 : index
        %get3A_312 = tpu.vector_load %arg8[%get3A_310, %get3A_311] {strides = array<i32>} : memref<16x1024xf32, #tpu.memory_space<vmem>>, vector<1x16xf32>,
        %get3A_313 = vector.shape_cast %get3A_312 : vector<1x16xf32> to vector<16xf32>
        %add3A_314 = arith.addf %get3A_309, %get3A_313 : vector<16xf32>
        %swap3A_315 = arith.index_cast %scan3A_153 : i32 to index
        %swap3A_316 = arith.constant 176 : index
        %swap3A_317 = tpu.vector_load %arg6[%swap3A_315, %swap3A_316] {strides = array<i32>} : memref<16x1024xf32, #tpu.memory_space<vmem>>, vector<1x16xf32>,
        %swap3A_318 = vector.shape_cast %swap3A_317 : vector<1x16xf32> to vector<16xf32>
        %swap3A_319 = vector.shape_cast %add3A_314 : vector<16xf32> to vector<1x16xf32>
        tpu.vector_store %arg6[%swap3A_315, %swap3A_316], %swap3A_319 {strides = array<i32>} : memref<16x1024xf32, #tpu.memory_space<vmem>>, vector<1x16xf32>,
        %get3A_320 = arith.index_cast %scan3A_153 : i32 to index
        %get3A_321 = arith.constant 192 : index
        %get3A_322 = tpu.vector_load %arg6[%get3A_320, %get3A_321] {strides = array<i32>} : memref<16x1024xf32, #tpu.memory_space<vmem>>, vector<1x16xf32>,
        %get3A_323 = vector.shape_cast %get3A_322 : vector<1x16xf32> to vector<16xf32>
        %get3A_324 = arith.index_cast %scan3A_153 : i32 to index
        %get3A_325 = arith.constant 192 : index
        %get3A_326 = tpu.vector_load %arg8[%get3A_324, %get3A_325] {strides = array<i32>} : memref<16x1024xf32, #tpu.memory_space<vmem>>, vector<1x16xf32>,
        %get3A_327 = vector.shape_cast %get3A_326 : vector<1x16xf32> to vector<16xf32>
        %add3A_328 = arith.addf %get3A_323, %get3A_327 : vector<16xf32>
        %swap3A_329 = arith.index_cast %scan3A_153 : i32 to index
        %swap3A_330 = arith.constant 192 : index
        %swap3A_331 = tpu.vector_load %arg6[%swap3A_329, %swap3A_330] {strides = array<i32>} : memref<16x1024xf32, #tpu.memory_space<vmem>>, vector<1x16xf32>,
        %swap3A_332 = vector.shape_cast %swap3A_331 : vector<1x16xf32> to vector<16xf32>
        %swap3A_333 = vector.shape_cast %add3A_328 : vector<16xf32> to vector<1x16xf32>
        tpu.vector_store %arg6[%swap3A_329, %swap3A_330], %swap3A_333 {strides = array<i32>} : memref<16x1024xf32, #tpu.memory_space<vmem>>, vector<1x16xf32>,
        %get3A_334 = arith.index_cast %scan3A_153 : i32 to index
        %get3A_335 = arith.constant 208 : index
        %get3A_336 = tpu.vector_load %arg6[%get3A_334, %get3A_335] {strides = array<i32>} : memref<16x1024xf32, #tpu.memory_space<vmem>>, vector<1x16xf32>,
        %get3A_337 = vector.shape_cast %get3A_336 : vector<1x16xf32> to vector<16xf32>
        %get3A_338 = arith.index_cast %scan3A_153 : i32 to index
        %get3A_339 = arith.constant 208 : index
        %get3A_340 = tpu.vector_load %arg8[%get3A_338, %get3A_339] {strides = array<i32>} : memref<16x1024xf32, #tpu.memory_space<vmem>>, vector<1x16xf32>,
        %get3A_341 = vector.shape_cast %get3A_340 : vector<1x16xf32> to vector<16xf32>
        %add3A_342 = arith.addf %get3A_337, %get3A_341 : vector<16xf32>
        %swap3A_343 = arith.index_cast %scan3A_153 : i32 to index
        %swap3A_344 = arith.constant 208 : index
        %swap3A_345 = tpu.vector_load %arg6[%swap3A_343, %swap3A_344] {strides = array<i32>} : memref<16x1024xf32, #tpu.memory_space<vmem>>, vector<1x16xf32>,
        %swap3A_346 = vector.shape_cast %swap3A_345 : vector<1x16xf32> to vector<16xf32>
        %swap3A_347 = vector.shape_cast %add3A_342 : vector<16xf32> to vector<1x16xf32>
        tpu.vector_store %arg6[%swap3A_343, %swap3A_344], %swap3A_347 {strides = array<i32>} : memref<16x1024xf32, #tpu.memory_space<vmem>>, vector<1x16xf32>,
        %get3A_348 = arith.index_cast %scan3A_153 : i32 to index
        %get3A_349 = arith.constant 224 : index
        %get3A_350 = tpu.vector_load %arg6[%get3A_348, %get3A_349] {strides = array<i32>} : memref<16x1024xf32, #tpu.memory_space<vmem>>, vector<1x16xf32>,
        %get3A_351 = vector.shape_cast %get3A_350 : vector<1x16xf32> to vector<16xf32>
        %get3A_352 = arith.index_cast %scan3A_153 : i32 to index
        %get3A_353 = arith.constant 224 : index
        %get3A_354 = tpu.vector_load %arg8[%get3A_352, %get3A_353] {strides = array<i32>} : memref<16x1024xf32, #tpu.memory_space<vmem>>, vector<1x16xf32>,
        %get3A_355 = vector.shape_cast %get3A_354 : vector<1x16xf32> to vector<16xf32>
        %add3A_356 = arith.addf %get3A_351, %get3A_355 : vector<16xf32>
        %swap3A_357 = arith.index_cast %scan3A_153 : i32 to index
        %swap3A_358 = arith.constant 224 : index
        %swap3A_359 = tpu.vector_load %arg6[%swap3A_357, %swap3A_358] {strides = array<i32>} : memref<16x1024xf32, #tpu.memory_space<vmem>>, vector<1x16xf32>,
        %swap3A_360 = vector.shape_cast %swap3A_359 : vector<1x16xf32> to vector<16xf32>
        %swap3A_361 = vector.shape_cast %add3A_356 : vector<16xf32> to vector<1x16xf32>
        tpu.vector_store %arg6[%swap3A_357, %swap3A_358], %swap3A_361 {strides = array<i32>} : memref<16x1024xf32, #tpu.memory_space<vmem>>, vector<1x16xf32>,
        %get3A_362 = arith.index_cast %scan3A_153 : i32 to index
        %get3A_363 = arith.constant 240 : index
        %get3A_364 = tpu.vector_load %arg6[%get3A_362, %get3A_363] {strides = array<i32>} : memref<16x1024xf32, #tpu.memory_space<vmem>>, vector<1x16xf32>,
        %get3A_365 = vector.shape_cast %get3A_364 : vector<1x16xf32> to vector<16xf32>
        %get3A_366 = arith.index_cast %scan3A_153 : i32 to index
        %get3A_367 = arith.constant 240 : index
        %get3A_368 = tpu.vector_load %arg8[%get3A_366, %get3A_367] {strides = array<i32>} : memref<16x1024xf32, #tpu.memory_space<vmem>>, vector<1x16xf32>,
        %get3A_369 = vector.shape_cast %get3A_368 : vector<1x16xf32> to vector<16xf32>
        %add3A_370 = arith.addf %get3A_365, %get3A_369 : vector<16xf32>
        %swap3A_371 = arith.index_cast %scan3A_153 : i32 to index
        %swap3A_372 = arith.constant 240 : index
        %swap3A_373 = tpu.vector_load %arg6[%swap3A_371, %swap3A_372] {strides = array<i32>} : memref<16x1024xf32, #tpu.memory_space<vmem>>, vector<1x16xf32>,
        %swap3A_374 = vector.shape_cast %swap3A_373 : vector<1x16xf32> to vector<16xf32>
        %swap3A_375 = vector.shape_cast %add3A_370 : vector<16xf32> to vector<1x16xf32>
        tpu.vector_store %arg6[%swap3A_371, %swap3A_372], %swap3A_375 {strides = array<i32>} : memref<16x1024xf32, #tpu.memory_space<vmem>>, vector<1x16xf32>,
        %get3A_376 = arith.index_cast %scan3A_153 : i32 to index
        %get3A_377 = arith.constant 256 : index
        %get3A_378 = tpu.vector_load %arg6[%get3A_376, %get3A_377] {strides = array<i32>} : memref<16x1024xf32, #tpu.memory_space<vmem>>, vector<1x16xf32>,
        %get3A_379 = vector.shape_cast %get3A_378 : vector<1x16xf32> to vector<16xf32>
        %get3A_380 = arith.index_cast %scan3A_153 : i32 to index
        %get3A_381 = arith.constant 256 : index
        %get3A_382 = tpu.vector_load %arg8[%get3A_380, %get3A_381] {strides = array<i32>} : memref<16x1024xf32, #tpu.memory_space<vmem>>, vector<1x16xf32>,
        %get3A_383 = vector.shape_cast %get3A_382 : vector<1x16xf32> to vector<16xf32>
        %add3A_384 = arith.addf %get3A_379, %get3A_383 : vector<16xf32>
        %swap3A_385 = arith.index_cast %scan3A_153 : i32 to index
        %swap3A_386 = arith.constant 256 : index
        %swap3A_387 = tpu.vector_load %arg6[%swap3A_385, %swap3A_386] {strides = array<i32>} : memref<16x1024xf32, #tpu.memory_space<vmem>>, vector<1x16xf32>,
        %swap3A_388 = vector.shape_cast %swap3A_387 : vector<1x16xf32> to vector<16xf32>
        %swap3A_389 = vector.shape_cast %add3A_384 : vector<16xf32> to vector<1x16xf32>
        tpu.vector_store %arg6[%swap3A_385, %swap3A_386], %swap3A_389 {strides = array<i32>} : memref<16x1024xf32, #tpu.memory_space<vmem>>, vector<1x16xf32>,
        %get3A_390 = arith.index_cast %scan3A_153 : i32 to index
        %get3A_391 = arith.constant 272 : index
        %get3A_392 = tpu.vector_load %arg6[%get3A_390, %get3A_391] {strides = array<i32>} : memref<16x1024xf32, #tpu.memory_space<vmem>>, vector<1x16xf32>,
        %get3A_393 = vector.shape_cast %get3A_392 : vector<1x16xf32> to vector<16xf32>
        %get3A_394 = arith.index_cast %scan3A_153 : i32 to index
        %get3A_395 = arith.constant 272 : index
        %get3A_396 = tpu.vector_load %arg8[%get3A_394, %get3A_395] {strides = array<i32>} : memref<16x1024xf32, #tpu.memory_space<vmem>>, vector<1x16xf32>,
        %get3A_397 = vector.shape_cast %get3A_396 : vector<1x16xf32> to vector<16xf32>
        %add3A_398 = arith.addf %get3A_393, %get3A_397 : vector<16xf32>
        %swap3A_399 = arith.index_cast %scan3A_153 : i32 to index
        %swap3A_400 = arith.constant 272 : index
        %swap3A_401 = tpu.vector_load %arg6[%swap3A_399, %swap3A_400] {strides = array<i32>} : memref<16x1024xf32, #tpu.memory_space<vmem>>, vector<1x16xf32>,
        %swap3A_402 = vector.shape_cast %swap3A_401 : vector<1x16xf32> to vector<16xf32>
        %swap3A_403 = vector.shape_cast %add3A_398 : vector<16xf32> to vector<1x16xf32>
        tpu.vector_store %arg6[%swap3A_399, %swap3A_400], %swap3A_403 {strides = array<i32>} : memref<16x1024xf32, #tpu.memory_space<vmem>>, vector<1x16xf32>,
        %get3A_404 = arith.index_cast %scan3A_153 : i32 to index
        %get3A_405 = arith.constant 288 : index
        %get3A_406 = tpu.vector_load %arg6[%get3A_404, %get3A_405] {strides = array<i32>} : memref<16x1024xf32, #tpu.memory_space<vmem>>, vector<1x16xf32>,
        %get3A_407 = vector.shape_cast %get3A_406 : vector<1x16xf32> to vector<16xf32>
        %get3A_408 = arith.index_cast %scan3A_153 : i32 to index
        %get3A_409 = arith.constant 288 : index
        %get3A_410 = tpu.vector_load %arg8[%get3A_408, %get3A_409] {strides = array<i32>} : memref<16x1024xf32, #tpu.memory_space<vmem>>, vector<1x16xf32>,
        %get3A_411 = vector.shape_cast %get3A_410 : vector<1x16xf32> to vector<16xf32>
        %add3A_412 = arith.addf %get3A_407, %get3A_411 : vector<16xf32>
        %swap3A_413 = arith.index_cast %scan3A_153 : i32 to index
        %swap3A_414 = arith.constant 288 : index
        %swap3A_415 = tpu.vector_load %arg6[%swap3A_413, %swap3A_414] {strides = array<i32>} : memref<16x1024xf32, #tpu.memory_space<vmem>>, vector<1x16xf32>,
        %swap3A_416 = vector.shape_cast %swap3A_415 : vector<1x16xf32> to vector<16xf32>
        %swap3A_417 = vector.shape_cast %add3A_412 : vector<16xf32> to vector<1x16xf32>
        tpu.vector_store %arg6[%swap3A_413, %swap3A_414], %swap3A_417 {strides = array<i32>} : memref<16x1024xf32, #tpu.memory_space<vmem>>, vector<1x16xf32>,
        %get3A_418 = arith.index_cast %scan3A_153 : i32 to index
        %get3A_419 = arith.constant 304 : index
        %get3A_420 = tpu.vector_load %arg6[%get3A_418, %get3A_419] {strides = array<i32>} : memref<16x1024xf32, #tpu.memory_space<vmem>>, vector<1x16xf32>,
        %get3A_421 = vector.shape_cast %get3A_420 : vector<1x16xf32> to vector<16xf32>
        %get3A_422 = arith.index_cast %scan3A_153 : i32 to index
        %get3A_423 = arith.constant 304 : index
        %get3A_424 = tpu.vector_load %arg8[%get3A_422, %get3A_423] {strides = array<i32>} : memref<16x1024xf32, #tpu.memory_space<vmem>>, vector<1x16xf32>,
        %get3A_425 = vector.shape_cast %get3A_424 : vector<1x16xf32> to vector<16xf32>
        %add3A_426 = arith.addf %get3A_421, %get3A_425 : vector<16xf32>
        %swap3A_427 = arith.index_cast %scan3A_153 : i32 to index
        %swap3A_428 = arith.constant 304 : index
        %swap3A_429 = tpu.vector_load %arg6[%swap3A_427, %swap3A_428] {strides = array<i32>} : memref<16x1024xf32, #tpu.memory_space<vmem>>, vector<1x16xf32>,
        %swap3A_430 = vector.shape_cast %swap3A_429 : vector<1x16xf32> to vector<16xf32>
        %swap3A_431 = vector.shape_cast %add3A_426 : vector<16xf32> to vector<1x16xf32>
        tpu.vector_store %arg6[%swap3A_427, %swap3A_428], %swap3A_431 {strides = array<i32>} : memref<16x1024xf32, #tpu.memory_space<vmem>>, vector<1x16xf32>,
        %get3A_432 = arith.index_cast %scan3A_153 : i32 to index
        %get3A_433 = arith.constant 320 : index
        %get3A_434 = tpu.vector_load %arg6[%get3A_432, %get3A_433] {strides = array<i32>} : memref<16x1024xf32, #tpu.memory_space<vmem>>, vector<1x16xf32>,
        %get3A_435 = vector.shape_cast %get3A_434 : vector<1x16xf32> to vector<16xf32>
        %get3A_436 = arith.index_cast %scan3A_153 : i32 to index
        %get3A_437 = arith.constant 320 : index
        %get3A_438 = tpu.vector_load %arg8[%get3A_436, %get3A_437] {strides = array<i32>} : memref<16x1024xf32, #tpu.memory_space<vmem>>, vector<1x16xf32>,
        %get3A_439 = vector.shape_cast %get3A_438 : vector<1x16xf32> to vector<16xf32>
        %add3A_440 = arith.addf %get3A_435, %get3A_439 : vector<16xf32>
        %swap3A_441 = arith.index_cast %scan3A_153 : i32 to index
        %swap3A_442 = arith.constant 320 : index
        %swap3A_443 = tpu.vector_load %arg6[%swap3A_441, %swap3A_442] {strides = array<i32>} : memref<16x1024xf32, #tpu.memory_space<vmem>>, vector<1x16xf32>,
        %swap3A_444 = vector.shape_cast %swap3A_443 : vector<1x16xf32> to vector<16xf32>
        %swap3A_445 = vector.shape_cast %add3A_440 : vector<16xf32> to vector<1x16xf32>
        tpu.vector_store %arg6[%swap3A_441, %swap3A_442], %swap3A_445 {strides = array<i32>} : memref<16x1024xf32, #tpu.memory_space<vmem>>, vector<1x16xf32>,
        %get3A_446 = arith.index_cast %scan3A_153 : i32 to index
        %get3A_447 = arith.constant 336 : index
        %get3A_448 = tpu.vector_load %arg6[%get3A_446, %get3A_447] {strides = array<i32>} : memref<16x1024xf32, #tpu.memory_space<vmem>>, vector<1x16xf32>,
        %get3A_449 = vector.shape_cast %get3A_448 : vector<1x16xf32> to vector<16xf32>
        %get3A_450 = arith.index_cast %scan3A_153 : i32 to index
        %get3A_451 = arith.constant 336 : index
        %get3A_452 = tpu.vector_load %arg8[%get3A_450, %get3A_451] {strides = array<i32>} : memref<16x1024xf32, #tpu.memory_space<vmem>>, vector<1x16xf32>,
        %get3A_453 = vector.shape_cast %get3A_452 : vector<1x16xf32> to vector<16xf32>
        %add3A_454 = arith.addf %get3A_449, %get3A_453 : vector<16xf32>
        %swap3A_455 = arith.index_cast %scan3A_153 : i32 to index
        %swap3A_456 = arith.constant 336 : index
        %swap3A_457 = tpu.vector_load %arg6[%swap3A_455, %swap3A_456] {strides = array<i32>} : memref<16x1024xf32, #tpu.memory_space<vmem>>, vector<1x16xf32>,
        %swap3A_458 = vector.shape_cast %swap3A_457 : vector<1x16xf32> to vector<16xf32>
        %swap3A_459 = vector.shape_cast %add3A_454 : vector<16xf32> to vector<1x16xf32>
        tpu.vector_store %arg6[%swap3A_455, %swap3A_456], %swap3A_459 {strides = array<i32>} : memref<16x1024xf32, #tpu.memory_space<vmem>>, vector<1x16xf32>,
        %get3A_460 = arith.index_cast %scan3A_153 : i32 to index
        %get3A_461 = arith.constant 352 : index
        %get3A_462 = tpu.vector_load %arg6[%get3A_460, %get3A_461] {strides = array<i32>} : memref<16x1024xf32, #tpu.memory_space<vmem>>, vector<1x16xf32>,
        %get3A_463 = vector.shape_cast %get3A_462 : vector<1x16xf32> to vector<16xf32>
        %get3A_464 = arith.index_cast %scan3A_153 : i32 to index
        %get3A_465 = arith.constant 352 : index
        %get3A_466 = tpu.vector_load %arg8[%get3A_464, %get3A_465] {strides = array<i32>} : memref<16x1024xf32, #tpu.memory_space<vmem>>, vector<1x16xf32>,
        %get3A_467 = vector.shape_cast %get3A_466 : vector<1x16xf32> to vector<16xf32>
        %add3A_468 = arith.addf %get3A_463, %get3A_467 : vector<16xf32>
        %swap3A_469 = arith.index_cast %scan3A_153 : i32 to index
        %swap3A_470 = arith.constant 352 : index
        %swap3A_471 = tpu.vector_load %arg6[%swap3A_469, %swap3A_470] {strides = array<i32>} : memref<16x1024xf32, #tpu.memory_space<vmem>>, vector<1x16xf32>,
        %swap3A_472 = vector.shape_cast %swap3A_471 : vector<1x16xf32> to vector<16xf32>
        %swap3A_473 = vector.shape_cast %add3A_468 : vector<16xf32> to vector<1x16xf32>
        tpu.vector_store %arg6[%swap3A_469, %swap3A_470], %swap3A_473 {strides = array<i32>} : memref<16x1024xf32, #tpu.memory_space<vmem>>, vector<1x16xf32>,
        %get3A_474 = arith.index_cast %scan3A_153 : i32 to index
        %get3A_475 = arith.constant 368 : index
        %get3A_476 = tpu.vector_load %arg6[%get3A_474, %get3A_475] {strides = array<i32>} : memref<16x1024xf32, #tpu.memory_space<vmem>>, vector<1x16xf32>,
        %get3A_477 = vector.shape_cast %get3A_476 : vector<1x16xf32> to vector<16xf32>
        %get3A_478 = arith.index_cast %scan3A_153 : i32 to index
        %get3A_479 = arith.constant 368 : index
        %get3A_480 = tpu.vector_load %arg8[%get3A_478, %get3A_479] {strides = array<i32>} : memref<16x1024xf32, #tpu.memory_space<vmem>>, vector<1x16xf32>,
        %get3A_481 = vector.shape_cast %get3A_480 : vector<1x16xf32> to vector<16xf32>
        %add3A_482 = arith.addf %get3A_477, %get3A_481 : vector<16xf32>
        %swap3A_483 = arith.index_cast %scan3A_153 : i32 to index
        %swap3A_484 = arith.constant 368 : index
        %swap3A_485 = tpu.vector_load %arg6[%swap3A_483, %swap3A_484] {strides = array<i32>} : memref<16x1024xf32, #tpu.memory_space<vmem>>, vector<1x16xf32>,
        %swap3A_486 = vector.shape_cast %swap3A_485 : vector<1x16xf32> to vector<16xf32>
        %swap3A_487 = vector.shape_cast %add3A_482 : vector<16xf32> to vector<1x16xf32>
        tpu.vector_store %arg6[%swap3A_483, %swap3A_484], %swap3A_487 {strides = array<i32>} : memref<16x1024xf32, #tpu.memory_space<vmem>>, vector<1x16xf32>,
        %get3A_488 = arith.index_cast %scan3A_153 : i32 to index
        %get3A_489 = arith.constant 384 : index
        %get3A_490 = tpu.vector_load %arg6[%get3A_488, %get3A_489] {strides = array<i32>} : memref<16x1024xf32, #tpu.memory_space<vmem>>, vector<1x16xf32>,
        %get3A_491 = vector.shape_cast %get3A_490 : vector<1x16xf32> to vector<16xf32>
        %get3A_492 = arith.index_cast %scan3A_153 : i32 to index
        %get3A_493 = arith.constant 384 : index
        %get3A_494 = tpu.vector_load %arg8[%get3A_492, %get3A_493] {strides = array<i32>} : memref<16x1024xf32, #tpu.memory_space<vmem>>, vector<1x16xf32>,
        %get3A_495 = vector.shape_cast %get3A_494 : vector<1x16xf32> to vector<16xf32>
        %add3A_496 = arith.addf %get3A_491, %get3A_495 : vector<16xf32>
        %swap3A_497 = arith.index_cast %scan3A_153 : i32 to index
        %swap3A_498 = arith.constant 384 : index
        %swap3A_499 = tpu.vector_load %arg6[%swap3A_497, %swap3A_498] {strides = array<i32>} : memref<16x1024xf32, #tpu.memory_space<vmem>>, vector<1x16xf32>,
        %swap3A_500 = vector.shape_cast %swap3A_499 : vector<1x16xf32> to vector<16xf32>
        %swap3A_501 = vector.shape_cast %add3A_496 : vector<16xf32> to vector<1x16xf32>
        tpu.vector_store %arg6[%swap3A_497, %swap3A_498], %swap3A_501 {strides = array<i32>} : memref<16x1024xf32, #tpu.memory_space<vmem>>, vector<1x16xf32>,
        %get3A_502 = arith.index_cast %scan3A_153 : i32 to index
        %get3A_503 = arith.constant 400 : index
        %get3A_504 = tpu.vector_load %arg6[%get3A_502, %get3A_503] {strides = array<i32>} : memref<16x1024xf32, #tpu.memory_space<vmem>>, vector<1x16xf32>,
        %get3A_505 = vector.shape_cast %get3A_504 : vector<1x16xf32> to vector<16xf32>
        %get3A_506 = arith.index_cast %scan3A_153 : i32 to index
        %get3A_507 = arith.constant 400 : index
        %get3A_508 = tpu.vector_load %arg8[%get3A_506, %get3A_507] {strides = array<i32>} : memref<16x1024xf32, #tpu.memory_space<vmem>>, vector<1x16xf32>,
        %get3A_509 = vector.shape_cast %get3A_508 : vector<1x16xf32> to vector<16xf32>
        %add3A_510 = arith.addf %get3A_505, %get3A_509 : vector<16xf32>
        %swap3A_511 = arith.index_cast %scan3A_153 : i32 to index
        %swap3A_512 = arith.constant 400 : index
        %swap3A_513 = tpu.vector_load %arg6[%swap3A_511, %swap3A_512] {strides = array<i32>} : memref<16x1024xf32, #tpu.memory_space<vmem>>, vector<1x16xf32>,
        %swap3A_514 = vector.shape_cast %swap3A_513 : vector<1x16xf32> to vector<16xf32>
        %swap3A_515 = vector.shape_cast %add3A_510 : vector<16xf32> to vector<1x16xf32>
        tpu.vector_store %arg6[%swap3A_511, %swap3A_512], %swap3A_515 {strides = array<i32>} : memref<16x1024xf32, #tpu.memory_space<vmem>>, vector<1x16xf32>,
        %get3A_516 = arith.index_cast %scan3A_153 : i32 to index
        %get3A_517 = arith.constant 416 : index
        %get3A_518 = tpu.vector_load %arg6[%get3A_516, %get3A_517] {strides = array<i32>} : memref<16x1024xf32, #tpu.memory_space<vmem>>, vector<1x16xf32>,
        %get3A_519 = vector.shape_cast %get3A_518 : vector<1x16xf32> to vector<16xf32>
        %get3A_520 = arith.index_cast %scan3A_153 : i32 to index
        %get3A_521 = arith.constant 416 : index
        %get3A_522 = tpu.vector_load %arg8[%get3A_520, %get3A_521] {strides = array<i32>} : memref<16x1024xf32, #tpu.memory_space<vmem>>, vector<1x16xf32>,
        %get3A_523 = vector.shape_cast %get3A_522 : vector<1x16xf32> to vector<16xf32>
        %add3A_524 = arith.addf %get3A_519, %get3A_523 : vector<16xf32>
        %swap3A_525 = arith.index_cast %scan3A_153 : i32 to index
        %swap3A_526 = arith.constant 416 : index
        %swap3A_527 = tpu.vector_load %arg6[%swap3A_525, %swap3A_526] {strides = array<i32>} : memref<16x1024xf32, #tpu.memory_space<vmem>>, vector<1x16xf32>,
        %swap3A_528 = vector.shape_cast %swap3A_527 : vector<1x16xf32> to vector<16xf32>
        %swap3A_529 = vector.shape_cast %add3A_524 : vector<16xf32> to vector<1x16xf32>
        tpu.vector_store %arg6[%swap3A_525, %swap3A_526], %swap3A_529 {strides = array<i32>} : memref<16x1024xf32, #tpu.memory_space<vmem>>, vector<1x16xf32>,
        %get3A_530 = arith.index_cast %scan3A_153 : i32 to index
        %get3A_531 = arith.constant 432 : index
        %get3A_532 = tpu.vector_load %arg6[%get3A_530, %get3A_531] {strides = array<i32>} : memref<16x1024xf32, #tpu.memory_space<vmem>>, vector<1x16xf32>,
        %get3A_533 = vector.shape_cast %get3A_532 : vector<1x16xf32> to vector<16xf32>
        %get3A_534 = arith.index_cast %scan3A_153 : i32 to index
        %get3A_535 = arith.constant 432 : index
        %get3A_536 = tpu.vector_load %arg8[%get3A_534, %get3A_535] {strides = array<i32>} : memref<16x1024xf32, #tpu.memory_space<vmem>>, vector<1x16xf32>,
        %get3A_537 = vector.shape_cast %get3A_536 : vector<1x16xf32> to vector<16xf32>
        %add3A_538 = arith.addf %get3A_533, %get3A_537 : vector<16xf32>
        %swap3A_539 = arith.index_cast %scan3A_153 : i32 to index
        %swap3A_540 = arith.constant 432 : index
        %swap3A_541 = tpu.vector_load %arg6[%swap3A_539, %swap3A_540] {strides = array<i32>} : memref<16x1024xf32, #tpu.memory_space<vmem>>, vector<1x16xf32>,
        %swap3A_542 = vector.shape_cast %swap3A_541 : vector<1x16xf32> to vector<16xf32>
        %swap3A_543 = vector.shape_cast %add3A_538 : vector<16xf32> to vector<1x16xf32>
        tpu.vector_store %arg6[%swap3A_539, %swap3A_540], %swap3A_543 {strides = array<i32>} : memref<16x1024xf32, #tpu.memory_space<vmem>>, vector<1x16xf32>,
        %get3A_544 = arith.index_cast %scan3A_153 : i32 to index
        %get3A_545 = arith.constant 448 : index
        %get3A_546 = tpu.vector_load %arg6[%get3A_544, %get3A_545] {strides = array<i32>} : memref<16x1024xf32, #tpu.memory_space<vmem>>, vector<1x16xf32>,
        %get3A_547 = vector.shape_cast %get3A_546 : vector<1x16xf32> to vector<16xf32>
        %get3A_548 = arith.index_cast %scan3A_153 : i32 to index
        %get3A_549 = arith.constant 448 : index
        %get3A_550 = tpu.vector_load %arg8[%get3A_548, %get3A_549] {strides = array<i32>} : memref<16x1024xf32, #tpu.memory_space<vmem>>, vector<1x16xf32>,
        %get3A_551 = vector.shape_cast %get3A_550 : vector<1x16xf32> to vector<16xf32>
        %add3A_552 = arith.addf %get3A_547, %get3A_551 : vector<16xf32>
        %swap3A_553 = arith.index_cast %scan3A_153 : i32 to index
        %swap3A_554 = arith.constant 448 : index
        %swap3A_555 = tpu.vector_load %arg6[%swap3A_553, %swap3A_554] {strides = array<i32>} : memref<16x1024xf32, #tpu.memory_space<vmem>>, vector<1x16xf32>,
        %swap3A_556 = vector.shape_cast %swap3A_555 : vector<1x16xf32> to vector<16xf32>
        %swap3A_557 = vector.shape_cast %add3A_552 : vector<16xf32> to vector<1x16xf32>
        tpu.vector_store %arg6[%swap3A_553, %swap3A_554], %swap3A_557 {strides = array<i32>} : memref<16x1024xf32, #tpu.memory_space<vmem>>, vector<1x16xf32>,
        %get3A_558 = arith.index_cast %scan3A_153 : i32 to index
        %get3A_559 = arith.constant 464 : index
        %get3A_560 = tpu.vector_load %arg6[%get3A_558, %get3A_559] {strides = array<i32>} : memref<16x1024xf32, #tpu.memory_space<vmem>>, vector<1x16xf32>,
        %get3A_561 = vector.shape_cast %get3A_560 : vector<1x16xf32> to vector<16xf32>
        %get3A_562 = arith.index_cast %scan3A_153 : i32 to index
        %get3A_563 = arith.constant 464 : index
        %get3A_564 = tpu.vector_load %arg8[%get3A_562, %get3A_563] {strides = array<i32>} : memref<16x1024xf32, #tpu.memory_space<vmem>>, vector<1x16xf32>,
        %get3A_565 = vector.shape_cast %get3A_564 : vector<1x16xf32> to vector<16xf32>
        %add3A_566 = arith.addf %get3A_561, %get3A_565 : vector<16xf32>
        %swap3A_567 = arith.index_cast %scan3A_153 : i32 to index
        %swap3A_568 = arith.constant 464 : index
        %swap3A_569 = tpu.vector_load %arg6[%swap3A_567, %swap3A_568] {strides = array<i32>} : memref<16x1024xf32, #tpu.memory_space<vmem>>, vector<1x16xf32>,
        %swap3A_570 = vector.shape_cast %swap3A_569 : vector<1x16xf32> to vector<16xf32>
        %swap3A_571 = vector.shape_cast %add3A_566 : vector<16xf32> to vector<1x16xf32>
        tpu.vector_store %arg6[%swap3A_567, %swap3A_568], %swap3A_571 {strides = array<i32>} : memref<16x1024xf32, #tpu.memory_space<vmem>>, vector<1x16xf32>,
        %get3A_572 = arith.index_cast %scan3A_153 : i32 to index
        %get3A_573 = arith.constant 480 : index
        %get3A_574 = tpu.vector_load %arg6[%get3A_572, %get3A_573] {strides = array<i32>} : memref<16x1024xf32, #tpu.memory_space<vmem>>, vector<1x16xf32>,
        %get3A_575 = vector.shape_cast %get3A_574 : vector<1x16xf32> to vector<16xf32>
        %get3A_576 = arith.index_cast %scan3A_153 : i32 to index
        %get3A_577 = arith.constant 480 : index
        %get3A_578 = tpu.vector_load %arg8[%get3A_576, %get3A_577] {strides = array<i32>} : memref<16x1024xf32, #tpu.memory_space<vmem>>, vector<1x16xf32>,
        %get3A_579 = vector.shape_cast %get3A_578 : vector<1x16xf32> to vector<16xf32>
        %add3A_580 = arith.addf %get3A_575, %get3A_579 : vector<16xf32>
        %swap3A_581 = arith.index_cast %scan3A_153 : i32 to index
        %swap3A_582 = arith.constant 480 : index
        %swap3A_583 = tpu.vector_load %arg6[%swap3A_581, %swap3A_582] {strides = array<i32>} : memref<16x1024xf32, #tpu.memory_space<vmem>>, vector<1x16xf32>,
        %swap3A_584 = vector.shape_cast %swap3A_583 : vector<1x16xf32> to vector<16xf32>
        %swap3A_585 = vector.shape_cast %add3A_580 : vector<16xf32> to vector<1x16xf32>
        tpu.vector_store %arg6[%swap3A_581, %swap3A_582], %swap3A_585 {strides = array<i32>} : memref<16x1024xf32, #tpu.memory_space<vmem>>, vector<1x16xf32>,
        %get3A_586 = arith.index_cast %scan3A_153 : i32 to index
        %get3A_587 = arith.constant 496 : index
        %get3A_588 = tpu.vector_load %arg6[%get3A_586, %get3A_587] {strides = array<i32>} : memref<16x1024xf32, #tpu.memory_space<vmem>>, vector<1x16xf32>,
        %get3A_589 = vector.shape_cast %get3A_588 : vector<1x16xf32> to vector<16xf32>
        %get3A_590 = arith.index_cast %scan3A_153 : i32 to index
        %get3A_591 = arith.constant 496 : index
        %get3A_592 = tpu.vector_load %arg8[%get3A_590, %get3A_591] {strides = array<i32>} : memref<16x1024xf32, #tpu.memory_space<vmem>>, vector<1x16xf32>,
        %get3A_593 = vector.shape_cast %get3A_592 : vector<1x16xf32> to vector<16xf32>
        %add3A_594 = arith.addf %get3A_589, %get3A_593 : vector<16xf32>
        %swap3A_595 = arith.index_cast %scan3A_153 : i32 to index
        %swap3A_596 = arith.constant 496 : index
        %swap3A_597 = tpu.vector_load %arg6[%swap3A_595, %swap3A_596] {strides = array<i32>} : memref<16x1024xf32, #tpu.memory_space<vmem>>, vector<1x16xf32>,
        %swap3A_598 = vector.shape_cast %swap3A_597 : vector<1x16xf32> to vector<16xf32>
        %swap3A_599 = vector.shape_cast %add3A_594 : vector<16xf32> to vector<1x16xf32>
        tpu.vector_store %arg6[%swap3A_595, %swap3A_596], %swap3A_599 {strides = array<i32>} : memref<16x1024xf32, #tpu.memory_space<vmem>>, vector<1x16xf32>,
        %get3A_600 = arith.index_cast %scan3A_153 : i32 to index
        %get3A_601 = arith.constant 512 : index
        %get3A_602 = tpu.vector_load %arg6[%get3A_600, %get3A_601] {strides = array<i32>} : memref<16x1024xf32, #tpu.memory_space<vmem>>, vector<1x16xf32>,
        %get3A_603 = vector.shape_cast %get3A_602 : vector<1x16xf32> to vector<16xf32>
        %get3A_604 = arith.index_cast %scan3A_153 : i32 to index
        %get3A_605 = arith.constant 512 : index
        %get3A_606 = tpu.vector_load %arg8[%get3A_604, %get3A_605] {strides = array<i32>} : memref<16x1024xf32, #tpu.memory_space<vmem>>, vector<1x16xf32>,
        %get3A_607 = vector.shape_cast %get3A_606 : vector<1x16xf32> to vector<16xf32>
        %add3A_608 = arith.addf %get3A_603, %get3A_607 : vector<16xf32>
        %swap3A_609 = arith.index_cast %scan3A_153 : i32 to index
        %swap3A_610 = arith.constant 512 : index
        %swap3A_611 = tpu.vector_load %arg6[%swap3A_609, %swap3A_610] {strides = array<i32>} : memref<16x1024xf32, #tpu.memory_space<vmem>>, vector<1x16xf32>,
        %swap3A_612 = vector.shape_cast %swap3A_611 : vector<1x16xf32> to vector<16xf32>
        %swap3A_613 = vector.shape_cast %add3A_608 : vector<16xf32> to vector<1x16xf32>
        tpu.vector_store %arg6[%swap3A_609, %swap3A_610], %swap3A_613 {strides = array<i32>} : memref<16x1024xf32, #tpu.memory_space<vmem>>, vector<1x16xf32>,
        %get3A_614 = arith.index_cast %scan3A_153 : i32 to index
        %get3A_615 = arith.constant 528 : index
        %get3A_616 = tpu.vector_load %arg6[%get3A_614, %get3A_615] {strides = array<i32>} : memref<16x1024xf32, #tpu.memory_space<vmem>>, vector<1x16xf32>,
        %get3A_617 = vector.shape_cast %get3A_616 : vector<1x16xf32> to vector<16xf32>
        %get3A_618 = arith.index_cast %scan3A_153 : i32 to index
        %get3A_619 = arith.constant 528 : index
        %get3A_620 = tpu.vector_load %arg8[%get3A_618, %get3A_619] {strides = array<i32>} : memref<16x1024xf32, #tpu.memory_space<vmem>>, vector<1x16xf32>,
        %get3A_621 = vector.shape_cast %get3A_620 : vector<1x16xf32> to vector<16xf32>
        %add3A_622 = arith.addf %get3A_617, %get3A_621 : vector<16xf32>
        %swap3A_623 = arith.index_cast %scan3A_153 : i32 to index
        %swap3A_624 = arith.constant 528 : index
        %swap3A_625 = tpu.vector_load %arg6[%swap3A_623, %swap3A_624] {strides = array<i32>} : memref<16x1024xf32, #tpu.memory_space<vmem>>, vector<1x16xf32>,
        %swap3A_626 = vector.shape_cast %swap3A_625 : vector<1x16xf32> to vector<16xf32>
        %swap3A_627 = vector.shape_cast %add3A_622 : vector<16xf32> to vector<1x16xf32>
        tpu.vector_store %arg6[%swap3A_623, %swap3A_624], %swap3A_627 {strides = array<i32>} : memref<16x1024xf32, #tpu.memory_space<vmem>>, vector<1x16xf32>,
        %get3A_628 = arith.index_cast %scan3A_153 : i32 to index
        %get3A_629 = arith.constant 544 : index
        %get3A_630 = tpu.vector_load %arg6[%get3A_628, %get3A_629] {strides = array<i32>} : memref<16x1024xf32, #tpu.memory_space<vmem>>, vector<1x16xf32>,
        %get3A_631 = vector.shape_cast %get3A_630 : vector<1x16xf32> to vector<16xf32>
        %get3A_632 = arith.index_cast %scan3A_153 : i32 to index
        %get3A_633 = arith.constant 544 : index
        %get3A_634 = tpu.vector_load %arg8[%get3A_632, %get3A_633] {strides = array<i32>} : memref<16x1024xf32, #tpu.memory_space<vmem>>, vector<1x16xf32>,
        %get3A_635 = vector.shape_cast %get3A_634 : vector<1x16xf32> to vector<16xf32>
        %add3A_636 = arith.addf %get3A_631, %get3A_635 : vector<16xf32>
        %swap3A_637 = arith.index_cast %scan3A_153 : i32 to index
        %swap3A_638 = arith.constant 544 : index
        %swap3A_639 = tpu.vector_load %arg6[%swap3A_637, %swap3A_638] {strides = array<i32>} : memref<16x1024xf32, #tpu.memory_space<vmem>>, vector<1x16xf32>,
        %swap3A_640 = vector.shape_cast %swap3A_639 : vector<1x16xf32> to vector<16xf32>
        %swap3A_641 = vector.shape_cast %add3A_636 : vector<16xf32> to vector<1x16xf32>
        tpu.vector_store %arg6[%swap3A_637, %swap3A_638], %swap3A_641 {strides = array<i32>} : memref<16x1024xf32, #tpu.memory_space<vmem>>, vector<1x16xf32>,
        %get3A_642 = arith.index_cast %scan3A_153 : i32 to index
        %get3A_643 = arith.constant 560 : index
        %get3A_644 = tpu.vector_load %arg6[%get3A_642, %get3A_643] {strides = array<i32>} : memref<16x1024xf32, #tpu.memory_space<vmem>>, vector<1x16xf32>,
        %get3A_645 = vector.shape_cast %get3A_644 : vector<1x16xf32> to vector<16xf32>
        %get3A_646 = arith.index_cast %scan3A_153 : i32 to index
        %get3A_647 = arith.constant 560 : index
        %get3A_648 = tpu.vector_load %arg8[%get3A_646, %get3A_647] {strides = array<i32>} : memref<16x1024xf32, #tpu.memory_space<vmem>>, vector<1x16xf32>,
        %get3A_649 = vector.shape_cast %get3A_648 : vector<1x16xf32> to vector<16xf32>
        %add3A_650 = arith.addf %get3A_645, %get3A_649 : vector<16xf32>
        %swap3A_651 = arith.index_cast %scan3A_153 : i32 to index
        %swap3A_652 = arith.constant 560 : index
        %swap3A_653 = tpu.vector_load %arg6[%swap3A_651, %swap3A_652] {strides = array<i32>} : memref<16x1024xf32, #tpu.memory_space<vmem>>, vector<1x16xf32>,
        %swap3A_654 = vector.shape_cast %swap3A_653 : vector<1x16xf32> to vector<16xf32>
        %swap3A_655 = vector.shape_cast %add3A_650 : vector<16xf32> to vector<1x16xf32>
        tpu.vector_store %arg6[%swap3A_651, %swap3A_652], %swap3A_655 {strides = array<i32>} : memref<16x1024xf32, #tpu.memory_space<vmem>>, vector<1x16xf32>,
        %get3A_656 = arith.index_cast %scan3A_153 : i32 to index
        %get3A_657 = arith.constant 576 : index
        %get3A_658 = tpu.vector_load %arg6[%get3A_656, %get3A_657] {strides = array<i32>} : memref<16x1024xf32, #tpu.memory_space<vmem>>, vector<1x16xf32>,
        %get3A_659 = vector.shape_cast %get3A_658 : vector<1x16xf32> to vector<16xf32>
        %get3A_660 = arith.index_cast %scan3A_153 : i32 to index
        %get3A_661 = arith.constant 576 : index
        %get3A_662 = tpu.vector_load %arg8[%get3A_660, %get3A_661] {strides = array<i32>} : memref<16x1024xf32, #tpu.memory_space<vmem>>, vector<1x16xf32>,
        %get3A_663 = vector.shape_cast %get3A_662 : vector<1x16xf32> to vector<16xf32>
        %add3A_664 = arith.addf %get3A_659, %get3A_663 : vector<16xf32>
        %swap3A_665 = arith.index_cast %scan3A_153 : i32 to index
        %swap3A_666 = arith.constant 576 : index
        %swap3A_667 = tpu.vector_load %arg6[%swap3A_665, %swap3A_666] {strides = array<i32>} : memref<16x1024xf32, #tpu.memory_space<vmem>>, vector<1x16xf32>,
        %swap3A_668 = vector.shape_cast %swap3A_667 : vector<1x16xf32> to vector<16xf32>
        %swap3A_669 = vector.shape_cast %add3A_664 : vector<16xf32> to vector<1x16xf32>
        tpu.vector_store %arg6[%swap3A_665, %swap3A_666], %swap3A_669 {strides = array<i32>} : memref<16x1024xf32, #tpu.memory_space<vmem>>, vector<1x16xf32>,
        %get3A_670 = arith.index_cast %scan3A_153 : i32 to index
        %get3A_671 = arith.constant 592 : index
        %get3A_672 = tpu.vector_load %arg6[%get3A_670, %get3A_671] {strides = array<i32>} : memref<16x1024xf32, #tpu.memory_space<vmem>>, vector<1x16xf32>,
        %get3A_673 = vector.shape_cast %get3A_672 : vector<1x16xf32> to vector<16xf32>
        %get3A_674 = arith.index_cast %scan3A_153 : i32 to index
        %get3A_675 = arith.constant 592 : index
        %get3A_676 = tpu.vector_load %arg8[%get3A_674, %get3A_675] {strides = array<i32>} : memref<16x1024xf32, #tpu.memory_space<vmem>>, vector<1x16xf32>,
        %get3A_677 = vector.shape_cast %get3A_676 : vector<1x16xf32> to vector<16xf32>
        %add3A_678 = arith.addf %get3A_673, %get3A_677 : vector<16xf32>
        %swap3A_679 = arith.index_cast %scan3A_153 : i32 to index
        %swap3A_680 = arith.constant 592 : index
        %swap3A_681 = tpu.vector_load %arg6[%swap3A_679, %swap3A_680] {strides = array<i32>} : memref<16x1024xf32, #tpu.memory_space<vmem>>, vector<1x16xf32>,
        %swap3A_682 = vector.shape_cast %swap3A_681 : vector<1x16xf32> to vector<16xf32>
        %swap3A_683 = vector.shape_cast %add3A_678 : vector<16xf32> to vector<1x16xf32>
        tpu.vector_store %arg6[%swap3A_679, %swap3A_680], %swap3A_683 {strides = array<i32>} : memref<16x1024xf32, #tpu.memory_space<vmem>>, vector<1x16xf32>,
        %get3A_684 = arith.index_cast %scan3A_153 : i32 to index
        %get3A_685 = arith.constant 608 : index
        %get3A_686 = tpu.vector_load %arg6[%get3A_684, %get3A_685] {strides = array<i32>} : memref<16x1024xf32, #tpu.memory_space<vmem>>, vector<1x16xf32>,
        %get3A_687 = vector.shape_cast %get3A_686 : vector<1x16xf32> to vector<16xf32>
        %get3A_688 = arith.index_cast %scan3A_153 : i32 to index
        %get3A_689 = arith.constant 608 : index
        %get3A_690 = tpu.vector_load %arg8[%get3A_688, %get3A_689] {strides = array<i32>} : memref<16x1024xf32, #tpu.memory_space<vmem>>, vector<1x16xf32>,
        %get3A_691 = vector.shape_cast %get3A_690 : vector<1x16xf32> to vector<16xf32>
        %add3A_692 = arith.addf %get3A_687, %get3A_691 : vector<16xf32>
        %swap3A_693 = arith.index_cast %scan3A_153 : i32 to index
        %swap3A_694 = arith.constant 608 : index
        %swap3A_695 = tpu.vector_load %arg6[%swap3A_693, %swap3A_694] {strides = array<i32>} : memref<16x1024xf32, #tpu.memory_space<vmem>>, vector<1x16xf32>,
        %swap3A_696 = vector.shape_cast %swap3A_695 : vector<1x16xf32> to vector<16xf32>
        %swap3A_697 = vector.shape_cast %add3A_692 : vector<16xf32> to vector<1x16xf32>
        tpu.vector_store %arg6[%swap3A_693, %swap3A_694], %swap3A_697 {strides = array<i32>} : memref<16x1024xf32, #tpu.memory_space<vmem>>, vector<1x16xf32>,
        %get3A_698 = arith.index_cast %scan3A_153 : i32 to index
        %get3A_699 = arith.constant 624 : index
        %get3A_700 = tpu.vector_load %arg6[%get3A_698, %get3A_699] {strides = array<i32>} : memref<16x1024xf32, #tpu.memory_space<vmem>>, vector<1x16xf32>,
        %get3A_701 = vector.shape_cast %get3A_700 : vector<1x16xf32> to vector<16xf32>
        %get3A_702 = arith.index_cast %scan3A_153 : i32 to index
        %get3A_703 = arith.constant 624 : index
        %get3A_704 = tpu.vector_load %arg8[%get3A_702, %get3A_703] {strides = array<i32>} : memref<16x1024xf32, #tpu.memory_space<vmem>>, vector<1x16xf32>,
        %get3A_705 = vector.shape_cast %get3A_704 : vector<1x16xf32> to vector<16xf32>
        %add3A_706 = arith.addf %get3A_701, %get3A_705 : vector<16xf32>
        %swap3A_707 = arith.index_cast %scan3A_153 : i32 to index
        %swap3A_708 = arith.constant 624 : index
        %swap3A_709 = tpu.vector_load %arg6[%swap3A_707, %swap3A_708] {strides = array<i32>} : memref<16x1024xf32, #tpu.memory_space<vmem>>, vector<1x16xf32>,
        %swap3A_710 = vector.shape_cast %swap3A_709 : vector<1x16xf32> to vector<16xf32>
        %swap3A_711 = vector.shape_cast %add3A_706 : vector<16xf32> to vector<1x16xf32>
        tpu.vector_store %arg6[%swap3A_707, %swap3A_708], %swap3A_711 {strides = array<i32>} : memref<16x1024xf32, #tpu.memory_space<vmem>>, vector<1x16xf32>,
        %get3A_712 = arith.index_cast %scan3A_153 : i32 to index
        %get3A_713 = arith.constant 640 : index
        %get3A_714 = tpu.vector_load %arg6[%get3A_712, %get3A_713] {strides = array<i32>} : memref<16x1024xf32, #tpu.memory_space<vmem>>, vector<1x16xf32>,
        %get3A_715 = vector.shape_cast %get3A_714 : vector<1x16xf32> to vector<16xf32>
        %get3A_716 = arith.index_cast %scan3A_153 : i32 to index
        %get3A_717 = arith.constant 640 : index
        %get3A_718 = tpu.vector_load %arg8[%get3A_716, %get3A_717] {strides = array<i32>} : memref<16x1024xf32, #tpu.memory_space<vmem>>, vector<1x16xf32>,
        %get3A_719 = vector.shape_cast %get3A_718 : vector<1x16xf32> to vector<16xf32>
        %add3A_720 = arith.addf %get3A_715, %get3A_719 : vector<16xf32>
        %swap3A_721 = arith.index_cast %scan3A_153 : i32 to index
        %swap3A_722 = arith.constant 640 : index
        %swap3A_723 = tpu.vector_load %arg6[%swap3A_721, %swap3A_722] {strides = array<i32>} : memref<16x1024xf32, #tpu.memory_space<vmem>>, vector<1x16xf32>,
        %swap3A_724 = vector.shape_cast %swap3A_723 : vector<1x16xf32> to vector<16xf32>
        %swap3A_725 = vector.shape_cast %add3A_720 : vector<16xf32> to vector<1x16xf32>
        tpu.vector_store %arg6[%swap3A_721, %swap3A_722], %swap3A_725 {strides = array<i32>} : memref<16x1024xf32, #tpu.memory_space<vmem>>, vector<1x16xf32>,
        %get3A_726 = arith.index_cast %scan3A_153 : i32 to index
        %get3A_727 = arith.constant 656 : index
        %get3A_728 = tpu.vector_load %arg6[%get3A_726, %get3A_727] {strides = array<i32>} : memref<16x1024xf32, #tpu.memory_space<vmem>>, vector<1x16xf32>,
        %get3A_729 = vector.shape_cast %get3A_728 : vector<1x16xf32> to vector<16xf32>
        %get3A_730 = arith.index_cast %scan3A_153 : i32 to index
        %get3A_731 = arith.constant 656 : index
        %get3A_732 = tpu.vector_load %arg8[%get3A_730, %get3A_731] {strides = array<i32>} : memref<16x1024xf32, #tpu.memory_space<vmem>>, vector<1x16xf32>,
        %get3A_733 = vector.shape_cast %get3A_732 : vector<1x16xf32> to vector<16xf32>
        %add3A_734 = arith.addf %get3A_729, %get3A_733 : vector<16xf32>
        %swap3A_735 = arith.index_cast %scan3A_153 : i32 to index
        %swap3A_736 = arith.constant 656 : index
        %swap3A_737 = tpu.vector_load %arg6[%swap3A_735, %swap3A_736] {strides = array<i32>} : memref<16x1024xf32, #tpu.memory_space<vmem>>, vector<1x16xf32>,
        %swap3A_738 = vector.shape_cast %swap3A_737 : vector<1x16xf32> to vector<16xf32>
        %swap3A_739 = vector.shape_cast %add3A_734 : vector<16xf32> to vector<1x16xf32>
        tpu.vector_store %arg6[%swap3A_735, %swap3A_736], %swap3A_739 {strides = array<i32>} : memref<16x1024xf32, #tpu.memory_space<vmem>>, vector<1x16xf32>,
        %get3A_740 = arith.index_cast %scan3A_153 : i32 to index
        %get3A_741 = arith.constant 672 : index
        %get3A_742 = tpu.vector_load %arg6[%get3A_740, %get3A_741] {strides = array<i32>} : memref<16x1024xf32, #tpu.memory_space<vmem>>, vector<1x16xf32>,
        %get3A_743 = vector.shape_cast %get3A_742 : vector<1x16xf32> to vector<16xf32>
        %get3A_744 = arith.index_cast %scan3A_153 : i32 to index
        %get3A_745 = arith.constant 672 : index
        %get3A_746 = tpu.vector_load %arg8[%get3A_744, %get3A_745] {strides = array<i32>} : memref<16x1024xf32, #tpu.memory_space<vmem>>, vector<1x16xf32>,
        %get3A_747 = vector.shape_cast %get3A_746 : vector<1x16xf32> to vector<16xf32>
        %add3A_748 = arith.addf %get3A_743, %get3A_747 : vector<16xf32>
        %swap3A_749 = arith.index_cast %scan3A_153 : i32 to index
        %swap3A_750 = arith.constant 672 : index
        %swap3A_751 = tpu.vector_load %arg6[%swap3A_749, %swap3A_750] {strides = array<i32>} : memref<16x1024xf32, #tpu.memory_space<vmem>>, vector<1x16xf32>,
        %swap3A_752 = vector.shape_cast %swap3A_751 : vector<1x16xf32> to vector<16xf32>
        %swap3A_753 = vector.shape_cast %add3A_748 : vector<16xf32> to vector<1x16xf32>
        tpu.vector_store %arg6[%swap3A_749, %swap3A_750], %swap3A_753 {strides = array<i32>} : memref<16x1024xf32, #tpu.memory_space<vmem>>, vector<1x16xf32>,
        %get3A_754 = arith.index_cast %scan3A_153 : i32 to index
        %get3A_755 = arith.constant 688 : index
        %get3A_756 = tpu.vector_load %arg6[%get3A_754, %get3A_755] {strides = array<i32>} : memref<16x1024xf32, #tpu.memory_space<vmem>>, vector<1x16xf32>,
        %get3A_757 = vector.shape_cast %get3A_756 : vector<1x16xf32> to vector<16xf32>
        %get3A_758 = arith.index_cast %scan3A_153 : i32 to index
        %get3A_759 = arith.constant 688 : index
        %get3A_760 = tpu.vector_load %arg8[%get3A_758, %get3A_759] {strides = array<i32>} : memref<16x1024xf32, #tpu.memory_space<vmem>>, vector<1x16xf32>,
        %get3A_761 = vector.shape_cast %get3A_760 : vector<1x16xf32> to vector<16xf32>
        %add3A_762 = arith.addf %get3A_757, %get3A_761 : vector<16xf32>
        %swap3A_763 = arith.index_cast %scan3A_153 : i32 to index
        %swap3A_764 = arith.constant 688 : index
        %swap3A_765 = tpu.vector_load %arg6[%swap3A_763, %swap3A_764] {strides = array<i32>} : memref<16x1024xf32, #tpu.memory_space<vmem>>, vector<1x16xf32>,
        %swap3A_766 = vector.shape_cast %swap3A_765 : vector<1x16xf32> to vector<16xf32>
        %swap3A_767 = vector.shape_cast %add3A_762 : vector<16xf32> to vector<1x16xf32>
        tpu.vector_store %arg6[%swap3A_763, %swap3A_764], %swap3A_767 {strides = array<i32>} : memref<16x1024xf32, #tpu.memory_space<vmem>>, vector<1x16xf32>,
        %get3A_768 = arith.index_cast %scan3A_153 : i32 to index
        %get3A_769 = arith.constant 704 : index
        %get3A_770 = tpu.vector_load %arg6[%get3A_768, %get3A_769] {strides = array<i32>} : memref<16x1024xf32, #tpu.memory_space<vmem>>, vector<1x16xf32>,
        %get3A_771 = vector.shape_cast %get3A_770 : vector<1x16xf32> to vector<16xf32>
        %get3A_772 = arith.index_cast %scan3A_153 : i32 to index
        %get3A_773 = arith.constant 704 : index
        %get3A_774 = tpu.vector_load %arg8[%get3A_772, %get3A_773] {strides = array<i32>} : memref<16x1024xf32, #tpu.memory_space<vmem>>, vector<1x16xf32>,
        %get3A_775 = vector.shape_cast %get3A_774 : vector<1x16xf32> to vector<16xf32>
        %add3A_776 = arith.addf %get3A_771, %get3A_775 : vector<16xf32>
        %swap3A_777 = arith.index_cast %scan3A_153 : i32 to index
        %swap3A_778 = arith.constant 704 : index
        %swap3A_779 = tpu.vector_load %arg6[%swap3A_777, %swap3A_778] {strides = array<i32>} : memref<16x1024xf32, #tpu.memory_space<vmem>>, vector<1x16xf32>,
        %swap3A_780 = vector.shape_cast %swap3A_779 : vector<1x16xf32> to vector<16xf32>
        %swap3A_781 = vector.shape_cast %add3A_776 : vector<16xf32> to vector<1x16xf32>
        tpu.vector_store %arg6[%swap3A_777, %swap3A_778], %swap3A_781 {strides = array<i32>} : memref<16x1024xf32, #tpu.memory_space<vmem>>, vector<1x16xf32>,
        %get3A_782 = arith.index_cast %scan3A_153 : i32 to index
        %get3A_783 = arith.constant 720 : index
        %get3A_784 = tpu.vector_load %arg6[%get3A_782, %get3A_783] {strides = array<i32>} : memref<16x1024xf32, #tpu.memory_space<vmem>>, vector<1x16xf32>,
        %get3A_785 = vector.shape_cast %get3A_784 : vector<1x16xf32> to vector<16xf32>
        %get3A_786 = arith.index_cast %scan3A_153 : i32 to index
        %get3A_787 = arith.constant 720 : index
        %get3A_788 = tpu.vector_load %arg8[%get3A_786, %get3A_787] {strides = array<i32>} : memref<16x1024xf32, #tpu.memory_space<vmem>>, vector<1x16xf32>,
        %get3A_789 = vector.shape_cast %get3A_788 : vector<1x16xf32> to vector<16xf32>
        %add3A_790 = arith.addf %get3A_785, %get3A_789 : vector<16xf32>
        %swap3A_791 = arith.index_cast %scan3A_153 : i32 to index
        %swap3A_792 = arith.constant 720 : index
        %swap3A_793 = tpu.vector_load %arg6[%swap3A_791, %swap3A_792] {strides = array<i32>} : memref<16x1024xf32, #tpu.memory_space<vmem>>, vector<1x16xf32>,
        %swap3A_794 = vector.shape_cast %swap3A_793 : vector<1x16xf32> to vector<16xf32>
        %swap3A_795 = vector.shape_cast %add3A_790 : vector<16xf32> to vector<1x16xf32>
        tpu.vector_store %arg6[%swap3A_791, %swap3A_792], %swap3A_795 {strides = array<i32>} : memref<16x1024xf32, #tpu.memory_space<vmem>>, vector<1x16xf32>,
        %get3A_796 = arith.index_cast %scan3A_153 : i32 to index
        %get3A_797 = arith.constant 736 : index
        %get3A_798 = tpu.vector_load %arg6[%get3A_796, %get3A_797] {strides = array<i32>} : memref<16x1024xf32, #tpu.memory_space<vmem>>, vector<1x16xf32>,
        %get3A_799 = vector.shape_cast %get3A_798 : vector<1x16xf32> to vector<16xf32>
        %get3A_800 = arith.index_cast %scan3A_153 : i32 to index
        %get3A_801 = arith.constant 736 : index
        %get3A_802 = tpu.vector_load %arg8[%get3A_800, %get3A_801] {strides = array<i32>} : memref<16x1024xf32, #tpu.memory_space<vmem>>, vector<1x16xf32>,
        %get3A_803 = vector.shape_cast %get3A_802 : vector<1x16xf32> to vector<16xf32>
        %add3A_804 = arith.addf %get3A_799, %get3A_803 : vector<16xf32>
        %swap3A_805 = arith.index_cast %scan3A_153 : i32 to index
        %swap3A_806 = arith.constant 736 : index
        %swap3A_807 = tpu.vector_load %arg6[%swap3A_805, %swap3A_806] {strides = array<i32>} : memref<16x1024xf32, #tpu.memory_space<vmem>>, vector<1x16xf32>,
        %swap3A_808 = vector.shape_cast %swap3A_807 : vector<1x16xf32> to vector<16xf32>
        %swap3A_809 = vector.shape_cast %add3A_804 : vector<16xf32> to vector<1x16xf32>
        tpu.vector_store %arg6[%swap3A_805, %swap3A_806], %swap3A_809 {strides = array<i32>} : memref<16x1024xf32, #tpu.memory_space<vmem>>, vector<1x16xf32>,
        %get3A_810 = arith.index_cast %scan3A_153 : i32 to index
        %get3A_811 = arith.constant 752 : index
        %get3A_812 = tpu.vector_load %arg6[%get3A_810, %get3A_811] {strides = array<i32>} : memref<16x1024xf32, #tpu.memory_space<vmem>>, vector<1x16xf32>,
        %get3A_813 = vector.shape_cast %get3A_812 : vector<1x16xf32> to vector<16xf32>
        %get3A_814 = arith.index_cast %scan3A_153 : i32 to index
        %get3A_815 = arith.constant 752 : index
        %get3A_816 = tpu.vector_load %arg8[%get3A_814, %get3A_815] {strides = array<i32>} : memref<16x1024xf32, #tpu.memory_space<vmem>>, vector<1x16xf32>,
        %get3A_817 = vector.shape_cast %get3A_816 : vector<1x16xf32> to vector<16xf32>
        %add3A_818 = arith.addf %get3A_813, %get3A_817 : vector<16xf32>
        %swap3A_819 = arith.index_cast %scan3A_153 : i32 to index
        %swap3A_820 = arith.constant 752 : index
        %swap3A_821 = tpu.vector_load %arg6[%swap3A_819, %swap3A_820] {strides = array<i32>} : memref<16x1024xf32, #tpu.memory_space<vmem>>, vector<1x16xf32>,
        %swap3A_822 = vector.shape_cast %swap3A_821 : vector<1x16xf32> to vector<16xf32>
        %swap3A_823 = vector.shape_cast %add3A_818 : vector<16xf32> to vector<1x16xf32>
        tpu.vector_store %arg6[%swap3A_819, %swap3A_820], %swap3A_823 {strides = array<i32>} : memref<16x1024xf32, #tpu.memory_space<vmem>>, vector<1x16xf32>,
        %get3A_824 = arith.index_cast %scan3A_153 : i32 to index
        %get3A_825 = arith.constant 768 : index
        %get3A_826 = tpu.vector_load %arg6[%get3A_824, %get3A_825] {strides = array<i32>} : memref<16x1024xf32, #tpu.memory_space<vmem>>, vector<1x16xf32>,
        %get3A_827 = vector.shape_cast %get3A_826 : vector<1x16xf32> to vector<16xf32>
        %get3A_828 = arith.index_cast %scan3A_153 : i32 to index
        %get3A_829 = arith.constant 768 : index
        %get3A_830 = tpu.vector_load %arg8[%get3A_828, %get3A_829] {strides = array<i32>} : memref<16x1024xf32, #tpu.memory_space<vmem>>, vector<1x16xf32>,
        %get3A_831 = vector.shape_cast %get3A_830 : vector<1x16xf32> to vector<16xf32>
        %add3A_832 = arith.addf %get3A_827, %get3A_831 : vector<16xf32>
        %swap3A_833 = arith.index_cast %scan3A_153 : i32 to index
        %swap3A_834 = arith.constant 768 : index
        %swap3A_835 = tpu.vector_load %arg6[%swap3A_833, %swap3A_834] {strides = array<i32>} : memref<16x1024xf32, #tpu.memory_space<vmem>>, vector<1x16xf32>,
        %swap3A_836 = vector.shape_cast %swap3A_835 : vector<1x16xf32> to vector<16xf32>
        %swap3A_837 = vector.shape_cast %add3A_832 : vector<16xf32> to vector<1x16xf32>
        tpu.vector_store %arg6[%swap3A_833, %swap3A_834], %swap3A_837 {strides = array<i32>} : memref<16x1024xf32, #tpu.memory_space<vmem>>, vector<1x16xf32>,
        %get3A_838 = arith.index_cast %scan3A_153 : i32 to index
        %get3A_839 = arith.constant 784 : index
        %get3A_840 = tpu.vector_load %arg6[%get3A_838, %get3A_839] {strides = array<i32>} : memref<16x1024xf32, #tpu.memory_space<vmem>>, vector<1x16xf32>,
        %get3A_841 = vector.shape_cast %get3A_840 : vector<1x16xf32> to vector<16xf32>
        %get3A_842 = arith.index_cast %scan3A_153 : i32 to index
        %get3A_843 = arith.constant 784 : index
        %get3A_844 = tpu.vector_load %arg8[%get3A_842, %get3A_843] {strides = array<i32>} : memref<16x1024xf32, #tpu.memory_space<vmem>>, vector<1x16xf32>,
        %get3A_845 = vector.shape_cast %get3A_844 : vector<1x16xf32> to vector<16xf32>
        %add3A_846 = arith.addf %get3A_841, %get3A_845 : vector<16xf32>
        %swap3A_847 = arith.index_cast %scan3A_153 : i32 to index
        %swap3A_848 = arith.constant 784 : index
        %swap3A_849 = tpu.vector_load %arg6[%swap3A_847, %swap3A_848] {strides = array<i32>} : memref<16x1024xf32, #tpu.memory_space<vmem>>, vector<1x16xf32>,
        %swap3A_850 = vector.shape_cast %swap3A_849 : vector<1x16xf32> to vector<16xf32>
        %swap3A_851 = vector.shape_cast %add3A_846 : vector<16xf32> to vector<1x16xf32>
        tpu.vector_store %arg6[%swap3A_847, %swap3A_848], %swap3A_851 {strides = array<i32>} : memref<16x1024xf32, #tpu.memory_space<vmem>>, vector<1x16xf32>,
        %get3A_852 = arith.index_cast %scan3A_153 : i32 to index
        %get3A_853 = arith.constant 800 : index
        %get3A_854 = tpu.vector_load %arg6[%get3A_852, %get3A_853] {strides = array<i32>} : memref<16x1024xf32, #tpu.memory_space<vmem>>, vector<1x16xf32>,
        %get3A_855 = vector.shape_cast %get3A_854 : vector<1x16xf32> to vector<16xf32>
        %get3A_856 = arith.index_cast %scan3A_153 : i32 to index
        %get3A_857 = arith.constant 800 : index
        %get3A_858 = tpu.vector_load %arg8[%get3A_856, %get3A_857] {strides = array<i32>} : memref<16x1024xf32, #tpu.memory_space<vmem>>, vector<1x16xf32>,
        %get3A_859 = vector.shape_cast %get3A_858 : vector<1x16xf32> to vector<16xf32>
        %add3A_860 = arith.addf %get3A_855, %get3A_859 : vector<16xf32>
        %swap3A_861 = arith.index_cast %scan3A_153 : i32 to index
        %swap3A_862 = arith.constant 800 : index
        %swap3A_863 = tpu.vector_load %arg6[%swap3A_861, %swap3A_862] {strides = array<i32>} : memref<16x1024xf32, #tpu.memory_space<vmem>>, vector<1x16xf32>,
        %swap3A_864 = vector.shape_cast %swap3A_863 : vector<1x16xf32> to vector<16xf32>
        %swap3A_865 = vector.shape_cast %add3A_860 : vector<16xf32> to vector<1x16xf32>
        tpu.vector_store %arg6[%swap3A_861, %swap3A_862], %swap3A_865 {strides = array<i32>} : memref<16x1024xf32, #tpu.memory_space<vmem>>, vector<1x16xf32>,
        %get3A_866 = arith.index_cast %scan3A_153 : i32 to index
        %get3A_867 = arith.constant 816 : index
        %get3A_868 = tpu.vector_load %arg6[%get3A_866, %get3A_867] {strides = array<i32>} : memref<16x1024xf32, #tpu.memory_space<vmem>>, vector<1x16xf32>,
        %get3A_869 = vector.shape_cast %get3A_868 : vector<1x16xf32> to vector<16xf32>
        %get3A_870 = arith.index_cast %scan3A_153 : i32 to index
        %get3A_871 = arith.constant 816 : index
        %get3A_872 = tpu.vector_load %arg8[%get3A_870, %get3A_871] {strides = array<i32>} : memref<16x1024xf32, #tpu.memory_space<vmem>>, vector<1x16xf32>,
        %get3A_873 = vector.shape_cast %get3A_872 : vector<1x16xf32> to vector<16xf32>
        %add3A_874 = arith.addf %get3A_869, %get3A_873 : vector<16xf32>
        %swap3A_875 = arith.index_cast %scan3A_153 : i32 to index
        %swap3A_876 = arith.constant 816 : index
        %swap3A_877 = tpu.vector_load %arg6[%swap3A_875, %swap3A_876] {strides = array<i32>} : memref<16x1024xf32, #tpu.memory_space<vmem>>, vector<1x16xf32>,
        %swap3A_878 = vector.shape_cast %swap3A_877 : vector<1x16xf32> to vector<16xf32>
        %swap3A_879 = vector.shape_cast %add3A_874 : vector<16xf32> to vector<1x16xf32>
        tpu.vector_store %arg6[%swap3A_875, %swap3A_876], %swap3A_879 {strides = array<i32>} : memref<16x1024xf32, #tpu.memory_space<vmem>>, vector<1x16xf32>,
        %get3A_880 = arith.index_cast %scan3A_153 : i32 to index
        %get3A_881 = arith.constant 832 : index
        %get3A_882 = tpu.vector_load %arg6[%get3A_880, %get3A_881] {strides = array<i32>} : memref<16x1024xf32, #tpu.memory_space<vmem>>, vector<1x16xf32>,
        %get3A_883 = vector.shape_cast %get3A_882 : vector<1x16xf32> to vector<16xf32>
        %get3A_884 = arith.index_cast %scan3A_153 : i32 to index
        %get3A_885 = arith.constant 832 : index
        %get3A_886 = tpu.vector_load %arg8[%get3A_884, %get3A_885] {strides = array<i32>} : memref<16x1024xf32, #tpu.memory_space<vmem>>, vector<1x16xf32>,
        %get3A_887 = vector.shape_cast %get3A_886 : vector<1x16xf32> to vector<16xf32>
        %add3A_888 = arith.addf %get3A_883, %get3A_887 : vector<16xf32>
        %swap3A_889 = arith.index_cast %scan3A_153 : i32 to index
        %swap3A_890 = arith.constant 832 : index
        %swap3A_891 = tpu.vector_load %arg6[%swap3A_889, %swap3A_890] {strides = array<i32>} : memref<16x1024xf32, #tpu.memory_space<vmem>>, vector<1x16xf32>,
        %swap3A_892 = vector.shape_cast %swap3A_891 : vector<1x16xf32> to vector<16xf32>
        %swap3A_893 = vector.shape_cast %add3A_888 : vector<16xf32> to vector<1x16xf32>
        tpu.vector_store %arg6[%swap3A_889, %swap3A_890], %swap3A_893 {strides = array<i32>} : memref<16x1024xf32, #tpu.memory_space<vmem>>, vector<1x16xf32>,
        %get3A_894 = arith.index_cast %scan3A_153 : i32 to index
        %get3A_895 = arith.constant 848 : index
        %get3A_896 = tpu.vector_load %arg6[%get3A_894, %get3A_895] {strides = array<i32>} : memref<16x1024xf32, #tpu.memory_space<vmem>>, vector<1x16xf32>,
        %get3A_897 = vector.shape_cast %get3A_896 : vector<1x16xf32> to vector<16xf32>
        %get3A_898 = arith.index_cast %scan3A_153 : i32 to index
        %get3A_899 = arith.constant 848 : index
        %get3A_900 = tpu.vector_load %arg8[%get3A_898, %get3A_899] {strides = array<i32>} : memref<16x1024xf32, #tpu.memory_space<vmem>>, vector<1x16xf32>,
        %get3A_901 = vector.shape_cast %get3A_900 : vector<1x16xf32> to vector<16xf32>
        %add3A_902 = arith.addf %get3A_897, %get3A_901 : vector<16xf32>
        %swap3A_903 = arith.index_cast %scan3A_153 : i32 to index
        %swap3A_904 = arith.constant 848 : index
        %swap3A_905 = tpu.vector_load %arg6[%swap3A_903, %swap3A_904] {strides = array<i32>} : memref<16x1024xf32, #tpu.memory_space<vmem>>, vector<1x16xf32>,
        %swap3A_906 = vector.shape_cast %swap3A_905 : vector<1x16xf32> to vector<16xf32>
        %swap3A_907 = vector.shape_cast %add3A_902 : vector<16xf32> to vector<1x16xf32>
        tpu.vector_store %arg6[%swap3A_903, %swap3A_904], %swap3A_907 {strides = array<i32>} : memref<16x1024xf32, #tpu.memory_space<vmem>>, vector<1x16xf32>,
        %get3A_908 = arith.index_cast %scan3A_153 : i32 to index
        %get3A_909 = arith.constant 864 : index
        %get3A_910 = tpu.vector_load %arg6[%get3A_908, %get3A_909] {strides = array<i32>} : memref<16x1024xf32, #tpu.memory_space<vmem>>, vector<1x16xf32>,
        %get3A_911 = vector.shape_cast %get3A_910 : vector<1x16xf32> to vector<16xf32>
        %get3A_912 = arith.index_cast %scan3A_153 : i32 to index
        %get3A_913 = arith.constant 864 : index
        %get3A_914 = tpu.vector_load %arg8[%get3A_912, %get3A_913] {strides = array<i32>} : memref<16x1024xf32, #tpu.memory_space<vmem>>, vector<1x16xf32>,
        %get3A_915 = vector.shape_cast %get3A_914 : vector<1x16xf32> to vector<16xf32>
        %add3A_916 = arith.addf %get3A_911, %get3A_915 : vector<16xf32>
        %swap3A_917 = arith.index_cast %scan3A_153 : i32 to index
        %swap3A_918 = arith.constant 864 : index
        %swap3A_919 = tpu.vector_load %arg6[%swap3A_917, %swap3A_918] {strides = array<i32>} : memref<16x1024xf32, #tpu.memory_space<vmem>>, vector<1x16xf32>,
        %swap3A_920 = vector.shape_cast %swap3A_919 : vector<1x16xf32> to vector<16xf32>
        %swap3A_921 = vector.shape_cast %add3A_916 : vector<16xf32> to vector<1x16xf32>
        tpu.vector_store %arg6[%swap3A_917, %swap3A_918], %swap3A_921 {strides = array<i32>} : memref<16x1024xf32, #tpu.memory_space<vmem>>, vector<1x16xf32>,
        %get3A_922 = arith.index_cast %scan3A_153 : i32 to index
        %get3A_923 = arith.constant 880 : index
        %get3A_924 = tpu.vector_load %arg6[%get3A_922, %get3A_923] {strides = array<i32>} : memref<16x1024xf32, #tpu.memory_space<vmem>>, vector<1x16xf32>,
        %get3A_925 = vector.shape_cast %get3A_924 : vector<1x16xf32> to vector<16xf32>
        %get3A_926 = arith.index_cast %scan3A_153 : i32 to index
        %get3A_927 = arith.constant 880 : index
        %get3A_928 = tpu.vector_load %arg8[%get3A_926, %get3A_927] {strides = array<i32>} : memref<16x1024xf32, #tpu.memory_space<vmem>>, vector<1x16xf32>,
        %get3A_929 = vector.shape_cast %get3A_928 : vector<1x16xf32> to vector<16xf32>
        %add3A_930 = arith.addf %get3A_925, %get3A_929 : vector<16xf32>
        %swap3A_931 = arith.index_cast %scan3A_153 : i32 to index
        %swap3A_932 = arith.constant 880 : index
        %swap3A_933 = tpu.vector_load %arg6[%swap3A_931, %swap3A_932] {strides = array<i32>} : memref<16x1024xf32, #tpu.memory_space<vmem>>, vector<1x16xf32>,
        %swap3A_934 = vector.shape_cast %swap3A_933 : vector<1x16xf32> to vector<16xf32>
        %swap3A_935 = vector.shape_cast %add3A_930 : vector<16xf32> to vector<1x16xf32>
        tpu.vector_store %arg6[%swap3A_931, %swap3A_932], %swap3A_935 {strides = array<i32>} : memref<16x1024xf32, #tpu.memory_space<vmem>>, vector<1x16xf32>,
        %get3A_936 = arith.index_cast %scan3A_153 : i32 to index
        %get3A_937 = arith.constant 896 : index
        %get3A_938 = tpu.vector_load %arg6[%get3A_936, %get3A_937] {strides = array<i32>} : memref<16x1024xf32, #tpu.memory_space<vmem>>, vector<1x16xf32>,
        %get3A_939 = vector.shape_cast %get3A_938 : vector<1x16xf32> to vector<16xf32>
        %get3A_940 = arith.index_cast %scan3A_153 : i32 to index
        %get3A_941 = arith.constant 896 : index
        %get3A_942 = tpu.vector_load %arg8[%get3A_940, %get3A_941] {strides = array<i32>} : memref<16x1024xf32, #tpu.memory_space<vmem>>, vector<1x16xf32>,
        %get3A_943 = vector.shape_cast %get3A_942 : vector<1x16xf32> to vector<16xf32>
        %add3A_944 = arith.addf %get3A_939, %get3A_943 : vector<16xf32>
        %swap3A_945 = arith.index_cast %scan3A_153 : i32 to index
        %swap3A_946 = arith.constant 896 : index
        %swap3A_947 = tpu.vector_load %arg6[%swap3A_945, %swap3A_946] {strides = array<i32>} : memref<16x1024xf32, #tpu.memory_space<vmem>>, vector<1x16xf32>,
        %swap3A_948 = vector.shape_cast %swap3A_947 : vector<1x16xf32> to vector<16xf32>
        %swap3A_949 = vector.shape_cast %add3A_944 : vector<16xf32> to vector<1x16xf32>
        tpu.vector_store %arg6[%swap3A_945, %swap3A_946], %swap3A_949 {strides = array<i32>} : memref<16x1024xf32, #tpu.memory_space<vmem>>, vector<1x16xf32>,
        %get3A_950 = arith.index_cast %scan3A_153 : i32 to index
        %get3A_951 = arith.constant 912 : index
        %get3A_952 = tpu.vector_load %arg6[%get3A_950, %get3A_951] {strides = array<i32>} : memref<16x1024xf32, #tpu.memory_space<vmem>>, vector<1x16xf32>,
        %get3A_953 = vector.shape_cast %get3A_952 : vector<1x16xf32> to vector<16xf32>
        %get3A_954 = arith.index_cast %scan3A_153 : i32 to index
        %get3A_955 = arith.constant 912 : index
        %get3A_956 = tpu.vector_load %arg8[%get3A_954, %get3A_955] {strides = array<i32>} : memref<16x1024xf32, #tpu.memory_space<vmem>>, vector<1x16xf32>,
        %get3A_957 = vector.shape_cast %get3A_956 : vector<1x16xf32> to vector<16xf32>
        %add3A_958 = arith.addf %get3A_953, %get3A_957 : vector<16xf32>
        %swap3A_959 = arith.index_cast %scan3A_153 : i32 to index
        %swap3A_960 = arith.constant 912 : index
        %swap3A_961 = tpu.vector_load %arg6[%swap3A_959, %swap3A_960] {strides = array<i32>} : memref<16x1024xf32, #tpu.memory_space<vmem>>, vector<1x16xf32>,
        %swap3A_962 = vector.shape_cast %swap3A_961 : vector<1x16xf32> to vector<16xf32>
        %swap3A_963 = vector.shape_cast %add3A_958 : vector<16xf32> to vector<1x16xf32>
        tpu.vector_store %arg6[%swap3A_959, %swap3A_960], %swap3A_963 {strides = array<i32>} : memref<16x1024xf32, #tpu.memory_space<vmem>>, vector<1x16xf32>,
        %get3A_964 = arith.index_cast %scan3A_153 : i32 to index
        %get3A_965 = arith.constant 928 : index
        %get3A_966 = tpu.vector_load %arg6[%get3A_964, %get3A_965] {strides = array<i32>} : memref<16x1024xf32, #tpu.memory_space<vmem>>, vector<1x16xf32>,
        %get3A_967 = vector.shape_cast %get3A_966 : vector<1x16xf32> to vector<16xf32>
        %get3A_968 = arith.index_cast %scan3A_153 : i32 to index
        %get3A_969 = arith.constant 928 : index
        %get3A_970 = tpu.vector_load %arg8[%get3A_968, %get3A_969] {strides = array<i32>} : memref<16x1024xf32, #tpu.memory_space<vmem>>, vector<1x16xf32>,
        %get3A_971 = vector.shape_cast %get3A_970 : vector<1x16xf32> to vector<16xf32>
        %add3A_972 = arith.addf %get3A_967, %get3A_971 : vector<16xf32>
        %swap3A_973 = arith.index_cast %scan3A_153 : i32 to index
        %swap3A_974 = arith.constant 928 : index
        %swap3A_975 = tpu.vector_load %arg6[%swap3A_973, %swap3A_974] {strides = array<i32>} : memref<16x1024xf32, #tpu.memory_space<vmem>>, vector<1x16xf32>,
        %swap3A_976 = vector.shape_cast %swap3A_975 : vector<1x16xf32> to vector<16xf32>
        %swap3A_977 = vector.shape_cast %add3A_972 : vector<16xf32> to vector<1x16xf32>
        tpu.vector_store %arg6[%swap3A_973, %swap3A_974], %swap3A_977 {strides = array<i32>} : memref<16x1024xf32, #tpu.memory_space<vmem>>, vector<1x16xf32>,
        %get3A_978 = arith.index_cast %scan3A_153 : i32 to index
        %get3A_979 = arith.constant 944 : index
        %get3A_980 = tpu.vector_load %arg6[%get3A_978, %get3A_979] {strides = array<i32>} : memref<16x1024xf32, #tpu.memory_space<vmem>>, vector<1x16xf32>,
        %get3A_981 = vector.shape_cast %get3A_980 : vector<1x16xf32> to vector<16xf32>
        %get3A_982 = arith.index_cast %scan3A_153 : i32 to index
        %get3A_983 = arith.constant 944 : index
        %get3A_984 = tpu.vector_load %arg8[%get3A_982, %get3A_983] {strides = array<i32>} : memref<16x1024xf32, #tpu.memory_space<vmem>>, vector<1x16xf32>,
        %get3A_985 = vector.shape_cast %get3A_984 : vector<1x16xf32> to vector<16xf32>
        %add3A_986 = arith.addf %get3A_981, %get3A_985 : vector<16xf32>
        %swap3A_987 = arith.index_cast %scan3A_153 : i32 to index
        %swap3A_988 = arith.constant 944 : index
        %swap3A_989 = tpu.vector_load %arg6[%swap3A_987, %swap3A_988] {strides = array<i32>} : memref<16x1024xf32, #tpu.memory_space<vmem>>, vector<1x16xf32>,
        %swap3A_990 = vector.shape_cast %swap3A_989 : vector<1x16xf32> to vector<16xf32>
        %swap3A_991 = vector.shape_cast %add3A_986 : vector<16xf32> to vector<1x16xf32>
        tpu.vector_store %arg6[%swap3A_987, %swap3A_988], %swap3A_991 {strides = array<i32>} : memref<16x1024xf32, #tpu.memory_space<vmem>>, vector<1x16xf32>,
        %get3A_992 = arith.index_cast %scan3A_153 : i32 to index
        %get3A_993 = arith.constant 960 : index
        %get3A_994 = tpu.vector_load %arg6[%get3A_992, %get3A_993] {strides = array<i32>} : memref<16x1024xf32, #tpu.memory_space<vmem>>, vector<1x16xf32>,
        %get3A_995 = vector.shape_cast %get3A_994 : vector<1x16xf32> to vector<16xf32>
        %get3A_996 = arith.index_cast %scan3A_153 : i32 to index
        %get3A_997 = arith.constant 960 : index
        %get3A_998 = tpu.vector_load %arg8[%get3A_996, %get3A_997] {strides = array<i32>} : memref<16x1024xf32, #tpu.memory_space<vmem>>, vector<1x16xf32>,
        %get3A_999 = vector.shape_cast %get3A_998 : vector<1x16xf32> to vector<16xf32>
        %add3A_1000 = arith.addf %get3A_995, %get3A_999 : vector<16xf32>
        %swap3A_1001 = arith.index_cast %scan3A_153 : i32 to index
        %swap3A_1002 = arith.constant 960 : index
        %swap3A_1003 = tpu.vector_load %arg6[%swap3A_1001, %swap3A_1002] {strides = array<i32>} : memref<16x1024xf32, #tpu.memory_space<vmem>>, vector<1x16xf32>,
        %swap3A_1004 = vector.shape_cast %swap3A_1003 : vector<1x16xf32> to vector<16xf32>
        %swap3A_1005 = vector.shape_cast %add3A_1000 : vector<16xf32> to vector<1x16xf32>
        tpu.vector_store %arg6[%swap3A_1001, %swap3A_1002], %swap3A_1005 {strides = array<i32>} : memref<16x1024xf32, #tpu.memory_space<vmem>>, vector<1x16xf32>,
        %get3A_1006 = arith.index_cast %scan3A_153 : i32 to index
        %get3A_1007 = arith.constant 976 : index
        %get3A_1008 = tpu.vector_load %arg6[%get3A_1006, %get3A_1007] {strides = array<i32>} : memref<16x1024xf32, #tpu.memory_space<vmem>>, vector<1x16xf32>,
        %get3A_1009 = vector.shape_cast %get3A_1008 : vector<1x16xf32> to vector<16xf32>
        %get3A_1010 = arith.index_cast %scan3A_153 : i32 to index
        %get3A_1011 = arith.constant 976 : index
        %get3A_1012 = tpu.vector_load %arg8[%get3A_1010, %get3A_1011] {strides = array<i32>} : memref<16x1024xf32, #tpu.memory_space<vmem>>, vector<1x16xf32>,
        %get3A_1013 = vector.shape_cast %get3A_1012 : vector<1x16xf32> to vector<16xf32>
        %add3A_1014 = arith.addf %get3A_1009, %get3A_1013 : vector<16xf32>
        %swap3A_1015 = arith.index_cast %scan3A_153 : i32 to index
        %swap3A_1016 = arith.constant 976 : index
        %swap3A_1017 = tpu.vector_load %arg6[%swap3A_1015, %swap3A_1016] {strides = array<i32>} : memref<16x1024xf32, #tpu.memory_space<vmem>>, vector<1x16xf32>,
        %swap3A_1018 = vector.shape_cast %swap3A_1017 : vector<1x16xf32> to vector<16xf32>
        %swap3A_1019 = vector.shape_cast %add3A_1014 : vector<16xf32> to vector<1x16xf32>
        tpu.vector_store %arg6[%swap3A_1015, %swap3A_1016], %swap3A_1019 {strides = array<i32>} : memref<16x1024xf32, #tpu.memory_space<vmem>>, vector<1x16xf32>,
        %get3A_1020 = arith.index_cast %scan3A_153 : i32 to index
        %get3A_1021 = arith.constant 992 : index
        %get3A_1022 = tpu.vector_load %arg6[%get3A_1020, %get3A_1021] {strides = array<i32>} : memref<16x1024xf32, #tpu.memory_space<vmem>>, vector<1x16xf32>,
        %get3A_1023 = vector.shape_cast %get3A_1022 : vector<1x16xf32> to vector<16xf32>
        %get3A_1024 = arith.index_cast %scan3A_153 : i32 to index
        %get3A_1025 = arith.constant 992 : index
        %get3A_1026 = tpu.vector_load %arg8[%get3A_1024, %get3A_1025] {strides = array<i32>} : memref<16x1024xf32, #tpu.memory_space<vmem>>, vector<1x16xf32>,
        %get3A_1027 = vector.shape_cast %get3A_1026 : vector<1x16xf32> to vector<16xf32>
        %add3A_1028 = arith.addf %get3A_1023, %get3A_1027 : vector<16xf32>
        %swap3A_1029 = arith.index_cast %scan3A_153 : i32 to index
        %swap3A_1030 = arith.constant 992 : index
        %swap3A_1031 = tpu.vector_load %arg6[%swap3A_1029, %swap3A_1030] {strides = array<i32>} : memref<16x1024xf32, #tpu.memory_space<vmem>>, vector<1x16xf32>,
        %swap3A_1032 = vector.shape_cast %swap3A_1031 : vector<1x16xf32> to vector<16xf32>
        %swap3A_1033 = vector.shape_cast %add3A_1028 : vector<16xf32> to vector<1x16xf32>
        tpu.vector_store %arg6[%swap3A_1029, %swap3A_1030], %swap3A_1033 {strides = array<i32>} : memref<16x1024xf32, #tpu.memory_space<vmem>>, vector<1x16xf32>,
        %get3A_1034 = arith.index_cast %scan3A_153 : i32 to index
        %get3A_1035 = arith.constant 1008 : index
        %get3A_1036 = tpu.vector_load %arg6[%get3A_1034, %get3A_1035] {strides = array<i32>} : memref<16x1024xf32, #tpu.memory_space<vmem>>, vector<1x16xf32>,
        %get3A_1037 = vector.shape_cast %get3A_1036 : vector<1x16xf32> to vector<16xf32>
        %get3A_1038 = arith.index_cast %scan3A_153 : i32 to index
        %get3A_1039 = arith.constant 1008 : index
        %get3A_1040 = tpu.vector_load %arg8[%get3A_1038, %get3A_1039] {strides = array<i32>} : memref<16x1024xf32, #tpu.memory_space<vmem>>, vector<1x16xf32>,
        %get3A_1041 = vector.shape_cast %get3A_1040 : vector<1x16xf32> to vector<16xf32>
        %add3A_1042 = arith.addf %get3A_1037, %get3A_1041 : vector<16xf32>
        %swap3A_1043 = arith.index_cast %scan3A_153 : i32 to index
        %swap3A_1044 = arith.constant 1008 : index
        %swap3A_1045 = tpu.vector_load %arg6[%swap3A_1043, %swap3A_1044] {strides = array<i32>} : memref<16x1024xf32, #tpu.memory_space<vmem>>, vector<1x16xf32>,
        %swap3A_1046 = vector.shape_cast %swap3A_1045 : vector<1x16xf32> to vector<16xf32>
        %swap3A_1047 = vector.shape_cast %add3A_1042 : vector<16xf32> to vector<1x16xf32>
        tpu.vector_store %arg6[%swap3A_1043, %swap3A_1044], %swap3A_1047 {strides = array<i32>} : memref<16x1024xf32, #tpu.memory_space<vmem>>, vector<1x16xf32>,
      }
      %scan3A_143 = arith.constant 16 : i32
      %mul3A_144 = arith.constant 16 : i32
      %mul3A_145 = arith.muli %add3A_113, %mul3A_144 : i32
      %add3A_146 = arith.addi %mul3A_32, %mul3A_145 : i32
      %dma_start3A_147 = arith.constant 0 : i32
      %dma_start3A_148 = tpu.memref_slice %arg4[%select_n3A, %add3A_146, %dma_start3A_147] : memref<4x2816x1024xf32, #tpu.memory_space<hbm>> -> memref<1x16x1024xf32, #tpu.memory_space<hbm>>
      %dma_start3A_149 = tpu.memref_squeeze %dma_start3A_148 : memref<1x16x1024xf32, #tpu.memory_space<hbm>> -> memref<16x1024xf32, #tpu.memory_space<hbm>>
      %dma_start3A_150 = arith.constant 0 : i32
      %dma_start3A_151 = tpu.memref_slice %arg4[%select_n3A, %add3A_146, %dma_start3A_150] : memref<4x2816x1024xf32, #tpu.memory_space<hbm>> -> memref<1x16x1024xf32, #tpu.memory_space<hbm>>
      %dma_start3A_152 = tpu.memref_squeeze %dma_start3A_151 : memref<1x16x1024xf32, #tpu.memory_space<hbm>> -> memref<16x1024xf32, #tpu.memory_space<hbm>>
      tpu.enqueue_dma source(%arg6 : memref<16x1024xf32, #tpu.memory_space<vmem>>) target(%dma_start3A_152 : memref<16x1024xf32, #tpu.memory_space<hbm>>) target_semaphore(%arg12 : memref<!tpu.dma_semaphore, #tpu.memory_space<semaphore_mem>>)
    }
    %scan3A_52 = arith.constant 11 : i32
    %add3A_53 = arith.constant 320 : i32
    %add3A_54 = arith.addi %mul3A_32, %add3A_53 : i32
    %dma_wait3A = arith.constant 0 : i32
    %dma_wait3A_55 = tpu.memref_slice %arg4[%select_n3A, %add3A_54, %dma_wait3A] : memref<4x2816x1024xf32, #tpu.memory_space<hbm>> -> memref<1x16x1024xf32, #tpu.memory_space<hbm>>
    %dma_wait3A_56 = tpu.memref_squeeze %dma_wait3A_55 : memref<1x16x1024xf32, #tpu.memory_space<hbm>> -> memref<16x1024xf32, #tpu.memory_space<hbm>>
    %dma_wait3A_57 = arith.constant 0 : i32
    %dma_wait3A_58 = tpu.memref_slice %arg4[%select_n3A, %add3A_54, %dma_wait3A_57] : memref<4x2816x1024xf32, #tpu.memory_space<hbm>> -> memref<1x16x1024xf32, #tpu.memory_space<hbm>>
    %dma_wait3A_59 = tpu.memref_squeeze %dma_wait3A_58 : memref<1x16x1024xf32, #tpu.memory_space<hbm>> -> memref<16x1024xf32, #tpu.memory_space<hbm>>
    tpu.wait_dma2 semaphore(%arg11 : memref<!tpu.dma_semaphore, #tpu.memory_space<semaphore_mem>>) src(%arg5 : memref<16x1024xf32, #tpu.memory_space<vmem>>) dst(%dma_wait3A_59 : memref<16x1024xf32, #tpu.memory_space<hbm>>)
    %add3A_60 = arith.constant 336 : i32
    %add3A_61 = arith.addi %mul3A_32, %add3A_60 : i32
    %dma_wait3A_62 = arith.constant 0 : i32
    %dma_wait3A_63 = tpu.memref_slice %arg4[%select_n3A, %add3A_61, %dma_wait3A_62] : memref<4x2816x1024xf32, #tpu.memory_space<hbm>> -> memref<1x16x1024xf32, #tpu.memory_space<hbm>>
    %dma_wait3A_64 = tpu.memref_squeeze %dma_wait3A_63 : memref<1x16x1024xf32, #tpu.memory_space<hbm>> -> memref<16x1024xf32, #tpu.memory_space<hbm>>
    %dma_wait3A_65 = arith.constant 0 : i32
    %dma_wait3A_66 = tpu.memref_slice %arg4[%select_n3A, %add3A_61, %dma_wait3A_65] : memref<4x2816x1024xf32, #tpu.memory_space<hbm>> -> memref<1x16x1024xf32, #tpu.memory_space<hbm>>
    %dma_wait3A_67 = tpu.memref_squeeze %dma_wait3A_66 : memref<1x16x1024xf32, #tpu.memory_space<hbm>> -> memref<16x1024xf32, #tpu.memory_space<hbm>>
    tpu.wait_dma2 semaphore(%arg12 : memref<!tpu.dma_semaphore, #tpu.memory_space<semaphore_mem>>) src(%arg6 : memref<16x1024xf32, #tpu.memory_space<vmem>>) dst(%dma_wait3A_67 : memref<16x1024xf32, #tpu.memory_space<hbm>>)
    return
  }
}

module attributes {stable_mosaic.version = 14 : i64} {
  func.func @body(%arg0: i32, %arg1: memref<4x448x1024xf32, #tpu.memory_space<vmem>>, %arg2: memref<448x1024xf32, #tpu.memory_space<vmem>>, %arg3: memref<4x448x1024xf32, #tpu.memory_space<vmem>>) attributes {dimension_semantics = [#tpu.dimension_semantics<arbitrary>], iteration_bounds = array<i64: 12>, scalar_prefetch = 0 : i64, scratch_operands = 0 : i64, tpu.core_type = #tpu.core_type<tc>, window_params = [{transform_indices = @transform_0, window_bounds = array<i64: 4, 448, 1024>}, {transform_indices = @transform_1, window_bounds = array<i64: 448, 1024>}, {transform_indices = @transform_2, window_bounds = array<i64: 4, 448, 1024>}]} {
    %get3A = arith.constant 0 : index
    %get3A_0 = arith.constant 0 : index
    %get3A_1 = arith.constant 0 : index
    %get3A_2 = vector.load %arg1[%get3A, %get3A_0, %get3A_1] : memref<4x448x1024xf32, #tpu.memory_space<vmem>>, vector<4x448x1024xf32>
    %get3A_3 = arith.constant 0 : index
    %get3A_4 = arith.constant 0 : index
    %get3A_5 = vector.load %arg2[%get3A_3, %get3A_4] : memref<448x1024xf32, #tpu.memory_space<vmem>>, vector<448x1024xf32>
    %broadcast_in_dim3A = vector.shape_cast %get3A_5 : vector<448x1024xf32> to vector<1x448x1024xf32>
    %add3A = vector.broadcast %broadcast_in_dim3A : vector<1x448x1024xf32> to vector<4x448x1024xf32>
    %add3A_6 = arith.addf %get3A_2, %add3A : vector<4x448x1024xf32>
    %swap3A = arith.constant 0 : index
    %swap3A_7 = arith.constant 0 : index
    %swap3A_8 = arith.constant 0 : index
    %swap3A_9 = vector.load %arg3[%swap3A, %swap3A_7, %swap3A_8] : memref<4x448x1024xf32, #tpu.memory_space<vmem>>, vector<4x448x1024xf32>
    tpu.vector_store %arg3[%swap3A, %swap3A_7, %swap3A_8], %add3A_6 {strides = array<i32>} : memref<4x448x1024xf32, #tpu.memory_space<vmem>>, vector<4x448x1024xf32>,
    return
  }
  func.func @transform_0(%arg0: i32) -> (i32, i32, i32) {
    %c0_i32 = arith.constant 0 : i32
    %c0_i32_0 = arith.constant 0 : i32
    %c0_i32_1 = arith.constant 0 : i32
    return %c0_i32, %arg0, %c0_i32_0 : i32, i32, i32
  }
  func.func @transform_1(%arg0: i32) -> (i32, i32) {
    %c0_i32 = arith.constant 0 : i32
    %c0_i32_0 = arith.constant 0 : i32
    return %arg0, %c0_i32 : i32, i32
  }
  func.func @transform_2(%arg0: i32) -> (i32, i32, i32) {
    %c0_i32 = arith.constant 0 : i32
    %c0_i32_0 = arith.constant 0 : i32
    %c0_i32_1 = arith.constant 0 : i32
    return %c0_i32, %arg0, %c0_i32_0 : i32, i32, i32
  }
}

</mosaic_0001>

<sc_bundles>
// kernel: kernel.4.cloned.1.call-start
scs
__scs_entry_jumppad:
0x0: {  	(pc) =	sbr.rel $0x88, $3  }
0x1: {  	(tag) =	ssettag $0x0;
	lr =	simm.s32 $0x1  }
0x2: {  	[smem:$0x3F9F] =	sst lr;
	_ =	strace $0xD0000000  }
0x3: {  	_ = 	snop  }
0x4: {  	_ = 	snop  }
0x5: {  	_ = 	snop  }
0x6: {  	_ = 	snop  }
0x7: {  	_ = 	snop  }
__scs_overlays_trampoline_lowered:
0x8: {  	[smem:$0x3FAE] =	sst s0  }
0x9: {  	[smem:$0x3FAF] =	sst s1  }
0xa: {  	[smem:$0x3FB0] =	sst s2  }
0xb: {  	[smem:$0x3FB1] =	sst s3  }
0xc: {  	[smem:$0x3FB2] =	sst s4  }
0xd: {  	[smem:$0x3FB3] =	sst s5  }
0xe: {  	[smem:$0x3FB4] =	sst s6  }
0xf: {  	[smem:$0x3FB5] =	sst s7  }
0x10: {  	[smem:$0x3FB6] =	sst s8  }
0x11: {  	[smem:$0x3FB7] =	sst s9;
	s0 =	simm.s32 @!p0 $0x0  }
0x12: {  	s1 =	sld [smem:$0x3F9D];
	s0 =	simm.s32 @p0 $0x1  }
0x13: {  	[smem:$0x3FB8] =	sst s0;
	s0 =	simm.s32 @!p1 $0x0  }
0x14: {  	s2 =	sld [smem:$0x3F9C];
	s0 =	simm.s32 @p1 $0x1  }
0x15: {  	[smem:$0x3FB9] =	sst s0;
	s0 =	simm.s32 @!p2 $0x0  }
0x16: {  	s3 =	sld [smem:$0x3FDB];
	s0 =	simm.s32 @p2 $0x1  }
0x17: {  	s4 =	simm.s32 $0x1BF5;
	[smem:$0x3FBB] =	sst s0  }
0x18: {  	s0 =	sld [smem:$0x3F9E];
	_ =	swait.ge [sflag:s4], $0x0  }
0x19: {  	s7 =	sld [smem:$0x3F9F]  }
0x1a: {  	s8 =	sadd.s32 $0xFFFFE003, lr  }
0x1b: {  	s9 =	sadd.s32 $0xFFFFFEF7, lr;
	s5 =	simm.s32 $0xFFFFFFFF;
	p2 =	slt.u32 s8, $0xFFFFF086  }
0x1c: {  	p1 =	slt.u32 s9, $0xF7A;
	s5 =	simm.s32 @!p2 $0x0  }
0x1d: {  	s5 =	simm.s32 @p1 $0x1;
	p0 =	seq.s32 s7, s2  }
0x1e: {  	s7 =	smul.u32 @!p0 $0xF7A, s2;
	p2 =	seq.s32 @!p0 s5, $0x0  }
0x1f: {  	s9 =	smul.u32 $0xF7A, s1;
	s8 =	simm.s32 @!p0 $0x1BF5;
	p2 =	por !p2, p0  }
0x20: {  	[sflag:s8] =	ssyncset.s32 @!p0 $0xFFFFF086;
	s6 =	sadd.s32 @!p0 s3, s7;
	s7 =	simm.s32 @!p0 $0x108  }
0x21: {  	s3 =	sadd.s32 s3, s9;
	s6 =	sadd.s32 @!p0 $0x88, s6;
	s7 =	simm.s32 @p2 $0x1082  }
0x22: {  	[simem:s7], [sflag:s8] =	dma.local @!p0 [hbm:s6], $0xF7A  }
0x23: {  	s9 =	sor.u32 $0xD0000000, s2;
	s6 =	simm.s32 $0x108;
	_ =	swait.ge @!p0 [sflag:s8], $0x0  }
0x24: {  	s3 =	sadd.s32 $0x88, s3;
	s6 =	simm.s32 @!p1 $0x1082;
	[sflag:s4] =	ssyncset.s32 $0xFFFFF086  }
0x25: {  	[simem:s6], [sflag:s4] =	dma.local [hbm:s3], $0xF7A  }
0x26: {  	[smem:$0x3F9F] =	sst s1;
	(tag) =	ssettag s2;
	_ =	strace s9  }
0x27: {  	s1 =	sld [smem:$0x3FAF]  }
0x28: {  	s2 =	sld [smem:$0x3FB0]  }
0x29: {  	s4 =	sld [smem:$0x3FB2]  }
0x2a: {  	p0 =	seq.s32 s5, $0x0;
	s5 =	sld [smem:$0x3FB3]  }
0x2b: {  	s6 =	sld [smem:$0x3FB4]  }
0x2c: {  	s7 =	sld [smem:$0x3FB5]  }
0x2d: {  	s3 =	simm.s32 $0x108;
	s8 =	sld [smem:$0x3FB6]  }
0x2e: {  	s3 =	simm.s32 @!p0 $0x1082;
	s9 =	sld [smem:$0x3FB7]  }
0x2f: {  	lr =	sadd.s32 s0, s3;
	s0 =	sld [smem:$0x3FAE]  }
0x30: {  	s3 =	sld [smem:$0x3FB1]  }
0x31: {  	[smem:$0x3FBA] =	sst s10  }
0x32: {  	s10 =	sld [smem:$0x3FB8];
	_ =	sdelay $0x3  }
0x33: {  	p0 =	seq.s32 s10, $0x1;
	s10 =	sld [smem:$0x3FBA];
	_ =	sdelay $0x3  }
0x34: {  	[smem:$0x3FBA] =	sst s10  }
0x35: {  	s10 =	sld [smem:$0x3FB9];
	_ =	sdelay $0x3  }
0x36: {  	p1 =	seq.s32 s10, $0x1;
	s10 =	sld [smem:$0x3FBA];
	_ =	sdelay $0x3  }
0x37: {  	[smem:$0x3FBA] =	sst s10  }
0x38: {  	s10 =	sld [smem:$0x3FBB]  }
0x39: {  	_ = 	snop;
	(pc) =	sbr.ind lr, $3  }
0x3a: {  	_ = 	snop  }
0x3b: {  	_ = 	snop  }
0x3c: {  	p2 =	seq.s32 s10, $0x1;
	s10 =	sld [smem:$0x3FBA]  }
0x3d: {  	_ =	shalt  }
0x3e: {  	_ =	shalt  }
0x3f: {  	_ =	shalt  }
0x40: {  	_ =	shalt  }
0x41: {  	_ =	shalt  }
0x42: {  	_ =	shalt  }
0x43: {  	_ =	shalt  }
0x44: {  	_ =	shalt  }
0x45: {  	_ =	shalt  }
0x46: {  	_ =	shalt  }
0x47: {  	_ =	shalt  }
0x48: {  	_ =	shalt  }
0x49: {  	_ =	shalt  }
0x4a: {  	_ =	shalt  }
0x4b: {  	_ =	shalt  }
0x4c: {  	_ =	shalt  }
0x4d: {  	_ =	shalt  }
0x4e: {  	_ =	shalt  }
0x4f: {  	_ =	shalt  }
0x50: {  	_ =	shalt  }
0x51: {  	_ =	shalt  }
0x52: {  	_ =	shalt  }
0x53: {  	_ =	shalt  }
0x54: {  	_ =	shalt  }
0x55: {  	_ =	shalt  }
0x56: {  	_ =	shalt  }
0x57: {  	_ =	shalt  }
0x58: {  	_ =	shalt  }
0x59: {  	_ =	shalt  }
0x5a: {  	_ =	shalt  }
0x5b: {  	_ =	shalt  }
0x5c: {  	_ =	shalt  }
0x5d: {  	_ =	shalt  }
0x5e: {  	_ =	shalt  }
0x5f: {  	_ =	shalt  }
0x60: {  	_ =	shalt  }
0x61: {  	_ =	shalt  }
0x62: {  	_ =	shalt  }
0x63: {  	_ =	shalt  }
0x64: {  	_ =	shalt  }
0x65: {  	_ =	shalt  }
0x66: {  	_ =	shalt  }
0x67: {  	_ =	shalt  }
0x68: {  	_ =	shalt  }
0x69: {  	_ =	shalt  }
0x6a: {  	_ =	shalt  }
0x6b: {  	_ =	shalt  }
0x6c: {  	_ =	shalt  }
0x6d: {  	_ =	shalt  }
0x6e: {  	_ =	shalt  }
0x6f: {  	_ =	shalt  }
0x70: {  	_ =	shalt  }
0x71: {  	_ =	shalt  }
0x72: {  	_ =	shalt  }
0x73: {  	_ =	shalt  }
0x74: {  	_ =	shalt  }
0x75: {  	_ =	shalt  }
0x76: {  	_ =	shalt  }
0x77: {  	_ =	shalt  }
0x78: {  	_ =	shalt  }
0x79: {  	_ =	shalt  }
0x7a: {  	_ =	shalt  }
0x7b: {  	_ =	shalt  }
0x7c: {  	_ =	shalt  }
0x7d: {  	_ =	shalt  }
0x7e: {  	_ =	shalt  }
0x7f: {  	_ =	shalt  }
0x80: {  	_ =	shalt  }
0x81: {  	_ =	shalt  }
0x82: {  	_ =	shalt  }
0x83: {  	_ =	shalt  }
0x84: {  	_ =	shalt  }
0x85: {  	_ =	shalt  }
0x86: {  	_ =	shalt  }
0x87: {  	_ =	shalt  }
.Lfunc_end0:
.L_simem_size_0:
called_computation_lowered:
.L_overlay_start_0:
0x88: {  	s2 =	sld [smem:$0x3FD9]  }
0x89: {  	s3 =	sld [smem:$0x3FFE];
	_ =	sdelay $0x1  }
0x8a: {  	s1 =	srdreg.scid  }
0x8b: {  	s0 =	sand.u32 $0x1, s1  }
0x8c: {  	s17 =	sshll.u32 s0, $0xA;
	s2 =	sadd.s32 s3, s2  }
0x8d: {  	s2 =	sadd.s32 s2, s17  }
0x8e: {  	[smem:$0x3FC6] =	sst s2  }
0x8f: {  	_ = 	snop  }
0x90: {  	s2 =	sld [smem:$0x3FC9]  }
0x91: {  	s18 =	sld [smem:$0x3FC8];
	(tm) =	ssettm $0x1  }
0x92: {  	s4 =	sld [smem:$0x3FFB];
	_ =	sdelay $0x3  }
0x93: {  	_ =	strace s4  }
0x94: {  	s4 =	sld [smem:$0x3FFC];
	_ =	sdelay $0x3  }
0x95: {  	_ =	strace s4  }
0x96: {  	s4 =	sld [smem:$0x3FFD];
	_ =	sdelay $0x3  }
0x97: {  	_ =	strace s4  }
0x98: {  	_ =	strace $0x8FFFFFFF  }
0x99: {  	s19 =	sld [smem:$0x3FDB];
	_ =	sdelay $0x1  }
0x9a: {  	s5 =	simm.s32 $_scs_section_size  }
0x9b: {  	s6 =	simm.s32 $_size__tile_overlayer_lowered;
	s7 =	simm.s32 $_tile_overlayer_lowered  }
0x9c: {  	s22 =	simm.s32 $0x1BFF;
	s21 =	sshll.u32 s7, $0x1;
	s4 =	sadd.s32 s5, s19  }
0x9d: {  	s8 =	simm.s32 $0x0;
	s20 =	sshll.u32 s6, $0x1;
	s6 =	sadd.s32 s21, s4  }
0x9e: {  	[timem:s8], [sflag:s22] =	dma.local [hbm:s6], s20  }
0x9f: {  	_ =	swait.ge [sflag:s22], s20  }
0xa0: {  	s5 =	ssub.s32 $0x0, s20;
	[sflag:s22] =	ssyncset.done $0x0  }
0xa1: {  	[sflag:s22] =	ssyncadd.s32 s5;
	_ =	sdelay $0x1  }
0xa2: {  	s23 =	simm.s32 $0x1B8B  }
0xa3: {  	_ =	swait.ge [sflag:s23], $0x1  }
0xa4: {  	[sflag:s23] =	ssyncset.done $0x0  }
0xa5: {  	s25 =	simm.s32 $0x1B8E;
	s24 =	sld [smem:$0x3FFE];
	[sflag:s23] =	ssyncadd.s32 $0xFFFFFFFF  }
0xa6: {  	s26 =	simm.s32 $execute0_lowered;
	[smem:$0x3FD2] =	sst s25  }
0xa7: {  	s6 =	sshll.u32 s26, $0x1;
	_ =	strace $0x80000046;
	[dreg:$0x1] =	wrdreg $0xFFFFFFFF  }
0xa8: {  	s28 =	simm.s32 $_size_execute0_lowered;
	s4 =	sadd.s32 s4, s6;
	[dreg:$0x0] =	wrdreg $0x0  }
0xa9: {  	s6 =	sshll.u32 s28, $0x1;
	[dreg:$0x2] =	wrdreg s4  }
0xaa: {  	[dreg:$0x3] =	wrdreg s6  }
0xab: {  	[dreg:$0x4] =	wrdreg $0xC0  }
0xac: {  	_ =	task [dreg:s8], $0x5FFFF  }
0xad: {  	[dreg:$0x1] =	wrdreg $0xFFFFFFFF  }
0xae: {  	[dreg:$0x0] =	wrdreg $0x60  }
0xaf: {  	[dreg:$0x2] =	wrdreg s2  }
0xb0: {  	[dreg:$0x3] =	wrdreg s18  }
0xb1: {  	[dreg:$0x4] =	wrdreg s24  }
0xb2: {  	[dreg:$0x5] =	wrdreg $0x9  }
0xb3: {  	_ =	task.clear_ibuf [dreg:s8], $0x6FFFF;
	_ =	strace $0x90000046  }
0xb4: {  	s29 =	simm.s32 $0x9;
	_ =	strace $0x80000048  }
0xb5: {  	_ =	swait.ge [sflag:s29], $0x1  }
0xb6: {  	[sflag:s29] =	ssyncadd.s32 $0xFFFFFFFF  }
0xb7: {  	_ =	strace $0x90000048  }
0xb8: {  	_ =	sfence  }
0xb9: {  	s30 =	sld [smem:$0x0];
	_ =	sdelay $0x2  }
0xba: {  	s31 =	sshll.u32 s1, $0xD;
	s1 =	sshrl.u32 s1, $0x2  }
0xbb: {  	s3 =	sand.u32 $0x4000, s31;
	s1 =	sadd.s32 s1, s30  }
0xbc: {  	s0 =	sor.u32 s3, s0;
	s1 =	sshll.u32 s1, $0x11  }
0xbd: {  	s0 =	sor.u32 s1, s0  }
0xbe: {  	s0 =	sadd.s32 $0x8F2B, s0  }
0xbf: {  	[sflag:s0] =	ssyncadd.remote.s32 $0x1  }
0xc0: {  	_ =	sfence.sel $0xFFFF  }
0xc1: {  	[dreg:$0x0] =	wrdreg $0xFFFFFFFF;
	(pc) =	sbr.abs _section_cstart, $3  }
0xc2: {  	[dreg:$0x1] =	wrdreg $0xFFFFFFFF  }
0xc3: {  	_ =	task.clear_ibuf [dreg:s8], $0x2FFFF;
	_ =	strace $0x9FFFFFFF  }
0xc4: {  	(tm) =	ssettm $0x7FFFFFFF  }
0xc5: {  	_ =	shalt  }
tec
execute0_lowered:
.L_overlay_start_1:
0x0: {  	(tag) =	ssettag $0x1  }
0x1: {  	s1 =	rddreg [dreg:$0x0]  }
0x2: {  	s0 =	stileid.u32;
	s3 =	rddreg [dreg:$0x1]  }
0x3: {  	s2 =	srdreg.scid;
	s6 =	rddreg [dreg:$0x2]  }
0x4: {  	s14 =	simm.s32 $0x8000;
	s15 =	simm.s32 $0x1;
	s16 =	simm.s32 $0x4000  }
0x5: {  	s17 =	simm.s32 $0xC000;
	s18 =	simm.s32 $0x2;
	s19 =	simm.s32 $0x3  }
0x6: {  	s20 =	simm.s32 $0x4;
	s21 =	simm.s32 $0x0;
	s4 =	sshll.u32 s0, $0x1  }
0x7: {  	s5 =	sand.u32 $0x1, s2;
	s31 =	sshrl.u32 s0, $0x2;
	s7 =	sand.u32 $0x6, s4  }
0x8: {  	s6 =	sadd.s32 $0x400, s6;
	s4 =	simm.s32 $0x0;
	s7 =	sor.u32 s5, s7  }
0x9: {  	s8 =	ssub.s32 $0x2, s5;
	[smem:$0x7FF] =	sst s4;
	s12 =	smul.u32 $0x58000, s7  }
0xa: {  	s5 =	sshll.u32 s31, $0x17;
	s10 =	sshrl.u32 s8, $0x1;
	_ =	strace $0x80000047  }
0xb: {  	s7 =	smul.u32 $0x2C0000, s31;
	s13 =	ssub.s32 s8, s10;
	s9 =	sadd.s32 $0x540000, s12  }
0xc: {  	s13 =	smax.u32 s13, $0x1;
	s11 =	sadd.s32 s5, s9;
	s9 =	sshrl.u32 s9, $0x3  }
0xd: {  	s10 =	sor.u32 $0x4000, s12;
	s11 =	sshrl.u32 s11, $0x3;
	s9 =	sadd.s32 s3, s9  }
0xe: {  	s8 =	sadd.s32 s1, s11;
	s11 =	sadd.s32 s7, s12;
	s12 =	sadd.s32 $0x548000, s12  }
.LBB2_1:
0xf: {  	[tilespmem:s4], [sflag:$0x1] =	stream.linear.gather [hbm4b:s8+s4], $0x4000, $0x38;
	[tilespmem:$0x10000] =	vst v63  }
0x10: {  	s22 =	simm.s32 $0x0  }
0x11: {  	[tilespmem:s14], [sflag:$0x1] =	stream.linear.gather [hbm4b:s9+s4], $0x4000, $0x38;
	[tilespmem:$0x10000] =	vst v63  }
.LBB2_2:
0x12: {  	_ =	swait.ge [sflag:s15], $0x4000  }
0x13: {  	[sflag:s15] =	ssyncset.done $0x0  }
0x14: {  	[sflag:s15] =	ssyncadd.s32 $0xFFFFC000  }
0x15: {  	s24 =	sshll.u32 s22, $0xF;
	_ =	swait.ge [sflag:s15], $0x4000  }
0x16: {  	p0 =	seq.s32 s22, $0x0;
	s23 =	sadd.s32 s24, s10;
	[sflag:s15] =	ssyncset.done $0x0  }
0x17: {  	s25 =	simm.s32 @!p0 $0x4;
	s26 =	sadd.s32 $0x540000, s23;
	[sflag:s15] =	ssyncadd.s32 $0xFFFFC000  }
0x18: {  	s28 =	sadd.s32 s5, s26;
	_ =	swait.ge @!p0 [sflag:s25], $0x4000  }
0x19: {  	s26 =	sshrl.u32 s26, $0x3;
	s28 =	sshrl.u32 s28, $0x3;
	[sflag:s25] =	ssyncset.done @!p0 $0x0  }
0x1a: {  	s28 =	sadd.s32 s1, s28;
	[sflag:s25] =	ssyncadd.s32 @!p0 $0xFFFFC000;
	s25 =	simm.s32 $0x0  }
0x1b: {  	[tilespmem:s16], [sflag:$0x2] =	stream.linear.gather [hbm4b:s28+s25], $0x4000, $0x38;
	[tilespmem:$0x10000] =	vst v63  }
0x1c: {  	s26 =	sadd.s32 s3, s26  }
0x1d: {  	[tilespmem:s17], [sflag:$0x2] =	stream.linear.gather [hbm4b:s26+s25], $0x4000, $0x38;
	[tilespmem:$0x10000] =	vst v63  }
0x1e: {  	s29 =	simm.s32 $0x0;
	s28 =	simm.s32 $0x0;
	s26 =	simm.s32 $0xFFFFC000  }
.LBB2_3:
0x1f: {  	s30 =	sadd.s32 $0x4000, s26  }
0x20: {  	s31 =	sand.u32 $0x380, s29;
	s30 =	sand.u32 $0x2000, s30  }
0x21: {  	s30 =	sor.u32 s31, s30  }
0x22: {  	v0 =	vld [tilespmem:s30+$0x0]  }
0x23: {  	v1 =	vld [tilespmem:s30+$0x8000]  }
0x24: {  	v2 =	vld [tilespmem:s30+$0x10]  }
0x25: {  	v3 =	vld [tilespmem:s30+$0x8010]  }
0x26: {  	v4 =	vld [tilespmem:s30+$0x20]  }
0x27: {  	v5 =	vld [tilespmem:s30+$0x8020]  }
0x28: {  	v6 =	vld [tilespmem:s30+$0x30]  }
0x29: {  	v7 =	vld [tilespmem:s30+$0x8030]  }
0x2a: {  	v8 =	vld [tilespmem:s30+$0x40]  }
0x2b: {  	v9 =	vld [tilespmem:s30+$0x8040]  }
0x2c: {  	v10 =	vld [tilespmem:s30+$0x50]  }
0x2d: {  	v11 =	vld [tilespmem:s30+$0x8050]  }
0x2e: {  	v12 =	vld [tilespmem:s30+$0x60]  }
0x2f: {  	v13 =	vld [tilespmem:s30+$0x8060]  }
0x30: {  	v14 =	vld [tilespmem:s30+$0x70]  }
0x31: {  	v15 =	vld [tilespmem:s30+$0x8070]  }
0x32: {  	v16 =	vld [tilespmem:s30+$0x400]  }
0x33: {  	v17 =	vld [tilespmem:s30+$0x8400]  }
0x34: {  	v18 =	vld [tilespmem:s30+$0x410]  }
0x35: {  	v19 =	vld [tilespmem:s30+$0x8410]  }
0x36: {  	v20 =	vld [tilespmem:s30+$0x420]  }
0x37: {  	v21 =	vld [tilespmem:s30+$0x8420]  }
0x38: {  	v22 =	vld [tilespmem:s30+$0x430]  }
0x39: {  	v23 =	vld [tilespmem:s30+$0x8430]  }
0x3a: {  	v24 =	vld [tilespmem:s30+$0x440]  }
0x3b: {  	v25 =	vld [tilespmem:s30+$0x8440]  }
0x3c: {  	v26 =	vld [tilespmem:s30+$0x450]  }
0x3d: {  	v27 =	vld [tilespmem:s30+$0x8450]  }
0x3e: {  	v28 =	vld [tilespmem:s30+$0x460]  }
0x3f: {  	v29 =	vld [tilespmem:s30+$0x8460]  }
0x40: {  	v30 =	vld [tilespmem:s30+$0x470]  }
0x41: {  	v31 =	vld [tilespmem:s30+$0x8470]  }
0x42: {  	v32 =	vld [tilespmem:s30+$0x800]  }
0x43: {  	v33 =	vld [tilespmem:s30+$0x8800]  }
0x44: {  	v34 =	vld [tilespmem:s30+$0x810]  }
0x45: {  	v35 =	vld [tilespmem:s30+$0x8810]  }
0x46: {  	v36 =	vld [tilespmem:s30+$0x820]  }
0x47: {  	v37 =	vld [tilespmem:s30+$0x8820]  }
0x48: {  	v38 =	vld [tilespmem:s30+$0x830]  }
0x49: {  	v39 =	vld [tilespmem:s30+$0x8830]  }
0x4a: {  	v40 =	vld [tilespmem:s30+$0x840]  }
0x4b: {  	v41 =	vld [tilespmem:s30+$0x8840]  }
0x4c: {  	v42 =	vld [tilespmem:s30+$0x850]  }
0x4d: {  	v43 =	vld [tilespmem:s30+$0x8850]  }
0x4e: {  	v44 =	vld [tilespmem:s30+$0x860]  }
0x4f: {  	v45 =	vld [tilespmem:s30+$0x8860]  }
0x50: {  	v46 =	vld [tilespmem:s30+$0x870]  }
0x51: {  	v47 =	vld [tilespmem:s30+$0x8870]  }
0x52: {  	v48 =	vld [tilespmem:s30+$0xC00]  }
0x53: {  	v49 =	vld [tilespmem:s30+$0x8C00]  }
0x54: {  	v50 =	vld [tilespmem:s30+$0xC10]  }
0x55: {  	v51 =	vld [tilespmem:s30+$0x8C10]  }
0x56: {  	v52 =	vld [tilespmem:s30+$0xC20]  }
0x57: {  	v53 =	vld [tilespmem:s30+$0x8C20]  }
0x58: {  	v54 =	vld [tilespmem:s30+$0xC30]  }
0x59: {  	v55 =	vld [tilespmem:s30+$0x8C30]  }
0x5a: {  	v56 =	vld [tilespmem:s30+$0xC40]  }
0x5b: {  	v57 =	vld [tilespmem:s30+$0x8C40]  }
0x5c: {  	v58 =	vld [tilespmem:s30+$0xC50]  }
0x5d: {  	v59 =	vld [tilespmem:s30+$0x8C50]  }
0x5e: {  	v60 =	vld [tilespmem:s30+$0xC60]  }
0x5f: {  	v0 =	vadd.f32 v1, v0;
	v1 =	vld [tilespmem:s30+$0x8C60]  }
0x60: {  	v2 =	vadd.f32 v3, v2;
	v3 =	vld [tilespmem:s30+$0xC70]  }
0x61: {  	v63 =	vadd.f32 v5, v4;
	v4 =	vld [tilespmem:s30+$0x8C70];
	[tilespmem:s30+$0x0] =	vst v0  }
0x62: {  	v61 =	vadd.f32 v7, v6;
	v5 =	vld [tilespmem:s30+$0x1000];
	[tilespmem:s30+$0x10] =	vst v2  }
0x63: {  	v62 =	vadd.f32 v9, v8;
	v6 =	vld [tilespmem:s30+$0x9000];
	[tilespmem:s30+$0x20] =	vst v63  }
0x64: {  	v7 =	vld [tilespmem:s30+$0x1010];
	v13 =	vadd.f32 v13, v12;
	[tilespmem:s30+$0x30] =	vst v61  }
0x65: {  	v8 =	vld [tilespmem:s30+$0x9010];
	v15 =	vadd.f32 v15, v14;
	[tilespmem:s30+$0x40] =	vst v62  }
0x66: {  	v9 =	vld [tilespmem:s30+$0x1020];
	v17 =	vadd.f32 v17, v16;
	[tilespmem:s30+$0x60] =	vst v13  }
0x67: {  	v19 =	vadd.f32 v19, v18;
	v12 =	vld [tilespmem:s30+$0x9030];
	[tilespmem:s30+$0x70] =	vst v15  }
0x68: {  	v21 =	vadd.f32 v21, v20;
	v14 =	vld [tilespmem:s30+$0x9040];
	[tilespmem:s30+$0x400] =	vst v17  }
0x69: {  	v23 =	vadd.f32 v23, v22;
	v16 =	vld [tilespmem:s30+$0x9050];
	[tilespmem:s30+$0x410] =	vst v19  }
0x6a: {  	v25 =	vadd.f32 v25, v24;
	v20 =	vld [tilespmem:s30+$0x9070];
	[tilespmem:s30+$0x420] =	vst v21  }
0x6b: {  	v27 =	vadd.f32 v27, v26;
	v22 =	vld [tilespmem:s30+$0x9400];
	[tilespmem:s30+$0x430] =	vst v23  }
0x6c: {  	v29 =	vadd.f32 v29, v28;
	v24 =	vld [tilespmem:s30+$0x9410];
	[tilespmem:s30+$0x440] =	vst v25  }
0x6d: {  	v28 =	vadd.f32 v37, v36;
	v37 =	vld [tilespmem:s30+$0x1430];
	[tilespmem:s30+$0x450] =	vst v27  }
0x6e: {  	v36 =	vadd.f32 v51, v50;
	v51 =	vld [tilespmem:s30+$0x9460];
	[tilespmem:s30+$0x460] =	vst v29  }
0x6f: {  	v63 =	vadd.f32 v11, v10;
	v10 =	vld [tilespmem:s30+$0x9020];
	[tilespmem:s30+$0x820] =	vst v28  }
0x70: {  	v11 =	vld [tilespmem:s30+$0x1030];
	v61 =	vadd.f32 v31, v30;
	[tilespmem:s30+$0xC10] =	vst v36  }
0x71: {  	v13 =	vld [tilespmem:s30+$0x1040];
	v62 =	vadd.f32 v33, v32;
	[tilespmem:s30+$0x50] =	vst v63  }
0x72: {  	v15 =	vld [tilespmem:s30+$0x1050];
	v27 =	vadd.f32 v35, v34;
	[tilespmem:s30+$0x470] =	vst v61  }
0x73: {  	v17 =	vld [tilespmem:s30+$0x1060];
	v29 =	vadd.f32 v39, v38;
	[tilespmem:s30+$0x800] =	vst v62  }
0x74: {  	v19 =	vld [tilespmem:s30+$0x1070];
	v30 =	vadd.f32 v41, v40;
	[tilespmem:s30+$0x810] =	vst v27  }
0x75: {  	v21 =	vld [tilespmem:s30+$0x1400];
	v31 =	vadd.f32 v43, v42;
	[tilespmem:s30+$0x830] =	vst v29  }
0x76: {  	v23 =	vld [tilespmem:s30+$0x1410];
	v32 =	vadd.f32 v45, v44;
	[tilespmem:s30+$0x840] =	vst v30  }
0x77: {  	v33 =	vadd.f32 v47, v46;
	v25 =	vld [tilespmem:s30+$0x1420];
	[tilespmem:s30+$0x850] =	vst v31  }
0x78: {  	v34 =	vadd.f32 v49, v48;
	v35 =	vld [tilespmem:s30+$0x9420];
	[tilespmem:s30+$0x860] =	vst v32  }
0x79: {  	v38 =	vadd.f32 v53, v52;
	v39 =	vld [tilespmem:s30+$0x9430];
	[tilespmem:s30+$0x870] =	vst v33  }
0x7a: {  	v40 =	vadd.f32 v55, v54;
	v41 =	vld [tilespmem:s30+$0x1440];
	[tilespmem:s30+$0xC00] =	vst v34  }
0x7b: {  	v42 =	vadd.f32 v57, v56;
	v43 =	vld [tilespmem:s30+$0x9440];
	[tilespmem:s30+$0xC20] =	vst v38  }
0x7c: {  	v44 =	vadd.f32 v59, v58;
	v45 =	vld [tilespmem:s30+$0x1450];
	[tilespmem:s30+$0xC30] =	vst v40  }
0x7d: {  	v47 =	vld [tilespmem:s30+$0x9450];
	[tilespmem:s30+$0xC40] =	vst v42;
	v46 =	vadd.f32 v1, v60  }
0x7e: {  	v49 =	vld [tilespmem:s30+$0x1460];
	[tilespmem:s30+$0xC50] =	vst v44;
	v48 =	vadd.f32 v4, v3  }
0x7f: {  	v53 =	vld [tilespmem:s30+$0x1470];
	v50 =	vadd.f32 v6, v5;
	[tilespmem:s30+$0xC60] =	vst v46  }
0x80: {  	v55 =	vld [tilespmem:s30+$0x9470];
	v52 =	vadd.f32 v8, v7;
	[tilespmem:s30+$0xC70] =	vst v48  }
0x81: {  	v57 =	vld [tilespmem:s30+$0x1800];
	[tilespmem:s30+$0x1000] =	vst v50;
	v54 =	vadd.f32 v10, v9  }
0x82: {  	v59 =	vld [tilespmem:s30+$0x9800];
	[tilespmem:s30+$0x1010] =	vst v52;
	v56 =	vadd.f32 v12, v11  }
0x83: {  	v36 =	vld [tilespmem:s30+$0x9830];
	v58 =	vadd.f32 v14, v13;
	[tilespmem:s30+$0x1020] =	vst v54  }
0x84: {  	v63 =	vld [tilespmem:s30+$0x9060];
	v60 =	vadd.f32 v16, v15;
	[tilespmem:s30+$0x1030] =	vst v56  }
0x85: {  	v61 =	vld [tilespmem:s30+$0x1810];
	v19 =	vadd.f32 v20, v19;
	[tilespmem:s30+$0x1040] =	vst v58  }
0x86: {  	v32 =	vld [tilespmem:s30+$0x9820];
	v22 =	vadd.f32 v22, v21;
	[tilespmem:s30+$0x1050] =	vst v60  }
0x87: {  	v34 =	vld [tilespmem:s30+$0x1830];
	v33 =	vadd.f32 v24, v23;
	[tilespmem:s30+$0x1070] =	vst v19  }
0x88: {  	v38 =	vld [tilespmem:s30+$0x1840];
	v35 =	vadd.f32 v35, v25;
	[tilespmem:s30+$0x1400] =	vst v22  }
0x89: {  	v40 =	vld [tilespmem:s30+$0x1850];
	v37 =	vadd.f32 v39, v37;
	[tilespmem:s30+$0x1410] =	vst v33  }
0x8a: {  	v20 =	vld [tilespmem:s30+$0x1820];
	v39 =	vadd.f32 v43, v41;
	[tilespmem:s30+$0x1420] =	vst v35  }
0x8b: {  	v1 =	vadd.f32 v47, v45;
	v41 =	vld [tilespmem:s30+$0x9850];
	[tilespmem:s30+$0x1430] =	vst v37  }
0x8c: {  	v42 =	vadd.f32 v51, v49;
	v43 =	vld [tilespmem:s30+$0x1860];
	[tilespmem:s30+$0x1440] =	vst v39  }
0x8d: {  	v44 =	vadd.f32 v55, v53;
	v45 =	vld [tilespmem:s30+$0x9860];
	[tilespmem:s30+$0x1450] =	vst v1  }
0x8e: {  	v46 =	vadd.f32 v59, v57;
	v47 =	vld [tilespmem:s30+$0x1870];
	[tilespmem:s30+$0x1460] =	vst v42  }
0x8f: {  	v49 =	vld [tilespmem:s30+$0x9870];
	v62 =	vadd.f32 v63, v17;
	[tilespmem:s30+$0x1470] =	vst v44  }
0x90: {  	v63 =	vld [tilespmem:s30+$0x9810];
	[tilespmem:s30+$0x1800] =	vst v46;
	v52 =	vadd.f32 v36, v34  }
0x91: {  	v51 =	vld [tilespmem:s30+$0x9840];
	[tilespmem:s30+$0x1060] =	vst v62;
	v50 =	vadd.f32 v32, v20  }
0x92: {  	[tilespmem:s30+$0x1830] =	vst v52;
	v53 =	vadd.f32 v41, v40  }
0x93: {  	v54 =	vadd.f32 v45, v43;
	[tilespmem:s30+$0x1820] =	vst v50  }
0x94: {  	s2 =	sand.u32 $0x7, s25;
	v55 =	vadd.f32 v49, v47;
	[tilespmem:s30+$0x1850] =	vst v53  }
0x95: {  	s31 =	sshll.u32 s2, $0x7;
	v48 =	vadd.f32 v63, v61;
	[tilespmem:s30+$0x1860] =	vst v54  }
0x96: {  	s31 =	sadd.s32 s31, s28;
	v56 =	vadd.f32 v51, v38;
	[tilespmem:s30+$0x1870] =	vst v55  }
0x97: {  	s2 =	sor.u32 $0x1C00, s31;
	[tilespmem:s30+$0x1810] =	vst v48  }
0x98: {  	[tilespmem:s30+$0x1840] =	vst v56;
	v0 =	vld [tilespmem:s2+$0x0]  }
0x99: {  	v1 =	vld [tilespmem:s2+$0x8000];
	_ =	sdelay $0x4  }
0x9a: {  	v0 =	vadd.f32 v1, v0;
	_ =	sdelay $0x1  }
0x9b: {  	s30 =	sor.u32 $0x1C10, s31;
	[tilespmem:s2+$0x0] =	vst v0  }
0x9c: {  	v0 =	vld [tilespmem:s30+$0x0]  }
0x9d: {  	v57 =	vld [tilespmem:s30+$0x8000];
	_ =	sdelay $0x4  }
0x9e: {  	v0 =	vadd.f32 v57, v0;
	_ =	sdelay $0x1  }
0x9f: {  	[tilespmem:s30+$0x0] =	vst v0;
	s30 =	sor.u32 $0x1C20, s31  }
0xa0: {  	v0 =	vld [tilespmem:s30+$0x0]  }
0xa1: {  	v58 =	vld [tilespmem:s30+$0x8000];
	_ =	sdelay $0x4  }
0xa2: {  	v0 =	vadd.f32 v58, v0;
	_ =	sdelay $0x1  }
0xa3: {  	[tilespmem:s30+$0x0] =	vst v0;
	s30 =	sor.u32 $0x1C30, s31  }
0xa4: {  	v0 =	vld [tilespmem:s30+$0x0]  }
0xa5: {  	v59 =	vld [tilespmem:s30+$0x8000];
	_ =	sdelay $0x4  }
0xa6: {  	v0 =	vadd.f32 v59, v0;
	_ =	sdelay $0x1  }
0xa7: {  	[tilespmem:s30+$0x0] =	vst v0;
	s30 =	sor.u32 $0x1C40, s31  }
0xa8: {  	v0 =	vld [tilespmem:s30+$0x0]  }
0xa9: {  	v60 =	vld [tilespmem:s30+$0x8000];
	_ =	sdelay $0x4  }
0xaa: {  	v0 =	vadd.f32 v60, v0;
	_ =	sdelay $0x1  }
0xab: {  	[tilespmem:s30+$0x0] =	vst v0;
	s30 =	sor.u32 $0x1C50, s31  }
0xac: {  	v0 =	vld [tilespmem:s30+$0x0]  }
0xad: {  	v61 =	vld [tilespmem:s30+$0x8000];
	_ =	sdelay $0x4  }
0xae: {  	v0 =	vadd.f32 v61, v0;
	_ =	sdelay $0x1  }
0xaf: {  	[tilespmem:s30+$0x0] =	vst v0;
	s30 =	sor.u32 $0x1C60, s31  }
0xb0: {  	v0 =	vld [tilespmem:s30+$0x0]  }
0xb1: {  	v62 =	vld [tilespmem:s30+$0x8000];
	_ =	sdelay $0x4  }
0xb2: {  	v0 =	vadd.f32 v62, v0;
	_ =	sdelay $0x1  }
0xb3: {  	s31 =	sor.u32 $0x1C70, s31;
	[tilespmem:s30+$0x0] =	vst v0  }
0xb4: {  	v0 =	vld [tilespmem:s31+$0x0]  }
0xb5: {  	v63 =	vld [tilespmem:s31+$0x8000];
	_ =	sdelay $0x1  }
0xb6: {  	p0 =	sne.s32 s29, $0x780  }
.Ltmp0:
0xb7: {  	_ = 	snop;
	(pc) =	sbr.rel @p0 .LBB2_3-.Ltmp0, $4  }
0xb8: {  	_ = 	snop  }
0xb9: {  	v0 =	vadd.f32 v63, v0  }
0xba: {  	s25 =	sadd.s32 $0x1, s25  }
0xbb: {  	s26 =	sadd.s32 $0x400, s26;
	s29 =	sadd.s32 $0x80, s29;
	s28 =	sadd.s32 $0x400, s28;
	[tilespmem:s31+$0x0] =	vst v0  }
0xbc: {  	s2 =	sadd.s32 s24, s11  }
0xbd: {  	s2 =	sshrl.u32 s2, $0x3  }
0xbe: {  	s2 =	sadd.s32 s6, s2  }
0xbf: {  	[hbm4b:s2+s4] =	stream.linear.scatter [tilespmem:s4], [sflag:$0x3], $0x4000, $0x38;
	[tilespmem:$0x10000] =	vst v63  }
0xc0: {  	_ =	swait.ge [sflag:s18], $0x4000  }
0xc1: {  	[sflag:s18] =	ssyncset.done $0x0  }
0xc2: {  	[sflag:s18] =	ssyncadd.s32 $0xFFFFC000  }
0xc3: {  	_ =	swait.ge [sflag:s18], $0x4000  }
0xc4: {  	p0 =	seq.s32 s22, $0xA;
	[sflag:s18] =	ssyncset.done $0x0  }
0xc5: {  	s24 =	sadd.s32 @!p0 s24, s12;
	s2 =	simm.s32 @!p0 $0x3;
	[sflag:s18] =	ssyncadd.s32 $0xFFFFC000  }
0xc6: {  	s25 =	sadd.s32 @!p0 s5, s24;
	_ =	swait.ge @!p0 [sflag:s2], $0x4000  }
0xc7: {  	s25 =	sshrl.u32 @!p0 s25, $0x3;
	[sflag:s2] =	ssyncset.done @!p0 $0x0  }
0xc8: {  	[sflag:s2] =	ssyncadd.s32 @!p0 $0xFFFFC000;
	s2 =	sadd.s32 @!p0 s1, s25;
	s25 =	simm.s32 @!p0 $0x0  }
0xc9: {  	[tilespmem:s25], [sflag:$0x1] =	stream.linear.gather @!p0 [hbm4b:s2+s25], $0x4000, $0x38;
	[tilespmem:$0x10000] =	vst v63  }
0xca: {  	s2 =	sshrl.u32 @!p0 s24, $0x3  }
0xcb: {  	s26 =	simm.s32 $0x0;
	s24 =	simm.s32 @!p0 $0x8000;
	s2 =	sadd.s32 @!p0 s3, s2  }
0xcc: {  	[tilespmem:s24], [sflag:$0x1] =	stream.linear.gather @!p0 [hbm4b:s2+s25], $0x4000, $0x38;
	[tilespmem:$0x10000] =	vst v63  }
0xcd: {  	s28 =	simm.s32 $0x0;
	s24 =	simm.s32 $0x0;
	s25 =	simm.s32 $0xFFFFC000  }
.LBB2_5:
0xce: {  	s2 =	sadd.s32 $0x4000, s25  }
0xcf: {  	s29 =	sand.u32 $0x380, s28;
	s2 =	sand.u32 $0x2000, s2  }
0xd0: {  	s29 =	sor.u32 s29, s2  }
0xd1: {  	v0 =	vld [tilespmem:s29+$0x4000]  }
0xd2: {  	v1 =	vld [tilespmem:s29+$0xC000]  }
0xd3: {  	v2 =	vld [tilespmem:s29+$0x4010]  }
0xd4: {  	v3 =	vld [tilespmem:s29+$0xC010]  }
0xd5: {  	v4 =	vld [tilespmem:s29+$0x4020]  }
0xd6: {  	v5 =	vld [tilespmem:s29+$0xC020]  }
0xd7: {  	v6 =	vld [tilespmem:s29+$0x4030]  }
0xd8: {  	v7 =	vld [tilespmem:s29+$0xC030]  }
0xd9: {  	v8 =	vld [tilespmem:s29+$0x4040]  }
0xda: {  	v9 =	vld [tilespmem:s29+$0xC040]  }
0xdb: {  	v10 =	vld [tilespmem:s29+$0x4050]  }
0xdc: {  	v11 =	vld [tilespmem:s29+$0xC050]  }
0xdd: {  	v12 =	vld [tilespmem:s29+$0x4060]  }
0xde: {  	v13 =	vld [tilespmem:s29+$0xC060]  }
0xdf: {  	v14 =	vld [tilespmem:s29+$0x4070]  }
0xe0: {  	v15 =	vld [tilespmem:s29+$0xC070]  }
0xe1: {  	v16 =	vld [tilespmem:s29+$0x4400]  }
0xe2: {  	v17 =	vld [tilespmem:s29+$0xC400]  }
0xe3: {  	v18 =	vld [tilespmem:s29+$0x4410]  }
0xe4: {  	v19 =	vld [tilespmem:s29+$0xC410]  }
0xe5: {  	v20 =	vld [tilespmem:s29+$0x4420]  }
0xe6: {  	v21 =	vld [tilespmem:s29+$0xC420]  }
0xe7: {  	v22 =	vld [tilespmem:s29+$0x4430]  }
0xe8: {  	v23 =	vld [tilespmem:s29+$0xC430]  }
0xe9: {  	v24 =	vld [tilespmem:s29+$0x4440]  }
0xea: {  	v25 =	vld [tilespmem:s29+$0xC440]  }
0xeb: {  	v26 =	vld [tilespmem:s29+$0x4450]  }
0xec: {  	v27 =	vld [tilespmem:s29+$0xC450]  }
0xed: {  	v28 =	vld [tilespmem:s29+$0x4460]  }
0xee: {  	v29 =	vld [tilespmem:s29+$0xC460]  }
0xef: {  	v30 =	vld [tilespmem:s29+$0x4470]  }
0xf0: {  	v31 =	vld [tilespmem:s29+$0xC470]  }
0xf1: {  	v32 =	vld [tilespmem:s29+$0x4800]  }
0xf2: {  	v33 =	vld [tilespmem:s29+$0xC800]  }
0xf3: {  	v34 =	vld [tilespmem:s29+$0x4810]  }
0xf4: {  	v35 =	vld [tilespmem:s29+$0xC810]  }
0xf5: {  	v36 =	vld [tilespmem:s29+$0x4820]  }
0xf6: {  	v37 =	vld [tilespmem:s29+$0xC820]  }
0xf7: {  	v38 =	vld [tilespmem:s29+$0x4830]  }
0xf8: {  	v39 =	vld [tilespmem:s29+$0xC830]  }
0xf9: {  	v40 =	vld [tilespmem:s29+$0x4840]  }
0xfa: {  	v41 =	vld [tilespmem:s29+$0xC840]  }
0xfb: {  	v42 =	vld [tilespmem:s29+$0x4850]  }
0xfc: {  	v43 =	vld [tilespmem:s29+$0xC850]  }
0xfd: {  	v44 =	vld [tilespmem:s29+$0x4860]  }
0xfe: {  	v45 =	vld [tilespmem:s29+$0xC860]  }
0xff: {  	v46 =	vld [tilespmem:s29+$0x4870]  }
0x100: {  	v47 =	vld [tilespmem:s29+$0xC870]  }
0x101: {  	v48 =	vld [tilespmem:s29+$0x4C00]  }
0x102: {  	v49 =	vld [tilespmem:s29+$0xCC00]  }
0x103: {  	v50 =	vld [tilespmem:s29+$0x4C10]  }
0x104: {  	v51 =	vld [tilespmem:s29+$0xCC10]  }
0x105: {  	v52 =	vld [tilespmem:s29+$0x4C20]  }
0x106: {  	v53 =	vld [tilespmem:s29+$0xCC20]  }
0x107: {  	v54 =	vld [tilespmem:s29+$0x4C30]  }
0x108: {  	v55 =	vld [tilespmem:s29+$0xCC30]  }
0x109: {  	v56 =	vld [tilespmem:s29+$0x4C40]  }
0x10a: {  	v57 =	vld [tilespmem:s29+$0xCC40]  }
0x10b: {  	v58 =	vld [tilespmem:s29+$0x4C50]  }
0x10c: {  	v59 =	vld [tilespmem:s29+$0xCC50]  }
0x10d: {  	v60 =	vld [tilespmem:s29+$0x4C60]  }
0x10e: {  	v0 =	vadd.f32 v1, v0;
	v1 =	vld [tilespmem:s29+$0xCC60]  }
0x10f: {  	v2 =	vadd.f32 v3, v2;
	v3 =	vld [tilespmem:s29+$0x4C70]  }
0x110: {  	v63 =	vadd.f32 v5, v4;
	v4 =	vld [tilespmem:s29+$0xCC70];
	[tilespmem:s29+$0x4000] =	vst v0  }
0x111: {  	v61 =	vadd.f32 v7, v6;
	v5 =	vld [tilespmem:s29+$0x5000];
	[tilespmem:s29+$0x4010] =	vst v2  }
0x112: {  	v62 =	vadd.f32 v9, v8;
	v6 =	vld [tilespmem:s29+$0xD000];
	[tilespmem:s29+$0x4020] =	vst v63  }
0x113: {  	v7 =	vld [tilespmem:s29+$0x5010];
	v13 =	vadd.f32 v13, v12;
	[tilespmem:s29+$0x4030] =	vst v61  }
0x114: {  	v8 =	vld [tilespmem:s29+$0xD010];
	v15 =	vadd.f32 v15, v14;
	[tilespmem:s29+$0x4040] =	vst v62  }
0x115: {  	v9 =	vld [tilespmem:s29+$0x5020];
	v17 =	vadd.f32 v17, v16;
	[tilespmem:s29+$0x4060] =	vst v13  }
0x116: {  	v19 =	vadd.f32 v19, v18;
	v12 =	vld [tilespmem:s29+$0xD030];
	[tilespmem:s29+$0x4070] =	vst v15  }
0x117: {  	v21 =	vadd.f32 v21, v20;
	v14 =	vld [tilespmem:s29+$0xD040];
	[tilespmem:s29+$0x4400] =	vst v17  }
0x118: {  	v23 =	vadd.f32 v23, v22;
	v16 =	vld [tilespmem:s29+$0xD050];
	[tilespmem:s29+$0x4410] =	vst v19  }
0x119: {  	v25 =	vadd.f32 v25, v24;
	v20 =	vld [tilespmem:s29+$0xD070];
	[tilespmem:s29+$0x4420] =	vst v21  }
0x11a: {  	v27 =	vadd.f32 v27, v26;
	v22 =	vld [tilespmem:s29+$0xD400];
	[tilespmem:s29+$0x4430] =	vst v23  }
0x11b: {  	v29 =	vadd.f32 v29, v28;
	v24 =	vld [tilespmem:s29+$0xD410];
	[tilespmem:s29+$0x4440] =	vst v25  }
0x11c: {  	v28 =	vadd.f32 v37, v36;
	v37 =	vld [tilespmem:s29+$0x5430];
	[tilespmem:s29+$0x4450] =	vst v27  }
0x11d: {  	v36 =	vadd.f32 v51, v50;
	v51 =	vld [tilespmem:s29+$0xD460];
	[tilespmem:s29+$0x4460] =	vst v29  }
0x11e: {  	v63 =	vadd.f32 v11, v10;
	v10 =	vld [tilespmem:s29+$0xD020];
	[tilespmem:s29+$0x4820] =	vst v28  }
0x11f: {  	v11 =	vld [tilespmem:s29+$0x5030];
	v61 =	vadd.f32 v31, v30;
	[tilespmem:s29+$0x4C10] =	vst v36  }
0x120: {  	v13 =	vld [tilespmem:s29+$0x5040];
	v62 =	vadd.f32 v33, v32;
	[tilespmem:s29+$0x4050] =	vst v63  }
0x121: {  	v15 =	vld [tilespmem:s29+$0x5050];
	v27 =	vadd.f32 v35, v34;
	[tilespmem:s29+$0x4470] =	vst v61  }
0x122: {  	v17 =	vld [tilespmem:s29+$0x5060];
	v29 =	vadd.f32 v39, v38;
	[tilespmem:s29+$0x4800] =	vst v62  }
0x123: {  	v19 =	vld [tilespmem:s29+$0x5070];
	v30 =	vadd.f32 v41, v40;
	[tilespmem:s29+$0x4810] =	vst v27  }
0x124: {  	v21 =	vld [tilespmem:s29+$0x5400];
	v31 =	vadd.f32 v43, v42;
	[tilespmem:s29+$0x4830] =	vst v29  }
0x125: {  	v23 =	vld [tilespmem:s29+$0x5410];
	v32 =	vadd.f32 v45, v44;
	[tilespmem:s29+$0x4840] =	vst v30  }
0x126: {  	v33 =	vadd.f32 v47, v46;
	v25 =	vld [tilespmem:s29+$0x5420];
	[tilespmem:s29+$0x4850] =	vst v31  }
0x127: {  	v34 =	vadd.f32 v49, v48;
	v35 =	vld [tilespmem:s29+$0xD420];
	[tilespmem:s29+$0x4860] =	vst v32  }
0x128: {  	v38 =	vadd.f32 v53, v52;
	v39 =	vld [tilespmem:s29+$0xD430];
	[tilespmem:s29+$0x4870] =	vst v33  }
0x129: {  	v40 =	vadd.f32 v55, v54;
	v41 =	vld [tilespmem:s29+$0x5440];
	[tilespmem:s29+$0x4C00] =	vst v34  }
0x12a: {  	v42 =	vadd.f32 v57, v56;
	v43 =	vld [tilespmem:s29+$0xD440];
	[tilespmem:s29+$0x4C20] =	vst v38  }
0x12b: {  	v44 =	vadd.f32 v59, v58;
	v45 =	vld [tilespmem:s29+$0x5450];
	[tilespmem:s29+$0x4C30] =	vst v40  }
0x12c: {  	v47 =	vld [tilespmem:s29+$0xD450];
	[tilespmem:s29+$0x4C40] =	vst v42;
	v46 =	vadd.f32 v1, v60  }
0x12d: {  	v49 =	vld [tilespmem:s29+$0x5460];
	[tilespmem:s29+$0x4C50] =	vst v44;
	v48 =	vadd.f32 v4, v3  }
0x12e: {  	v53 =	vld [tilespmem:s29+$0x5470];
	v50 =	vadd.f32 v6, v5;
	[tilespmem:s29+$0x4C60] =	vst v46  }
0x12f: {  	v55 =	vld [tilespmem:s29+$0xD470];
	v52 =	vadd.f32 v8, v7;
	[tilespmem:s29+$0x4C70] =	vst v48  }
0x130: {  	v57 =	vld [tilespmem:s29+$0x5800];
	[tilespmem:s29+$0x5000] =	vst v50;
	v54 =	vadd.f32 v10, v9  }
0x131: {  	v59 =	vld [tilespmem:s29+$0xD800];
	[tilespmem:s29+$0x5010] =	vst v52;
	v56 =	vadd.f32 v12, v11  }
0x132: {  	v36 =	vld [tilespmem:s29+$0xD830];
	v58 =	vadd.f32 v14, v13;
	[tilespmem:s29+$0x5020] =	vst v54  }
0x133: {  	v63 =	vld [tilespmem:s29+$0xD060];
	v60 =	vadd.f32 v16, v15;
	[tilespmem:s29+$0x5030] =	vst v56  }
0x134: {  	v61 =	vld [tilespmem:s29+$0x5810];
	v19 =	vadd.f32 v20, v19;
	[tilespmem:s29+$0x5040] =	vst v58  }
0x135: {  	v32 =	vld [tilespmem:s29+$0xD820];
	v22 =	vadd.f32 v22, v21;
	[tilespmem:s29+$0x5050] =	vst v60  }
0x136: {  	v34 =	vld [tilespmem:s29+$0x5830];
	v33 =	vadd.f32 v24, v23;
	[tilespmem:s29+$0x5070] =	vst v19  }
0x137: {  	v38 =	vld [tilespmem:s29+$0x5840];
	v35 =	vadd.f32 v35, v25;
	[tilespmem:s29+$0x5400] =	vst v22  }
0x138: {  	v40 =	vld [tilespmem:s29+$0x5850];
	v37 =	vadd.f32 v39, v37;
	[tilespmem:s29+$0x5410] =	vst v33  }
0x139: {  	v20 =	vld [tilespmem:s29+$0x5820];
	v39 =	vadd.f32 v43, v41;
	[tilespmem:s29+$0x5420] =	vst v35  }
0x13a: {  	v1 =	vadd.f32 v47, v45;
	v41 =	vld [tilespmem:s29+$0xD850];
	[tilespmem:s29+$0x5430] =	vst v37  }
0x13b: {  	v42 =	vadd.f32 v51, v49;
	v43 =	vld [tilespmem:s29+$0x5860];
	[tilespmem:s29+$0x5440] =	vst v39  }
0x13c: {  	v44 =	vadd.f32 v55, v53;
	v45 =	vld [tilespmem:s29+$0xD860];
	[tilespmem:s29+$0x5450] =	vst v1  }
0x13d: {  	v46 =	vadd.f32 v59, v57;
	v47 =	vld [tilespmem:s29+$0x5870];
	[tilespmem:s29+$0x5460] =	vst v42  }
0x13e: {  	v49 =	vld [tilespmem:s29+$0xD870];
	v62 =	vadd.f32 v63, v17;
	[tilespmem:s29+$0x5470] =	vst v44  }
0x13f: {  	v63 =	vld [tilespmem:s29+$0xD810];
	[tilespmem:s29+$0x5800] =	vst v46;
	v52 =	vadd.f32 v36, v34  }
0x140: {  	v51 =	vld [tilespmem:s29+$0xD840];
	[tilespmem:s29+$0x5060] =	vst v62;
	v50 =	vadd.f32 v32, v20  }
0x141: {  	[tilespmem:s29+$0x5830] =	vst v52;
	v53 =	vadd.f32 v41, v40  }
0x142: {  	v54 =	vadd.f32 v45, v43;
	[tilespmem:s29+$0x5820] =	vst v50  }
0x143: {  	s31 =	sand.u32 $0x7, s24;
	v55 =	vadd.f32 v49, v47;
	[tilespmem:s29+$0x5850] =	vst v53  }
0x144: {  	s2 =	sshll.u32 s31, $0x7;
	v48 =	vadd.f32 v63, v61;
	[tilespmem:s29+$0x5860] =	vst v54  }
0x145: {  	s2 =	sadd.s32 s2, s26;
	v56 =	vadd.f32 v51, v38;
	[tilespmem:s29+$0x5870] =	vst v55  }
0x146: {  	s30 =	sor.u32 $0x1C00, s2;
	[tilespmem:s29+$0x5810] =	vst v48  }
0x147: {  	[tilespmem:s29+$0x5840] =	vst v56;
	v0 =	vld [tilespmem:s30+$0x4000]  }
0x148: {  	v1 =	vld [tilespmem:s30+$0xC000];
	_ =	sdelay $0x4  }
0x149: {  	v0 =	vadd.f32 v1, v0;
	_ =	sdelay $0x1  }
0x14a: {  	[tilespmem:s30+$0x4000] =	vst v0;
	s30 =	sor.u32 $0x1C10, s2  }
0x14b: {  	v0 =	vld [tilespmem:s30+$0x4000]  }
0x14c: {  	v57 =	vld [tilespmem:s30+$0xC000];
	_ =	sdelay $0x4  }
0x14d: {  	v0 =	vadd.f32 v57, v0;
	_ =	sdelay $0x1  }
0x14e: {  	s31 =	sor.u32 $0x1C20, s2;
	[tilespmem:s30+$0x4000] =	vst v0  }
0x14f: {  	v0 =	vld [tilespmem:s31+$0x4000]  }
0x150: {  	v58 =	vld [tilespmem:s31+$0xC000];
	_ =	sdelay $0x4  }
0x151: {  	v0 =	vadd.f32 v58, v0;
	_ =	sdelay $0x1  }
0x152: {  	s30 =	sor.u32 $0x1C30, s2;
	[tilespmem:s31+$0x4000] =	vst v0  }
0x153: {  	v0 =	vld [tilespmem:s30+$0x4000]  }
0x154: {  	v59 =	vld [tilespmem:s30+$0xC000];
	_ =	sdelay $0x4  }
0x155: {  	v0 =	vadd.f32 v59, v0;
	_ =	sdelay $0x1  }
0x156: {  	s31 =	sor.u32 $0x1C40, s2;
	[tilespmem:s30+$0x4000] =	vst v0  }
0x157: {  	v0 =	vld [tilespmem:s31+$0x4000]  }
0x158: {  	v60 =	vld [tilespmem:s31+$0xC000];
	_ =	sdelay $0x4  }
0x159: {  	v0 =	vadd.f32 v60, v0;
	_ =	sdelay $0x1  }
0x15a: {  	s30 =	sor.u32 $0x1C50, s2;
	[tilespmem:s31+$0x4000] =	vst v0  }
0x15b: {  	v0 =	vld [tilespmem:s30+$0x4000]  }
0x15c: {  	v61 =	vld [tilespmem:s30+$0xC000];
	_ =	sdelay $0x4  }
0x15d: {  	v0 =	vadd.f32 v61, v0;
	_ =	sdelay $0x1  }
0x15e: {  	s31 =	sor.u32 $0x1C60, s2;
	[tilespmem:s30+$0x4000] =	vst v0  }
0x15f: {  	v0 =	vld [tilespmem:s31+$0x4000]  }
0x160: {  	v62 =	vld [tilespmem:s31+$0xC000];
	_ =	sdelay $0x4  }
0x161: {  	v0 =	vadd.f32 v62, v0;
	_ =	sdelay $0x1  }
0x162: {  	s2 =	sor.u32 $0x1C70, s2;
	[tilespmem:s31+$0x4000] =	vst v0  }
0x163: {  	v0 =	vld [tilespmem:s2+$0x4000]  }
0x164: {  	v63 =	vld [tilespmem:s2+$0xC000];
	_ =	sdelay $0x1  }
0x165: {  	p0 =	sne.s32 s28, $0x780  }
.Ltmp1:
0x166: {  	_ = 	snop;
	(pc) =	sbr.rel @p0 .LBB2_5-.Ltmp1, $4  }
0x167: {  	_ = 	snop  }
0x168: {  	v0 =	vadd.f32 v63, v0  }
0x169: {  	s24 =	sadd.s32 $0x1, s24  }
0x16a: {  	s25 =	sadd.s32 $0x400, s25;
	s28 =	sadd.s32 $0x80, s28;
	s26 =	sadd.s32 $0x400, s26;
	[tilespmem:s2+$0x4000] =	vst v0  }
0x16b: {  	s22 =	sadd.s32 $0x1, s22  }
0x16c: {  	p0 =	sne.s32 s22, $0xB  }
.Ltmp2:
0x16d: {  	_ = 	snop;
	(pc) =	sbr.rel @p0 .LBB2_2-.Ltmp2, $4  }
0x16e: {  	s2 =	sadd.s32 s7, s23  }
0x16f: {  	s2 =	sshrl.u32 s2, $0x3  }
0x170: {  	s2 =	sadd.s32 s6, s2  }
0x171: {  	[hbm4b:s2+s4] =	stream.linear.scatter [tilespmem:s16], [sflag:$0x4], $0x4000, $0x38;
	[tilespmem:$0x10000] =	vst v63  }
0x172: {  	s21 =	sadd.s32 $0x1, s21  }
0x173: {  	_ =	swait.ge [sflag:s19], $0x4000;
	p0 =	sne.s32 s21, s13  }
.Ltmp3:
0x174: {  	[sflag:s19] =	ssyncset.done $0x0;
	(pc) =	sbr.rel @p0 .LBB2_1-.Ltmp3, $4  }
0x175: {  	[sflag:s19] =	ssyncadd.s32 $0xFFFFC000  }
0x176: {  	_ =	swait.ge [sflag:s20], $0x4000  }
0x177: {  	[sflag:s20] =	ssyncset.done $0x0  }
0x178: {  	[sflag:s20] =	ssyncadd.s32 $0xFFFFC000  }
0x179: {  	_ =	sfence.sel $0x180000  }
0x17a: {  	[bflag:$0x0] =	sbarrier.arrive $0xFFFF  }
0x17b: {  	_ =	strace $0x90000047  }
0x17c: {  	[bflag:$0x2] =	sbarrier.arrive $0xFFFF  }
0x17d: {  	p0 =	sne.s32 s0, $0x0;
	s0 =	rddreg [dreg:$0x3]  }
0x17e: {  	s0 =	sadd.s32 @!p0 $0x100000, s0  }
0x17f: {  	[sflag:s0] =	ssyncadd.tile.s32 @!p0 $0x1;
	_ =	shalt  }
.Lfunc_end2:
_tile_overlayer_lowered:
.L_overlay_start_2:
0x180: {  	(tag) =	ssettag $0x2  }
0x181: {  	s0 =	rddreg [dreg:$0x0];
	s2 =	stileid.u32  }
0x182: {  	s1 =	rddreg [dreg:$0x1];
	p0 =	sne.s32 s2, $0x0  }
0x183: {  	s3 =	rddreg [dreg:$0x2];
	[bflag:$0x3] =	sbarrier.arrive $0xFFFF;
	s2 =	simm.s32 @!p0 $0x1C05  }
0x184: {  	[timem:s3], [sflag:s2] =	dma.local @!p0 [hbm:s0], s1  }
0x185: {  	s0 =	simm.s32 @!p0 $0x5  }
0x186: {  	_ =	swait.ge @!p0 [sflag:s0], s1  }
0x187: {  	s1 =	ssub.s32 @!p0 $0x0, s1;
	[sflag:s0] =	ssyncset.done @!p0 $0x0  }
0x188: {  	[sflag:s0] =	ssyncadd.s32 @!p0 s1  }
0x189: {  	[bflag:$0x3] =	sbarrier.arrive $0xFFFF  }
0x18a: {  	_ =	shalt  }

</sc_bundles>
